<compile_context>
chip_gen: v7x
topology: tpu7x:2x2x1
jax: 0.10.2.dev20260603
libtpu: 0.0.44.dev20260713+nightly
codegen_flags: <defaults>
</compile_context>

<pallas_src>
import functools

import jax
import jax.numpy as jnp
from jax import lax
from jax.experimental import pallas as pl
from jax.experimental.pallas import tpu as pltpu
from jax.experimental.pallas import tpu_sc as plsc

_LN2 = 0.6931471805599453


def _matmul_kernel(x_ref, w_ref, logits_ref):
    logits_ref[...] = jax.lax.dot_general(
        x_ref[...], w_ref[...], (((1,), (0,)), ((), ())),
        preferred_element_type=jnp.float32)


def _ln(x):
    bits = plsc.bitcast(x, jnp.int32)
    e = ((bits >> 23) & 0xFF) - 127
    m = plsc.bitcast((bits & 0x007FFFFF) | 0x3F800000, jnp.float32)
    s = (m - 1.0) / (m + 1.0)
    s2 = s * s
    lnm = 2.0 * s * (1.0 + s2 * (1.0 / 3.0 + s2 * (1.0 / 5.0 + s2 / 7.0)))
    return e.astype(jnp.float32) * _LN2 + lnm


def _route_body(logits_hbm, ael_hbm, gid_hbm, ew_hbm, ls_hbm, es_hbm,
                buf, aelb, gidb, ewb, lacc, esb, *, TW, G, E):
    NE = G * E
    C = NE + G
    wid = lax.axis_index("s") * 2 + lax.axis_index("c")
    base = wid * TW
    pltpu.sync_copy(logits_hbm.at[pl.ds(base * C, TW * C)], buf)
    zero16 = jnp.zeros((16,), jnp.float32)
    for j in range(NE):
        lacc[pl.ds(j * 16, 16)] = zero16

    iota = lax.iota(jnp.int32, 16)

    def chunk(ch, carry):
        entacc, zacc = carry
        rows = ch * 16 + iota
        rbase = rows * C
        g = jnp.zeros((16,), jnp.int32)
        gm = plsc.load_gather(buf, [rbase + NE])
        for k in range(1, G):
            vk = plsc.load_gather(buf, [rbase + (NE + k)])
            take = vk > gm
            g = jnp.where(take, k, g)
            gm = jnp.where(take, vk, gm)
        gcol = rbase + g * E
        vals = [plsc.load_gather(buf, [gcol + e]) for e in range(E)]
        lid = jnp.zeros((16,), jnp.int32)
        vm = vals[0]
        for e in range(1, E):
            take = vals[e] > vm
            lid = jnp.where(take, e, lid)
            vm = jnp.where(take, vals[e], vm)
        gid = g * E + lid
        egs = [jnp.exp(v - vm) for v in vals]
        ssum = egs[0]
        for e in range(1, E):
            ssum = ssum + egs[e]
        ew = 1.0 / ssum
        m2 = jnp.maximum(vm, 0.0)
        t = jnp.exp(jnp.minimum(vm, 0.0))
        z = jnp.exp(-m2)
        denom = ssum * t + (NE - E) * z
        wsum = egs[0] * (vals[0] - m2)
        for e in range(1, E):
            wsum = wsum + egs[e] * (vals[e] - m2)
        wsum = t * wsum + (NE - E) * z * (-m2)
        ent = _ln(denom) - wsum / denom
        inv = 1.0 / denom
        tid = t * inv
        zid = z * inv
        lrow = (g * E) * 16 + iota
        for e in range(E):
            plsc.addupdate_scatter(lacc, [lrow + e * 16], egs[e] * tid - zid)
        plsc.store_scatter(gidb, [rows], gid)
        plsc.store_scatter(ewb, [rows], ew)
        abase = rows * NE
        for j in range(NE):
            v = jnp.where(g == (j // E), vals[j % E], 0.0)
            plsc.store_scatter(aelb, [abase + j], v)
        return entacc + ent, zacc + zid

    entacc, zacc = lax.fori_loop(0, TW // 16, chunk, (zero16, zero16))
    esb[pl.ds(0, 16)] = entacc
    esb[pl.ds(16, 16)] = zacc
    pltpu.sync_copy(aelb, ael_hbm.at[pl.ds(base * NE, TW * NE)])
    pltpu.sync_copy(gidb, gid_hbm.at[pl.ds(base, TW)])
    pltpu.sync_copy(ewb, ew_hbm.at[pl.ds(base, TW)])
    pltpu.sync_copy(lacc, ls_hbm.at[wid])
    pltpu.sync_copy(esb, es_hbm.at[wid])


def _finalize_kernel(ls_ref, es_ref, var_ref, ent_ref, *, B, NE):
    colsum = jnp.sum(ls_ref[...], axis=(0, 2))
    zsum = jnp.sum(es_ref[:, 1, :])
    load = (colsum + zsum) / B
    mu = jnp.mean(load)
    var_ref[...] = (jnp.sum((load - mu) ** 2) / (NE - 1)).reshape(1, 1)
    ent_ref[...] = (jnp.sum(es_ref[:, 0, :]) / B).reshape(1, 1)


def kernel(hidden_states, Wg, We):
    B, H = hidden_states.shape
    G, E, _ = We.shape
    NE = G * E
    C = NE + G
    W = jnp.concatenate([We.reshape(NE, H), Wg], axis=0).T

    TB = 1024
    logits = pl.pallas_call(
        _matmul_kernel,
        grid=(B // TB,),
        in_specs=[
            pl.BlockSpec((TB, H), lambda i: (i, 0)),
            pl.BlockSpec((H, C), lambda i: (0, 0)),
        ],
        out_specs=pl.BlockSpec((TB, C), lambda i: (i, 0)),
        out_shape=jax.ShapeDtypeStruct((B, C), jnp.float32),
    )(hidden_states, W)

    NW = 32
    TW = B // NW
    mesh = plsc.VectorSubcoreMesh(core_axis_name="c", subcore_axis_name="s")
    route = functools.partial(
        pl.kernel,
        out_type=[
            jax.ShapeDtypeStruct((B * NE,), jnp.float32),
            jax.ShapeDtypeStruct((B,), jnp.int32),
            jax.ShapeDtypeStruct((B,), jnp.float32),
            jax.ShapeDtypeStruct((NW, NE * 16), jnp.float32),
            jax.ShapeDtypeStruct((NW, 32), jnp.float32),
        ],
        mesh=mesh,
        compiler_params=pltpu.CompilerParams(needs_layout_passes=False),
        scratch_types=[
            pltpu.VMEM((TW * C,), jnp.float32),
            pltpu.VMEM((TW * NE,), jnp.float32),
            pltpu.VMEM((TW,), jnp.int32),
            pltpu.VMEM((TW,), jnp.float32),
            pltpu.VMEM((NE * 16,), jnp.float32),
            pltpu.VMEM((32,), jnp.float32),
        ],
    )(functools.partial(_route_body, TW=TW, G=G, E=E))
    ael, gid, ew, ls, es = route(logits.reshape(B * C))

    var, ent = pl.pallas_call(
        functools.partial(_finalize_kernel, B=B, NE=NE),
        in_specs=[
            pl.BlockSpec((NW, NE, 16), lambda: (0, 0, 0)),
            pl.BlockSpec((NW, 2, 16), lambda: (0, 0, 0)),
        ],
        out_specs=(
            pl.BlockSpec((1, 1), lambda: (0, 0)),
            pl.BlockSpec((1, 1), lambda: (0, 0)),
        ),
        out_shape=(
            jax.ShapeDtypeStruct((1, 1), jnp.float32),
            jax.ShapeDtypeStruct((1, 1), jnp.float32),
        ),
    )(ls.reshape(NW, NE, 16), es.reshape(NW, 2, 16))
    return (ael.reshape(B, NE), gid[:, None], ew[:, None],
            var.reshape(()), ent.reshape(()))

# --- scband reference (transcript-rebuilt; emitter-appended) ---
"""Pipeline reference for scband-hierarchical-router-83897891160583 (READ-ONLY COPY).

The authoritative reference and input builder live on the scoring server;
editing this copy changes nothing except your own understanding.
"""

import jax, jax.numpy as jnp
import numpy as np

TOKENS = 8192
HIDDEN = 2048
NUM_GROUPS = 4
EPG = 16
NUM_EXPERTS = 64


def setup_inputs(seed: int = 0) -> dict:
    key = jax.random.key(seed)
    k1, k2, k3 = jax.random.split(key, 3)
    hidden_states = jax.random.normal(k1, (TOKENS, HIDDEN), dtype=jnp.float32)
    # group_router.weight: [num_groups, hidden_size], init std=0.02
    Wg = jax.random.normal(k2, (NUM_GROUPS, HIDDEN), dtype=jnp.float32) * 0.02
    # stacked expert_routers[g].weight: [num_groups, experts_per_group, hidden_size]
    We = jax.random.normal(k3, (NUM_GROUPS, EPG, HIDDEN), dtype=jnp.float32) * 0.02
    return {"hidden_states": hidden_states, "Wg": Wg, "We": We}


def reference(hidden_states, Wg, We):
    B = hidden_states.shape[0]
    # level 1: route to groups
    group_logits = hidden_states @ Wg.T                      # [B, G]
    group_probs = jax.nn.softmax(group_logits, axis=-1)
    selected_groups = jnp.argmax(group_probs, axis=-1)       # [B] int
    # level 2: per-token expert router of the selected group (vectorized gather of weights)
    sel_W = jnp.take(We, selected_groups, axis=0)            # [B, EPG, H]
    expert_logits = jnp.einsum('beh,bh->be', sel_W, hidden_states)  # [B, EPG]
    expert_probs = jax.nn.softmax(expert_logits, axis=-1)
    local_expert_idx = jnp.argmax(expert_probs, axis=-1)     # [B]
    global_expert_idx = selected_groups * EPG + local_expert_idx
    expert_weights = jnp.take_along_axis(expert_probs, local_expert_idx[:, None], axis=-1)[:, 0]
    # scatter local expert logits into the global [B, num_experts] tensor (rest stays zero)
    col_idx = selected_groups[:, None] * EPG + jnp.arange(EPG)[None, :]  # [B, EPG]
    row_idx = jnp.arange(B)[:, None]
    all_expert_logits = jnp.zeros((B, NUM_EXPERTS), dtype=hidden_states.dtype)
    all_expert_logits = all_expert_logits.at[row_idx, col_idx].set(expert_logits)
    # routing stats
    probs = jax.nn.softmax(all_expert_logits, axis=-1)
    expert_load = probs.mean(axis=0)
    load_variance = jnp.var(expert_load, ddof=1)             # torch .var() is unbiased
    entropy = (-(probs * jnp.log(probs + 1e-08)).sum(axis=-1)).mean()
    return (all_expert_logits,
            global_expert_idx[:, None],
            expert_weights[:, None],
            load_variance,
            entropy)

if __name__ == "__main__":
    import jax
    _d = setup_inputs()
    print(jax.jit(kernel)(*tuple(_d.values())))

</pallas_src>

<mosaic_0001>
#map = affine_map<(d0, d1) -> (0)>
#map1 = affine_map<(d0, d1) -> (0, 0)>
module attributes {stable_mosaic.version = 14 : i64} {
  func.func @_route_body(%arg0: i32, %arg1: i32, %arg2: memref<557056xf32, #tpu.memory_space<hbm>>, %arg3: memref<524288xf32, #tpu.memory_space<hbm>>, %arg4: memref<8192xi32, #tpu.memory_space<hbm>>, %arg5: memref<8192xf32, #tpu.memory_space<hbm>>, %arg6: memref<32x1024xf32, #tpu.memory_space<hbm>>, %arg7: memref<32x32xf32, #tpu.memory_space<hbm>>, %arg8: memref<17408xf32, #tpu.memory_space<vmem>>, %arg9: memref<16384xf32, #tpu.memory_space<vmem>>, %arg10: memref<256xi32, #tpu.memory_space<vmem>>, %arg11: memref<256xf32, #tpu.memory_space<vmem>>, %arg12: memref<1024xf32, #tpu.memory_space<vmem>>, %arg13: memref<32xf32, #tpu.memory_space<vmem>>) attributes {dimension_semantics = [#tpu.dimension_semantics<core_parallel>, #tpu.dimension_semantics<subcore_parallel>], iteration_bounds = array<i64: 2, 16>, scalar_prefetch = 0 : i64, scratch_operands = 6 : i64, tpu.core_type = #tpu.core_type<sc_vector_subcore>, window_params = [{transform_indices = #map}, {transform_indices = #map}, {transform_indices = #map}, {transform_indices = #map}, {transform_indices = #map1}, {transform_indices = #map1}]} {
    %mul3A = arith.constant 2 : i32
    %mul3A_0 = arith.muli %arg1, %mul3A : i32
    %add3A = arith.addi %mul3A_0, %arg0 : i32
    %mul3A_1 = arith.constant 256 : i32
    %mul3A_2 = arith.muli %add3A, %mul3A_1 : i32
    %mul3A_3 = arith.constant 68 : i32
    %mul3A_4 = arith.muli %mul3A_2, %mul3A_3 : i32
    "tpu.region"() ({
      %run_scoped3A = tpu.sem_alloc : memref<!tpu.dma_semaphore, #tpu.memory_space<semaphore_mem>>
      %dma_start3A = tpu.memref_slice %arg2[%mul3A_4] : memref<557056xf32, #tpu.memory_space<hbm>> -> memref<17408xf32, #tpu.memory_space<hbm>>
      %dma_start3A_144 = tpu.memref_slice %arg2[%mul3A_4] : memref<557056xf32, #tpu.memory_space<hbm>> -> memref<17408xf32, #tpu.memory_space<hbm>>
      tpu.enqueue_dma source(%dma_start3A_144 : memref<17408xf32, #tpu.memory_space<hbm>>) target(%arg8 : memref<17408xf32, #tpu.memory_space<vmem>>) target_semaphore(%run_scoped3A : memref<!tpu.dma_semaphore, #tpu.memory_space<semaphore_mem>>)
      %dma_wait3A = tpu.memref_slice %arg2[%mul3A_4] : memref<557056xf32, #tpu.memory_space<hbm>> -> memref<17408xf32, #tpu.memory_space<hbm>>
      %dma_wait3A_145 = tpu.memref_slice %arg2[%mul3A_4] : memref<557056xf32, #tpu.memory_space<hbm>> -> memref<17408xf32, #tpu.memory_space<hbm>>
      tpu.wait_dma2 semaphore(%run_scoped3A : memref<!tpu.dma_semaphore, #tpu.memory_space<semaphore_mem>>) src(%dma_wait3A_145 : memref<17408xf32, #tpu.memory_space<hbm>>) dst(%arg8 : memref<17408xf32, #tpu.memory_space<vmem>>)
      tpu.yield
    }) : () -> ()
    %broadcast_in_dim3A = arith.constant 0.000000e+00 : f32
    %broadcast_in_dim3A_5 = vector.broadcast %broadcast_in_dim3A : f32 to vector<16xf32>
    %swap3A = arith.constant 0 : index
    %swap3A_6 = tpu.vector_load %arg12[%swap3A] {strides = array<i32>} : memref<1024xf32, #tpu.memory_space<vmem>>, vector<16xf32>,
    tpu.vector_store %arg12[%swap3A], %broadcast_in_dim3A_5 {strides = array<i32>} : memref<1024xf32, #tpu.memory_space<vmem>>, vector<16xf32>,
    %swap3A_7 = arith.constant 16 : index
    %swap3A_8 = tpu.vector_load %arg12[%swap3A_7] {strides = array<i32>} : memref<1024xf32, #tpu.memory_space<vmem>>, vector<16xf32>,
    tpu.vector_store %arg12[%swap3A_7], %broadcast_in_dim3A_5 {strides = array<i32>} : memref<1024xf32, #tpu.memory_space<vmem>>, vector<16xf32>,
    %swap3A_9 = arith.constant 32 : index
    %swap3A_10 = tpu.vector_load %arg12[%swap3A_9] {strides = array<i32>} : memref<1024xf32, #tpu.memory_space<vmem>>, vector<16xf32>,
    tpu.vector_store %arg12[%swap3A_9], %broadcast_in_dim3A_5 {strides = array<i32>} : memref<1024xf32, #tpu.memory_space<vmem>>, vector<16xf32>,
    %swap3A_11 = arith.constant 48 : index
    %swap3A_12 = tpu.vector_load %arg12[%swap3A_11] {strides = array<i32>} : memref<1024xf32, #tpu.memory_space<vmem>>, vector<16xf32>,
    tpu.vector_store %arg12[%swap3A_11], %broadcast_in_dim3A_5 {strides = array<i32>} : memref<1024xf32, #tpu.memory_space<vmem>>, vector<16xf32>,
    %swap3A_13 = arith.constant 64 : index
    %swap3A_14 = tpu.vector_load %arg12[%swap3A_13] {strides = array<i32>} : memref<1024xf32, #tpu.memory_space<vmem>>, vector<16xf32>,
    tpu.vector_store %arg12[%swap3A_13], %broadcast_in_dim3A_5 {strides = array<i32>} : memref<1024xf32, #tpu.memory_space<vmem>>, vector<16xf32>,
    %swap3A_15 = arith.constant 80 : index
    %swap3A_16 = tpu.vector_load %arg12[%swap3A_15] {strides = array<i32>} : memref<1024xf32, #tpu.memory_space<vmem>>, vector<16xf32>,
    tpu.vector_store %arg12[%swap3A_15], %broadcast_in_dim3A_5 {strides = array<i32>} : memref<1024xf32, #tpu.memory_space<vmem>>, vector<16xf32>,
    %swap3A_17 = arith.constant 96 : index
    %swap3A_18 = tpu.vector_load %arg12[%swap3A_17] {strides = array<i32>} : memref<1024xf32, #tpu.memory_space<vmem>>, vector<16xf32>,
    tpu.vector_store %arg12[%swap3A_17], %broadcast_in_dim3A_5 {strides = array<i32>} : memref<1024xf32, #tpu.memory_space<vmem>>, vector<16xf32>,
    %swap3A_19 = arith.constant 112 : index
    %swap3A_20 = tpu.vector_load %arg12[%swap3A_19] {strides = array<i32>} : memref<1024xf32, #tpu.memory_space<vmem>>, vector<16xf32>,
    tpu.vector_store %arg12[%swap3A_19], %broadcast_in_dim3A_5 {strides = array<i32>} : memref<1024xf32, #tpu.memory_space<vmem>>, vector<16xf32>,
    %swap3A_21 = arith.constant 128 : index
    %swap3A_22 = tpu.vector_load %arg12[%swap3A_21] {strides = array<i32>} : memref<1024xf32, #tpu.memory_space<vmem>>, vector<16xf32>,
    tpu.vector_store %arg12[%swap3A_21], %broadcast_in_dim3A_5 {strides = array<i32>} : memref<1024xf32, #tpu.memory_space<vmem>>, vector<16xf32>,
    %swap3A_23 = arith.constant 144 : index
    %swap3A_24 = tpu.vector_load %arg12[%swap3A_23] {strides = array<i32>} : memref<1024xf32, #tpu.memory_space<vmem>>, vector<16xf32>,
    tpu.vector_store %arg12[%swap3A_23], %broadcast_in_dim3A_5 {strides = array<i32>} : memref<1024xf32, #tpu.memory_space<vmem>>, vector<16xf32>,
    %swap3A_25 = arith.constant 160 : index
    %swap3A_26 = tpu.vector_load %arg12[%swap3A_25] {strides = array<i32>} : memref<1024xf32, #tpu.memory_space<vmem>>, vector<16xf32>,
    tpu.vector_store %arg12[%swap3A_25], %broadcast_in_dim3A_5 {strides = array<i32>} : memref<1024xf32, #tpu.memory_space<vmem>>, vector<16xf32>,
    %swap3A_27 = arith.constant 176 : index
    %swap3A_28 = tpu.vector_load %arg12[%swap3A_27] {strides = array<i32>} : memref<1024xf32, #tpu.memory_space<vmem>>, vector<16xf32>,
    tpu.vector_store %arg12[%swap3A_27], %broadcast_in_dim3A_5 {strides = array<i32>} : memref<1024xf32, #tpu.memory_space<vmem>>, vector<16xf32>,
    %swap3A_29 = arith.constant 192 : index
    %swap3A_30 = tpu.vector_load %arg12[%swap3A_29] {strides = array<i32>} : memref<1024xf32, #tpu.memory_space<vmem>>, vector<16xf32>,
    tpu.vector_store %arg12[%swap3A_29], %broadcast_in_dim3A_5 {strides = array<i32>} : memref<1024xf32, #tpu.memory_space<vmem>>, vector<16xf32>,
    %swap3A_31 = arith.constant 208 : index
    %swap3A_32 = tpu.vector_load %arg12[%swap3A_31] {strides = array<i32>} : memref<1024xf32, #tpu.memory_space<vmem>>, vector<16xf32>,
    tpu.vector_store %arg12[%swap3A_31], %broadcast_in_dim3A_5 {strides = array<i32>} : memref<1024xf32, #tpu.memory_space<vmem>>, vector<16xf32>,
    %swap3A_33 = arith.constant 224 : index
    %swap3A_34 = tpu.vector_load %arg12[%swap3A_33] {strides = array<i32>} : memref<1024xf32, #tpu.memory_space<vmem>>, vector<16xf32>,
    tpu.vector_store %arg12[%swap3A_33], %broadcast_in_dim3A_5 {strides = array<i32>} : memref<1024xf32, #tpu.memory_space<vmem>>, vector<16xf32>,
    %swap3A_35 = arith.constant 240 : index
    %swap3A_36 = tpu.vector_load %arg12[%swap3A_35] {strides = array<i32>} : memref<1024xf32, #tpu.memory_space<vmem>>, vector<16xf32>,
    tpu.vector_store %arg12[%swap3A_35], %broadcast_in_dim3A_5 {strides = array<i32>} : memref<1024xf32, #tpu.memory_space<vmem>>, vector<16xf32>,
    %swap3A_37 = arith.constant 256 : index
    %swap3A_38 = tpu.vector_load %arg12[%swap3A_37] {strides = array<i32>} : memref<1024xf32, #tpu.memory_space<vmem>>, vector<16xf32>,
    tpu.vector_store %arg12[%swap3A_37], %broadcast_in_dim3A_5 {strides = array<i32>} : memref<1024xf32, #tpu.memory_space<vmem>>, vector<16xf32>,
    %swap3A_39 = arith.constant 272 : index
    %swap3A_40 = tpu.vector_load %arg12[%swap3A_39] {strides = array<i32>} : memref<1024xf32, #tpu.memory_space<vmem>>, vector<16xf32>,
    tpu.vector_store %arg12[%swap3A_39], %broadcast_in_dim3A_5 {strides = array<i32>} : memref<1024xf32, #tpu.memory_space<vmem>>, vector<16xf32>,
    %swap3A_41 = arith.constant 288 : index
    %swap3A_42 = tpu.vector_load %arg12[%swap3A_41] {strides = array<i32>} : memref<1024xf32, #tpu.memory_space<vmem>>, vector<16xf32>,
    tpu.vector_store %arg12[%swap3A_41], %broadcast_in_dim3A_5 {strides = array<i32>} : memref<1024xf32, #tpu.memory_space<vmem>>, vector<16xf32>,
    %swap3A_43 = arith.constant 304 : index
    %swap3A_44 = tpu.vector_load %arg12[%swap3A_43] {strides = array<i32>} : memref<1024xf32, #tpu.memory_space<vmem>>, vector<16xf32>,
    tpu.vector_store %arg12[%swap3A_43], %broadcast_in_dim3A_5 {strides = array<i32>} : memref<1024xf32, #tpu.memory_space<vmem>>, vector<16xf32>,
    %swap3A_45 = arith.constant 320 : index
    %swap3A_46 = tpu.vector_load %arg12[%swap3A_45] {strides = array<i32>} : memref<1024xf32, #tpu.memory_space<vmem>>, vector<16xf32>,
    tpu.vector_store %arg12[%swap3A_45], %broadcast_in_dim3A_5 {strides = array<i32>} : memref<1024xf32, #tpu.memory_space<vmem>>, vector<16xf32>,
    %swap3A_47 = arith.constant 336 : index
    %swap3A_48 = tpu.vector_load %arg12[%swap3A_47] {strides = array<i32>} : memref<1024xf32, #tpu.memory_space<vmem>>, vector<16xf32>,
    tpu.vector_store %arg12[%swap3A_47], %broadcast_in_dim3A_5 {strides = array<i32>} : memref<1024xf32, #tpu.memory_space<vmem>>, vector<16xf32>,
    %swap3A_49 = arith.constant 352 : index
    %swap3A_50 = tpu.vector_load %arg12[%swap3A_49] {strides = array<i32>} : memref<1024xf32, #tpu.memory_space<vmem>>, vector<16xf32>,
    tpu.vector_store %arg12[%swap3A_49], %broadcast_in_dim3A_5 {strides = array<i32>} : memref<1024xf32, #tpu.memory_space<vmem>>, vector<16xf32>,
    %swap3A_51 = arith.constant 368 : index
    %swap3A_52 = tpu.vector_load %arg12[%swap3A_51] {strides = array<i32>} : memref<1024xf32, #tpu.memory_space<vmem>>, vector<16xf32>,
    tpu.vector_store %arg12[%swap3A_51], %broadcast_in_dim3A_5 {strides = array<i32>} : memref<1024xf32, #tpu.memory_space<vmem>>, vector<16xf32>,
    %swap3A_53 = arith.constant 384 : index
    %swap3A_54 = tpu.vector_load %arg12[%swap3A_53] {strides = array<i32>} : memref<1024xf32, #tpu.memory_space<vmem>>, vector<16xf32>,
    tpu.vector_store %arg12[%swap3A_53], %broadcast_in_dim3A_5 {strides = array<i32>} : memref<1024xf32, #tpu.memory_space<vmem>>, vector<16xf32>,
    %swap3A_55 = arith.constant 400 : index
    %swap3A_56 = tpu.vector_load %arg12[%swap3A_55] {strides = array<i32>} : memref<1024xf32, #tpu.memory_space<vmem>>, vector<16xf32>,
    tpu.vector_store %arg12[%swap3A_55], %broadcast_in_dim3A_5 {strides = array<i32>} : memref<1024xf32, #tpu.memory_space<vmem>>, vector<16xf32>,
    %swap3A_57 = arith.constant 416 : index
    %swap3A_58 = tpu.vector_load %arg12[%swap3A_57] {strides = array<i32>} : memref<1024xf32, #tpu.memory_space<vmem>>, vector<16xf32>,
    tpu.vector_store %arg12[%swap3A_57], %broadcast_in_dim3A_5 {strides = array<i32>} : memref<1024xf32, #tpu.memory_space<vmem>>, vector<16xf32>,
    %swap3A_59 = arith.constant 432 : index
    %swap3A_60 = tpu.vector_load %arg12[%swap3A_59] {strides = array<i32>} : memref<1024xf32, #tpu.memory_space<vmem>>, vector<16xf32>,
    tpu.vector_store %arg12[%swap3A_59], %broadcast_in_dim3A_5 {strides = array<i32>} : memref<1024xf32, #tpu.memory_space<vmem>>, vector<16xf32>,
    %swap3A_61 = arith.constant 448 : index
    %swap3A_62 = tpu.vector_load %arg12[%swap3A_61] {strides = array<i32>} : memref<1024xf32, #tpu.memory_space<vmem>>, vector<16xf32>,
    tpu.vector_store %arg12[%swap3A_61], %broadcast_in_dim3A_5 {strides = array<i32>} : memref<1024xf32, #tpu.memory_space<vmem>>, vector<16xf32>,
    %swap3A_63 = arith.constant 464 : index
    %swap3A_64 = tpu.vector_load %arg12[%swap3A_63] {strides = array<i32>} : memref<1024xf32, #tpu.memory_space<vmem>>, vector<16xf32>,
    tpu.vector_store %arg12[%swap3A_63], %broadcast_in_dim3A_5 {strides = array<i32>} : memref<1024xf32, #tpu.memory_space<vmem>>, vector<16xf32>,
    %swap3A_65 = arith.constant 480 : index
    %swap3A_66 = tpu.vector_load %arg12[%swap3A_65] {strides = array<i32>} : memref<1024xf32, #tpu.memory_space<vmem>>, vector<16xf32>,
    tpu.vector_store %arg12[%swap3A_65], %broadcast_in_dim3A_5 {strides = array<i32>} : memref<1024xf32, #tpu.memory_space<vmem>>, vector<16xf32>,
    %swap3A_67 = arith.constant 496 : index
    %swap3A_68 = tpu.vector_load %arg12[%swap3A_67] {strides = array<i32>} : memref<1024xf32, #tpu.memory_space<vmem>>, vector<16xf32>,
    tpu.vector_store %arg12[%swap3A_67], %broadcast_in_dim3A_5 {strides = array<i32>} : memref<1024xf32, #tpu.memory_space<vmem>>, vector<16xf32>,
    %swap3A_69 = arith.constant 512 : index
    %swap3A_70 = tpu.vector_load %arg12[%swap3A_69] {strides = array<i32>} : memref<1024xf32, #tpu.memory_space<vmem>>, vector<16xf32>,
    tpu.vector_store %arg12[%swap3A_69], %broadcast_in_dim3A_5 {strides = array<i32>} : memref<1024xf32, #tpu.memory_space<vmem>>, vector<16xf32>,
    %swap3A_71 = arith.constant 528 : index
    %swap3A_72 = tpu.vector_load %arg12[%swap3A_71] {strides = array<i32>} : memref<1024xf32, #tpu.memory_space<vmem>>, vector<16xf32>,
    tpu.vector_store %arg12[%swap3A_71], %broadcast_in_dim3A_5 {strides = array<i32>} : memref<1024xf32, #tpu.memory_space<vmem>>, vector<16xf32>,
    %swap3A_73 = arith.constant 544 : index
    %swap3A_74 = tpu.vector_load %arg12[%swap3A_73] {strides = array<i32>} : memref<1024xf32, #tpu.memory_space<vmem>>, vector<16xf32>,
    tpu.vector_store %arg12[%swap3A_73], %broadcast_in_dim3A_5 {strides = array<i32>} : memref<1024xf32, #tpu.memory_space<vmem>>, vector<16xf32>,
    %swap3A_75 = arith.constant 560 : index
    %swap3A_76 = tpu.vector_load %arg12[%swap3A_75] {strides = array<i32>} : memref<1024xf32, #tpu.memory_space<vmem>>, vector<16xf32>,
    tpu.vector_store %arg12[%swap3A_75], %broadcast_in_dim3A_5 {strides = array<i32>} : memref<1024xf32, #tpu.memory_space<vmem>>, vector<16xf32>,
    %swap3A_77 = arith.constant 576 : index
    %swap3A_78 = tpu.vector_load %arg12[%swap3A_77] {strides = array<i32>} : memref<1024xf32, #tpu.memory_space<vmem>>, vector<16xf32>,
    tpu.vector_store %arg12[%swap3A_77], %broadcast_in_dim3A_5 {strides = array<i32>} : memref<1024xf32, #tpu.memory_space<vmem>>, vector<16xf32>,
    %swap3A_79 = arith.constant 592 : index
    %swap3A_80 = tpu.vector_load %arg12[%swap3A_79] {strides = array<i32>} : memref<1024xf32, #tpu.memory_space<vmem>>, vector<16xf32>,
    tpu.vector_store %arg12[%swap3A_79], %broadcast_in_dim3A_5 {strides = array<i32>} : memref<1024xf32, #tpu.memory_space<vmem>>, vector<16xf32>,
    %swap3A_81 = arith.constant 608 : index
    %swap3A_82 = tpu.vector_load %arg12[%swap3A_81] {strides = array<i32>} : memref<1024xf32, #tpu.memory_space<vmem>>, vector<16xf32>,
    tpu.vector_store %arg12[%swap3A_81], %broadcast_in_dim3A_5 {strides = array<i32>} : memref<1024xf32, #tpu.memory_space<vmem>>, vector<16xf32>,
    %swap3A_83 = arith.constant 624 : index
    %swap3A_84 = tpu.vector_load %arg12[%swap3A_83] {strides = array<i32>} : memref<1024xf32, #tpu.memory_space<vmem>>, vector<16xf32>,
    tpu.vector_store %arg12[%swap3A_83], %broadcast_in_dim3A_5 {strides = array<i32>} : memref<1024xf32, #tpu.memory_space<vmem>>, vector<16xf32>,
    %swap3A_85 = arith.constant 640 : index
    %swap3A_86 = tpu.vector_load %arg12[%swap3A_85] {strides = array<i32>} : memref<1024xf32, #tpu.memory_space<vmem>>, vector<16xf32>,
    tpu.vector_store %arg12[%swap3A_85], %broadcast_in_dim3A_5 {strides = array<i32>} : memref<1024xf32, #tpu.memory_space<vmem>>, vector<16xf32>,
    %swap3A_87 = arith.constant 656 : index
    %swap3A_88 = tpu.vector_load %arg12[%swap3A_87] {strides = array<i32>} : memref<1024xf32, #tpu.memory_space<vmem>>, vector<16xf32>,
    tpu.vector_store %arg12[%swap3A_87], %broadcast_in_dim3A_5 {strides = array<i32>} : memref<1024xf32, #tpu.memory_space<vmem>>, vector<16xf32>,
    %swap3A_89 = arith.constant 672 : index
    %swap3A_90 = tpu.vector_load %arg12[%swap3A_89] {strides = array<i32>} : memref<1024xf32, #tpu.memory_space<vmem>>, vector<16xf32>,
    tpu.vector_store %arg12[%swap3A_89], %broadcast_in_dim3A_5 {strides = array<i32>} : memref<1024xf32, #tpu.memory_space<vmem>>, vector<16xf32>,
    %swap3A_91 = arith.constant 688 : index
    %swap3A_92 = tpu.vector_load %arg12[%swap3A_91] {strides = array<i32>} : memref<1024xf32, #tpu.memory_space<vmem>>, vector<16xf32>,
    tpu.vector_store %arg12[%swap3A_91], %broadcast_in_dim3A_5 {strides = array<i32>} : memref<1024xf32, #tpu.memory_space<vmem>>, vector<16xf32>,
    %swap3A_93 = arith.constant 704 : index
    %swap3A_94 = tpu.vector_load %arg12[%swap3A_93] {strides = array<i32>} : memref<1024xf32, #tpu.memory_space<vmem>>, vector<16xf32>,
    tpu.vector_store %arg12[%swap3A_93], %broadcast_in_dim3A_5 {strides = array<i32>} : memref<1024xf32, #tpu.memory_space<vmem>>, vector<16xf32>,
    %swap3A_95 = arith.constant 720 : index
    %swap3A_96 = tpu.vector_load %arg12[%swap3A_95] {strides = array<i32>} : memref<1024xf32, #tpu.memory_space<vmem>>, vector<16xf32>,
    tpu.vector_store %arg12[%swap3A_95], %broadcast_in_dim3A_5 {strides = array<i32>} : memref<1024xf32, #tpu.memory_space<vmem>>, vector<16xf32>,
    %swap3A_97 = arith.constant 736 : index
    %swap3A_98 = tpu.vector_load %arg12[%swap3A_97] {strides = array<i32>} : memref<1024xf32, #tpu.memory_space<vmem>>, vector<16xf32>,
    tpu.vector_store %arg12[%swap3A_97], %broadcast_in_dim3A_5 {strides = array<i32>} : memref<1024xf32, #tpu.memory_space<vmem>>, vector<16xf32>,
    %swap3A_99 = arith.constant 752 : index
    %swap3A_100 = tpu.vector_load %arg12[%swap3A_99] {strides = array<i32>} : memref<1024xf32, #tpu.memory_space<vmem>>, vector<16xf32>,
    tpu.vector_store %arg12[%swap3A_99], %broadcast_in_dim3A_5 {strides = array<i32>} : memref<1024xf32, #tpu.memory_space<vmem>>, vector<16xf32>,
    %swap3A_101 = arith.constant 768 : index
    %swap3A_102 = tpu.vector_load %arg12[%swap3A_101] {strides = array<i32>} : memref<1024xf32, #tpu.memory_space<vmem>>, vector<16xf32>,
    tpu.vector_store %arg12[%swap3A_101], %broadcast_in_dim3A_5 {strides = array<i32>} : memref<1024xf32, #tpu.memory_space<vmem>>, vector<16xf32>,
    %swap3A_103 = arith.constant 784 : index
    %swap3A_104 = tpu.vector_load %arg12[%swap3A_103] {strides = array<i32>} : memref<1024xf32, #tpu.memory_space<vmem>>, vector<16xf32>,
    tpu.vector_store %arg12[%swap3A_103], %broadcast_in_dim3A_5 {strides = array<i32>} : memref<1024xf32, #tpu.memory_space<vmem>>, vector<16xf32>,
    %swap3A_105 = arith.constant 800 : index
    %swap3A_106 = tpu.vector_load %arg12[%swap3A_105] {strides = array<i32>} : memref<1024xf32, #tpu.memory_space<vmem>>, vector<16xf32>,
    tpu.vector_store %arg12[%swap3A_105], %broadcast_in_dim3A_5 {strides = array<i32>} : memref<1024xf32, #tpu.memory_space<vmem>>, vector<16xf32>,
    %swap3A_107 = arith.constant 816 : index
    %swap3A_108 = tpu.vector_load %arg12[%swap3A_107] {strides = array<i32>} : memref<1024xf32, #tpu.memory_space<vmem>>, vector<16xf32>,
    tpu.vector_store %arg12[%swap3A_107], %broadcast_in_dim3A_5 {strides = array<i32>} : memref<1024xf32, #tpu.memory_space<vmem>>, vector<16xf32>,
    %swap3A_109 = arith.constant 832 : index
    %swap3A_110 = tpu.vector_load %arg12[%swap3A_109] {strides = array<i32>} : memref<1024xf32, #tpu.memory_space<vmem>>, vector<16xf32>,
    tpu.vector_store %arg12[%swap3A_109], %broadcast_in_dim3A_5 {strides = array<i32>} : memref<1024xf32, #tpu.memory_space<vmem>>, vector<16xf32>,
    %swap3A_111 = arith.constant 848 : index
    %swap3A_112 = tpu.vector_load %arg12[%swap3A_111] {strides = array<i32>} : memref<1024xf32, #tpu.memory_space<vmem>>, vector<16xf32>,
    tpu.vector_store %arg12[%swap3A_111], %broadcast_in_dim3A_5 {strides = array<i32>} : memref<1024xf32, #tpu.memory_space<vmem>>, vector<16xf32>,
    %swap3A_113 = arith.constant 864 : index
    %swap3A_114 = tpu.vector_load %arg12[%swap3A_113] {strides = array<i32>} : memref<1024xf32, #tpu.memory_space<vmem>>, vector<16xf32>,
    tpu.vector_store %arg12[%swap3A_113], %broadcast_in_dim3A_5 {strides = array<i32>} : memref<1024xf32, #tpu.memory_space<vmem>>, vector<16xf32>,
    %swap3A_115 = arith.constant 880 : index
    %swap3A_116 = tpu.vector_load %arg12[%swap3A_115] {strides = array<i32>} : memref<1024xf32, #tpu.memory_space<vmem>>, vector<16xf32>,
    tpu.vector_store %arg12[%swap3A_115], %broadcast_in_dim3A_5 {strides = array<i32>} : memref<1024xf32, #tpu.memory_space<vmem>>, vector<16xf32>,
    %swap3A_117 = arith.constant 896 : index
    %swap3A_118 = tpu.vector_load %arg12[%swap3A_117] {strides = array<i32>} : memref<1024xf32, #tpu.memory_space<vmem>>, vector<16xf32>,
    tpu.vector_store %arg12[%swap3A_117], %broadcast_in_dim3A_5 {strides = array<i32>} : memref<1024xf32, #tpu.memory_space<vmem>>, vector<16xf32>,
    %swap3A_119 = arith.constant 912 : index
    %swap3A_120 = tpu.vector_load %arg12[%swap3A_119] {strides = array<i32>} : memref<1024xf32, #tpu.memory_space<vmem>>, vector<16xf32>,
    tpu.vector_store %arg12[%swap3A_119], %broadcast_in_dim3A_5 {strides = array<i32>} : memref<1024xf32, #tpu.memory_space<vmem>>, vector<16xf32>,
    %swap3A_121 = arith.constant 928 : index
    %swap3A_122 = tpu.vector_load %arg12[%swap3A_121] {strides = array<i32>} : memref<1024xf32, #tpu.memory_space<vmem>>, vector<16xf32>,
    tpu.vector_store %arg12[%swap3A_121], %broadcast_in_dim3A_5 {strides = array<i32>} : memref<1024xf32, #tpu.memory_space<vmem>>, vector<16xf32>,
    %swap3A_123 = arith.constant 944 : index
    %swap3A_124 = tpu.vector_load %arg12[%swap3A_123] {strides = array<i32>} : memref<1024xf32, #tpu.memory_space<vmem>>, vector<16xf32>,
    tpu.vector_store %arg12[%swap3A_123], %broadcast_in_dim3A_5 {strides = array<i32>} : memref<1024xf32, #tpu.memory_space<vmem>>, vector<16xf32>,
    %swap3A_125 = arith.constant 960 : index
    %swap3A_126 = tpu.vector_load %arg12[%swap3A_125] {strides = array<i32>} : memref<1024xf32, #tpu.memory_space<vmem>>, vector<16xf32>,
    tpu.vector_store %arg12[%swap3A_125], %broadcast_in_dim3A_5 {strides = array<i32>} : memref<1024xf32, #tpu.memory_space<vmem>>, vector<16xf32>,
    %swap3A_127 = arith.constant 976 : index
    %swap3A_128 = tpu.vector_load %arg12[%swap3A_127] {strides = array<i32>} : memref<1024xf32, #tpu.memory_space<vmem>>, vector<16xf32>,
    tpu.vector_store %arg12[%swap3A_127], %broadcast_in_dim3A_5 {strides = array<i32>} : memref<1024xf32, #tpu.memory_space<vmem>>, vector<16xf32>,
    %swap3A_129 = arith.constant 992 : index
    %swap3A_130 = tpu.vector_load %arg12[%swap3A_129] {strides = array<i32>} : memref<1024xf32, #tpu.memory_space<vmem>>, vector<16xf32>,
    tpu.vector_store %arg12[%swap3A_129], %broadcast_in_dim3A_5 {strides = array<i32>} : memref<1024xf32, #tpu.memory_space<vmem>>, vector<16xf32>,
    %swap3A_131 = arith.constant 1008 : index
    %swap3A_132 = tpu.vector_load %arg12[%swap3A_131] {strides = array<i32>} : memref<1024xf32, #tpu.memory_space<vmem>>, vector<16xf32>,
    tpu.vector_store %arg12[%swap3A_131], %broadcast_in_dim3A_5 {strides = array<i32>} : memref<1024xf32, #tpu.memory_space<vmem>>, vector<16xf32>,
    %iota3A = tpu.iota {dimensions = array<i32: 0>} : vector<16xi32>
    %scan3A = arith.constant 0 : i32
    %scan3A_133 = arith.constant 16 : i32
    %scan3A_134 = arith.addi %scan3A, %scan3A_133 : i32
    %scan3A_135 = arith.constant 1 : i32
    %scan3A_136:2 = scf.for %scan3A_144 = %scan3A to %scan3A_134 step %scan3A_135 iter_args(%scan3A_145 = %broadcast_in_dim3A_5, %scan3A_146 = %broadcast_in_dim3A_5) -> (vector<16xf32>, vector<16xf32>)  : i32 {
      %mul3A_147 = arith.constant 16 : i32
      %mul3A_148 = arith.muli %scan3A_144, %mul3A_147 : i32
      %add3A_149 = vector.broadcast %mul3A_148 : i32 to vector<16xi32>
      %add3A_150 = arith.addi %add3A_149, %iota3A : vector<16xi32>
      %mul3A_151 = arith.constant 68 : i32
      %mul3A_152 = vector.broadcast %mul3A_151 : i32 to vector<16xi32>
      %mul3A_153 = arith.muli %add3A_150, %mul3A_152 : vector<16xi32>
      %broadcast_in_dim3A_154 = arith.constant 0 : i32
      %broadcast_in_dim3A_155 = vector.broadcast %broadcast_in_dim3A_154 : i32 to vector<16xi32>
      %add3A_156 = arith.constant 64 : i32
      %add3A_157 = vector.broadcast %add3A_156 : i32 to vector<16xi32>
      %add3A_158 = arith.addi %mul3A_153, %add3A_157 : vector<16xi32>
      %gather3A = tpu.vector_load_idx %arg8[%add3A_158] : memref<17408xf32, #tpu.memory_space<vmem>>[vector<16xi32>], vector<16xf32>,
      %add3A_159 = arith.constant 65 : i32
      %add3A_160 = vector.broadcast %add3A_159 : i32 to vector<16xi32>
      %add3A_161 = arith.addi %mul3A_153, %add3A_160 : vector<16xi32>
      %gather3A_162 = tpu.vector_load_idx %arg8[%add3A_161] : memref<17408xf32, #tpu.memory_space<vmem>>[vector<16xi32>], vector<16xf32>,
      %gt3A = arith.cmpf ogt, %gather3A_162, %gather3A : vector<16xf32>
      %jit3A = arith.constant 1 : i32
      %broadcast_in_dim3A_163 = vector.broadcast %jit3A : i32 to vector<16xi32>
      %select_n3A = arith.select %gt3A, %broadcast_in_dim3A_163, %broadcast_in_dim3A_155 : vector<16xi1>, vector<16xi32>
      %select_n3A_164 = arith.select %gt3A, %gather3A_162, %gather3A : vector<16xi1>, vector<16xf32>
      %add3A_165 = arith.constant 66 : i32
      %add3A_166 = vector.broadcast %add3A_165 : i32 to vector<16xi32>
      %add3A_167 = arith.addi %mul3A_153, %add3A_166 : vector<16xi32>
      %gather3A_168 = tpu.vector_load_idx %arg8[%add3A_167] : memref<17408xf32, #tpu.memory_space<vmem>>[vector<16xi32>], vector<16xf32>,
      %gt3A_169 = arith.cmpf ogt, %gather3A_168, %select_n3A_164 : vector<16xf32>
      %jit3A_170 = arith.constant 2 : i32
      %broadcast_in_dim3A_171 = vector.broadcast %jit3A_170 : i32 to vector<16xi32>
      %select_n3A_172 = arith.select %gt3A_169, %broadcast_in_dim3A_171, %select_n3A : vector<16xi1>, vector<16xi32>
      %select_n3A_173 = arith.select %gt3A_169, %gather3A_168, %select_n3A_164 : vector<16xi1>, vector<16xf32>
      %add3A_174 = arith.constant 67 : i32
      %add3A_175 = vector.broadcast %add3A_174 : i32 to vector<16xi32>
      %add3A_176 = arith.addi %mul3A_153, %add3A_175 : vector<16xi32>
      %gather3A_177 = tpu.vector_load_idx %arg8[%add3A_176] : memref<17408xf32, #tpu.memory_space<vmem>>[vector<16xi32>], vector<16xf32>,
      %gt3A_178 = arith.cmpf ogt, %gather3A_177, %select_n3A_173 : vector<16xf32>
      %jit3A_179 = arith.constant 3 : i32
      %broadcast_in_dim3A_180 = vector.broadcast %jit3A_179 : i32 to vector<16xi32>
      %select_n3A_181 = arith.select %gt3A_178, %broadcast_in_dim3A_180, %select_n3A_172 : vector<16xi1>, vector<16xi32>
      %select_n3A_182 = arith.select %gt3A_178, %gather3A_177, %select_n3A_173 : vector<16xi1>, vector<16xf32>
      %mul3A_183 = arith.constant 16 : i32
      %mul3A_184 = vector.broadcast %mul3A_183 : i32 to vector<16xi32>
      %mul3A_185 = arith.muli %select_n3A_181, %mul3A_184 : vector<16xi32>
      %add3A_186 = arith.addi %mul3A_153, %mul3A_185 : vector<16xi32>
      %add3A_187 = arith.constant 0 : i32
      %add3A_188 = vector.broadcast %add3A_187 : i32 to vector<16xi32>
      %add3A_189 = arith.addi %add3A_186, %add3A_188 : vector<16xi32>
      %gather3A_190 = tpu.vector_load_idx %arg8[%add3A_189] : memref<17408xf32, #tpu.memory_space<vmem>>[vector<16xi32>], vector<16xf32>,
      %add3A_191 = arith.constant 1 : i32
      %add3A_192 = vector.broadcast %add3A_191 : i32 to vector<16xi32>
      %add3A_193 = arith.addi %add3A_186, %add3A_192 : vector<16xi32>
      %gather3A_194 = tpu.vector_load_idx %arg8[%add3A_193] : memref<17408xf32, #tpu.memory_space<vmem>>[vector<16xi32>], vector<16xf32>,
      %add3A_195 = arith.constant 2 : i32
      %add3A_196 = vector.broadcast %add3A_195 : i32 to vector<16xi32>
      %add3A_197 = arith.addi %add3A_186, %add3A_196 : vector<16xi32>
      %gather3A_198 = tpu.vector_load_idx %arg8[%add3A_197] : memref<17408xf32, #tpu.memory_space<vmem>>[vector<16xi32>], vector<16xf32>,
      %add3A_199 = arith.constant 3 : i32
      %add3A_200 = vector.broadcast %add3A_199 : i32 to vector<16xi32>
      %add3A_201 = arith.addi %add3A_186, %add3A_200 : vector<16xi32>
      %gather3A_202 = tpu.vector_load_idx %arg8[%add3A_201] : memref<17408xf32, #tpu.memory_space<vmem>>[vector<16xi32>], vector<16xf32>,
      %add3A_203 = arith.constant 4 : i32
      %add3A_204 = vector.broadcast %add3A_203 : i32 to vector<16xi32>
      %add3A_205 = arith.addi %add3A_186, %add3A_204 : vector<16xi32>
      %gather3A_206 = tpu.vector_load_idx %arg8[%add3A_205] : memref<17408xf32, #tpu.memory_space<vmem>>[vector<16xi32>], vector<16xf32>,
      %add3A_207 = arith.constant 5 : i32
      %add3A_208 = vector.broadcast %add3A_207 : i32 to vector<16xi32>
      %add3A_209 = arith.addi %add3A_186, %add3A_208 : vector<16xi32>
      %gather3A_210 = tpu.vector_load_idx %arg8[%add3A_209] : memref<17408xf32, #tpu.memory_space<vmem>>[vector<16xi32>], vector<16xf32>,
      %add3A_211 = arith.constant 6 : i32
      %add3A_212 = vector.broadcast %add3A_211 : i32 to vector<16xi32>
      %add3A_213 = arith.addi %add3A_186, %add3A_212 : vector<16xi32>
      %gather3A_214 = tpu.vector_load_idx %arg8[%add3A_213] : memref<17408xf32, #tpu.memory_space<vmem>>[vector<16xi32>], vector<16xf32>,
      %add3A_215 = arith.constant 7 : i32
      %add3A_216 = vector.broadcast %add3A_215 : i32 to vector<16xi32>
      %add3A_217 = arith.addi %add3A_186, %add3A_216 : vector<16xi32>
      %gather3A_218 = tpu.vector_load_idx %arg8[%add3A_217] : memref<17408xf32, #tpu.memory_space<vmem>>[vector<16xi32>], vector<16xf32>,
      %add3A_219 = arith.constant 8 : i32
      %add3A_220 = vector.broadcast %add3A_219 : i32 to vector<16xi32>
      %add3A_221 = arith.addi %add3A_186, %add3A_220 : vector<16xi32>
      %gather3A_222 = tpu.vector_load_idx %arg8[%add3A_221] : memref<17408xf32, #tpu.memory_space<vmem>>[vector<16xi32>], vector<16xf32>,
      %add3A_223 = arith.constant 9 : i32
      %add3A_224 = vector.broadcast %add3A_223 : i32 to vector<16xi32>
      %add3A_225 = arith.addi %add3A_186, %add3A_224 : vector<16xi32>
      %gather3A_226 = tpu.vector_load_idx %arg8[%add3A_225] : memref<17408xf32, #tpu.memory_space<vmem>>[vector<16xi32>], vector<16xf32>,
      %add3A_227 = arith.constant 10 : i32
      %add3A_228 = vector.broadcast %add3A_227 : i32 to vector<16xi32>
      %add3A_229 = arith.addi %add3A_186, %add3A_228 : vector<16xi32>
      %gather3A_230 = tpu.vector_load_idx %arg8[%add3A_229] : memref<17408xf32, #tpu.memory_space<vmem>>[vector<16xi32>], vector<16xf32>,
      %add3A_231 = arith.constant 11 : i32
      %add3A_232 = vector.broadcast %add3A_231 : i32 to vector<16xi32>
      %add3A_233 = arith.addi %add3A_186, %add3A_232 : vector<16xi32>
      %gather3A_234 = tpu.vector_load_idx %arg8[%add3A_233] : memref<17408xf32, #tpu.memory_space<vmem>>[vector<16xi32>], vector<16xf32>,
      %add3A_235 = arith.constant 12 : i32
      %add3A_236 = vector.broadcast %add3A_235 : i32 to vector<16xi32>
      %add3A_237 = arith.addi %add3A_186, %add3A_236 : vector<16xi32>
      %gather3A_238 = tpu.vector_load_idx %arg8[%add3A_237] : memref<17408xf32, #tpu.memory_space<vmem>>[vector<16xi32>], vector<16xf32>,
      %add3A_239 = arith.constant 13 : i32
      %add3A_240 = vector.broadcast %add3A_239 : i32 to vector<16xi32>
      %add3A_241 = arith.addi %add3A_186, %add3A_240 : vector<16xi32>
      %gather3A_242 = tpu.vector_load_idx %arg8[%add3A_241] : memref<17408xf32, #tpu.memory_space<vmem>>[vector<16xi32>], vector<16xf32>,
      %add3A_243 = arith.constant 14 : i32
      %add3A_244 = vector.broadcast %add3A_243 : i32 to vector<16xi32>
      %add3A_245 = arith.addi %add3A_186, %add3A_244 : vector<16xi32>
      %gather3A_246 = tpu.vector_load_idx %arg8[%add3A_245] : memref<17408xf32, #tpu.memory_space<vmem>>[vector<16xi32>], vector<16xf32>,
      %add3A_247 = arith.constant 15 : i32
      %add3A_248 = vector.broadcast %add3A_247 : i32 to vector<16xi32>
      %add3A_249 = arith.addi %add3A_186, %add3A_248 : vector<16xi32>
      %gather3A_250 = tpu.vector_load_idx %arg8[%add3A_249] : memref<17408xf32, #tpu.memory_space<vmem>>[vector<16xi32>], vector<16xf32>,
      %broadcast_in_dim3A_251 = arith.constant 0 : i32
      %broadcast_in_dim3A_252 = vector.broadcast %broadcast_in_dim3A_251 : i32 to vector<16xi32>
      %gt3A_253 = arith.cmpf ogt, %gather3A_194, %gather3A_190 : vector<16xf32>
      %jit3A_254 = arith.constant 1 : i32
      %broadcast_in_dim3A_255 = vector.broadcast %jit3A_254 : i32 to vector<16xi32>
      %select_n3A_256 = arith.select %gt3A_253, %broadcast_in_dim3A_255, %broadcast_in_dim3A_252 : vector<16xi1>, vector<16xi32>
      %select_n3A_257 = arith.select %gt3A_253, %gather3A_194, %gather3A_190 : vector<16xi1>, vector<16xf32>
      %gt3A_258 = arith.cmpf ogt, %gather3A_198, %select_n3A_257 : vector<16xf32>
      %jit3A_259 = arith.constant 2 : i32
      %broadcast_in_dim3A_260 = vector.broadcast %jit3A_259 : i32 to vector<16xi32>
      %select_n3A_261 = arith.select %gt3A_258, %broadcast_in_dim3A_260, %select_n3A_256 : vector<16xi1>, vector<16xi32>
      %select_n3A_262 = arith.select %gt3A_258, %gather3A_198, %select_n3A_257 : vector<16xi1>, vector<16xf32>
      %gt3A_263 = arith.cmpf ogt, %gather3A_202, %select_n3A_262 : vector<16xf32>
      %jit3A_264 = arith.constant 3 : i32
      %broadcast_in_dim3A_265 = vector.broadcast %jit3A_264 : i32 to vector<16xi32>
      %select_n3A_266 = arith.select %gt3A_263, %broadcast_in_dim3A_265, %select_n3A_261 : vector<16xi1>, vector<16xi32>
      %select_n3A_267 = arith.select %gt3A_263, %gather3A_202, %select_n3A_262 : vector<16xi1>, vector<16xf32>
      %gt3A_268 = arith.cmpf ogt, %gather3A_206, %select_n3A_267 : vector<16xf32>
      %jit3A_269 = arith.constant 4 : i32
      %broadcast_in_dim3A_270 = vector.broadcast %jit3A_269 : i32 to vector<16xi32>
      %select_n3A_271 = arith.select %gt3A_268, %broadcast_in_dim3A_270, %select_n3A_266 : vector<16xi1>, vector<16xi32>
      %select_n3A_272 = arith.select %gt3A_268, %gather3A_206, %select_n3A_267 : vector<16xi1>, vector<16xf32>
      %gt3A_273 = arith.cmpf ogt, %gather3A_210, %select_n3A_272 : vector<16xf32>
      %jit3A_274 = arith.constant 5 : i32
      %broadcast_in_dim3A_275 = vector.broadcast %jit3A_274 : i32 to vector<16xi32>
      %select_n3A_276 = arith.select %gt3A_273, %broadcast_in_dim3A_275, %select_n3A_271 : vector<16xi1>, vector<16xi32>
      %select_n3A_277 = arith.select %gt3A_273, %gather3A_210, %select_n3A_272 : vector<16xi1>, vector<16xf32>
      %gt3A_278 = arith.cmpf ogt, %gather3A_214, %select_n3A_277 : vector<16xf32>
      %jit3A_279 = arith.constant 6 : i32
      %broadcast_in_dim3A_280 = vector.broadcast %jit3A_279 : i32 to vector<16xi32>
      %select_n3A_281 = arith.select %gt3A_278, %broadcast_in_dim3A_280, %select_n3A_276 : vector<16xi1>, vector<16xi32>
      %select_n3A_282 = arith.select %gt3A_278, %gather3A_214, %select_n3A_277 : vector<16xi1>, vector<16xf32>
      %gt3A_283 = arith.cmpf ogt, %gather3A_218, %select_n3A_282 : vector<16xf32>
      %jit3A_284 = arith.constant 7 : i32
      %broadcast_in_dim3A_285 = vector.broadcast %jit3A_284 : i32 to vector<16xi32>
      %select_n3A_286 = arith.select %gt3A_283, %broadcast_in_dim3A_285, %select_n3A_281 : vector<16xi1>, vector<16xi32>
      %select_n3A_287 = arith.select %gt3A_283, %gather3A_218, %select_n3A_282 : vector<16xi1>, vector<16xf32>
      %gt3A_288 = arith.cmpf ogt, %gather3A_222, %select_n3A_287 : vector<16xf32>
      %jit3A_289 = arith.constant 8 : i32
      %broadcast_in_dim3A_290 = vector.broadcast %jit3A_289 : i32 to vector<16xi32>
      %select_n3A_291 = arith.select %gt3A_288, %broadcast_in_dim3A_290, %select_n3A_286 : vector<16xi1>, vector<16xi32>
      %select_n3A_292 = arith.select %gt3A_288, %gather3A_222, %select_n3A_287 : vector<16xi1>, vector<16xf32>
      %gt3A_293 = arith.cmpf ogt, %gather3A_226, %select_n3A_292 : vector<16xf32>
      %jit3A_294 = arith.constant 9 : i32
      %broadcast_in_dim3A_295 = vector.broadcast %jit3A_294 : i32 to vector<16xi32>
      %select_n3A_296 = arith.select %gt3A_293, %broadcast_in_dim3A_295, %select_n3A_291 : vector<16xi1>, vector<16xi32>
      %select_n3A_297 = arith.select %gt3A_293, %gather3A_226, %select_n3A_292 : vector<16xi1>, vector<16xf32>
      %gt3A_298 = arith.cmpf ogt, %gather3A_230, %select_n3A_297 : vector<16xf32>
      %jit3A_299 = arith.constant 10 : i32
      %broadcast_in_dim3A_300 = vector.broadcast %jit3A_299 : i32 to vector<16xi32>
      %select_n3A_301 = arith.select %gt3A_298, %broadcast_in_dim3A_300, %select_n3A_296 : vector<16xi1>, vector<16xi32>
      %select_n3A_302 = arith.select %gt3A_298, %gather3A_230, %select_n3A_297 : vector<16xi1>, vector<16xf32>
      %gt3A_303 = arith.cmpf ogt, %gather3A_234, %select_n3A_302 : vector<16xf32>
      %jit3A_304 = arith.constant 11 : i32
      %broadcast_in_dim3A_305 = vector.broadcast %jit3A_304 : i32 to vector<16xi32>
      %select_n3A_306 = arith.select %gt3A_303, %broadcast_in_dim3A_305, %select_n3A_301 : vector<16xi1>, vector<16xi32>
      %select_n3A_307 = arith.select %gt3A_303, %gather3A_234, %select_n3A_302 : vector<16xi1>, vector<16xf32>
      %gt3A_308 = arith.cmpf ogt, %gather3A_238, %select_n3A_307 : vector<16xf32>
      %jit3A_309 = arith.constant 12 : i32
      %broadcast_in_dim3A_310 = vector.broadcast %jit3A_309 : i32 to vector<16xi32>
      %select_n3A_311 = arith.select %gt3A_308, %broadcast_in_dim3A_310, %select_n3A_306 : vector<16xi1>, vector<16xi32>
      %select_n3A_312 = arith.select %gt3A_308, %gather3A_238, %select_n3A_307 : vector<16xi1>, vector<16xf32>
      %gt3A_313 = arith.cmpf ogt, %gather3A_242, %select_n3A_312 : vector<16xf32>
      %jit3A_314 = arith.constant 13 : i32
      %broadcast_in_dim3A_315 = vector.broadcast %jit3A_314 : i32 to vector<16xi32>
      %select_n3A_316 = arith.select %gt3A_313, %broadcast_in_dim3A_315, %select_n3A_311 : vector<16xi1>, vector<16xi32>
      %select_n3A_317 = arith.select %gt3A_313, %gather3A_242, %select_n3A_312 : vector<16xi1>, vector<16xf32>
      %gt3A_318 = arith.cmpf ogt, %gather3A_246, %select_n3A_317 : vector<16xf32>
      %jit3A_319 = arith.constant 14 : i32
      %broadcast_in_dim3A_320 = vector.broadcast %jit3A_319 : i32 to vector<16xi32>
      %select_n3A_321 = arith.select %gt3A_318, %broadcast_in_dim3A_320, %select_n3A_316 : vector<16xi1>, vector<16xi32>
      %select_n3A_322 = arith.select %gt3A_318, %gather3A_246, %select_n3A_317 : vector<16xi1>, vector<16xf32>
      %gt3A_323 = arith.cmpf ogt, %gather3A_250, %select_n3A_322 : vector<16xf32>
      %jit3A_324 = arith.constant 15 : i32
      %broadcast_in_dim3A_325 = vector.broadcast %jit3A_324 : i32 to vector<16xi32>
      %select_n3A_326 = arith.select %gt3A_323, %broadcast_in_dim3A_325, %select_n3A_321 : vector<16xi1>, vector<16xi32>
      %select_n3A_327 = arith.select %gt3A_323, %gather3A_250, %select_n3A_322 : vector<16xi1>, vector<16xf32>
      %mul3A_328 = arith.constant 16 : i32
      %mul3A_329 = vector.broadcast %mul3A_328 : i32 to vector<16xi32>
      %mul3A_330 = arith.muli %select_n3A_181, %mul3A_329 : vector<16xi32>
      %add3A_331 = arith.addi %mul3A_330, %select_n3A_326 : vector<16xi32>
      %sub3A = arith.subf %gather3A_190, %select_n3A_327 : vector<16xf32>
      %exp3A = math.exp %sub3A : vector<16xf32>
      %sub3A_332 = arith.subf %gather3A_194, %select_n3A_327 : vector<16xf32>
      %exp3A_333 = math.exp %sub3A_332 : vector<16xf32>
      %sub3A_334 = arith.subf %gather3A_198, %select_n3A_327 : vector<16xf32>
      %exp3A_335 = math.exp %sub3A_334 : vector<16xf32>
      %sub3A_336 = arith.subf %gather3A_202, %select_n3A_327 : vector<16xf32>
      %exp3A_337 = math.exp %sub3A_336 : vector<16xf32>
      %sub3A_338 = arith.subf %gather3A_206, %select_n3A_327 : vector<16xf32>
      %exp3A_339 = math.exp %sub3A_338 : vector<16xf32>
      %sub3A_340 = arith.subf %gather3A_210, %select_n3A_327 : vector<16xf32>
      %exp3A_341 = math.exp %sub3A_340 : vector<16xf32>
      %sub3A_342 = arith.subf %gather3A_214, %select_n3A_327 : vector<16xf32>
      %exp3A_343 = math.exp %sub3A_342 : vector<16xf32>
      %sub3A_344 = arith.subf %gather3A_218, %select_n3A_327 : vector<16xf32>
      %exp3A_345 = math.exp %sub3A_344 : vector<16xf32>
      %sub3A_346 = arith.subf %gather3A_222, %select_n3A_327 : vector<16xf32>
      %exp3A_347 = math.exp %sub3A_346 : vector<16xf32>
      %sub3A_348 = arith.subf %gather3A_226, %select_n3A_327 : vector<16xf32>
      %exp3A_349 = math.exp %sub3A_348 : vector<16xf32>
      %sub3A_350 = arith.subf %gather3A_230, %select_n3A_327 : vector<16xf32>
      %exp3A_351 = math.exp %sub3A_350 : vector<16xf32>
      %sub3A_352 = arith.subf %gather3A_234, %select_n3A_327 : vector<16xf32>
      %exp3A_353 = math.exp %sub3A_352 : vector<16xf32>
      %sub3A_354 = arith.subf %gather3A_238, %select_n3A_327 : vector<16xf32>
      %exp3A_355 = math.exp %sub3A_354 : vector<16xf32>
      %sub3A_356 = arith.subf %gather3A_242, %select_n3A_327 : vector<16xf32>
      %exp3A_357 = math.exp %sub3A_356 : vector<16xf32>
      %sub3A_358 = arith.subf %gather3A_246, %select_n3A_327 : vector<16xf32>
      %exp3A_359 = math.exp %sub3A_358 : vector<16xf32>
      %sub3A_360 = arith.subf %gather3A_250, %select_n3A_327 : vector<16xf32>
      %exp3A_361 = math.exp %sub3A_360 : vector<16xf32>
      %add3A_362 = arith.addf %exp3A, %exp3A_333 : vector<16xf32>
      %add3A_363 = arith.addf %add3A_362, %exp3A_335 : vector<16xf32>
      %add3A_364 = arith.addf %add3A_363, %exp3A_337 : vector<16xf32>
      %add3A_365 = arith.addf %add3A_364, %exp3A_339 : vector<16xf32>
      %add3A_366 = arith.addf %add3A_365, %exp3A_341 : vector<16xf32>
      %add3A_367 = arith.addf %add3A_366, %exp3A_343 : vector<16xf32>
      %add3A_368 = arith.addf %add3A_367, %exp3A_345 : vector<16xf32>
      %add3A_369 = arith.addf %add3A_368, %exp3A_347 : vector<16xf32>
      %add3A_370 = arith.addf %add3A_369, %exp3A_349 : vector<16xf32>
      %add3A_371 = arith.addf %add3A_370, %exp3A_351 : vector<16xf32>
      %add3A_372 = arith.addf %add3A_371, %exp3A_353 : vector<16xf32>
      %add3A_373 = arith.addf %add3A_372, %exp3A_355 : vector<16xf32>
      %add3A_374 = arith.addf %add3A_373, %exp3A_357 : vector<16xf32>
      %add3A_375 = arith.addf %add3A_374, %exp3A_359 : vector<16xf32>
      %add3A_376 = arith.addf %add3A_375, %exp3A_361 : vector<16xf32>
      %div3A = arith.constant 1.000000e+00 : f32
      %div3A_377 = vector.broadcast %div3A : f32 to vector<16xf32>
      %div3A_378 = arith.divf %div3A_377, %add3A_376 : vector<16xf32>
      %max3A = arith.constant 0.000000e+00 : f32
      %max3A_379 = vector.broadcast %max3A : f32 to vector<16xf32>
      %max3A_380 = arith.maximumf %select_n3A_327, %max3A_379 : vector<16xf32>
      %min3A = arith.constant 0.000000e+00 : f32
      %min3A_381 = vector.broadcast %min3A : f32 to vector<16xf32>
      %min3A_382 = arith.minimumf %select_n3A_327, %min3A_381 : vector<16xf32>
      %exp3A_383 = math.exp %min3A_382 : vector<16xf32>
      %neg3A = arith.constant 0.000000e+00 : f32
      %neg3A_384 = vector.broadcast %neg3A : f32 to vector<16xf32>
      %neg3A_385 = arith.subf %neg3A_384, %max3A_380 : vector<16xf32>
      %exp3A_386 = math.exp %neg3A_385 : vector<16xf32>
      %mul3A_387 = arith.mulf %add3A_376, %exp3A_383 : vector<16xf32>
      %mul3A_388 = arith.constant 4.800000e+01 : f32
      %mul3A_389 = vector.broadcast %mul3A_388 : f32 to vector<16xf32>
      %mul3A_390 = arith.mulf %mul3A_389, %exp3A_386 : vector<16xf32>
      %add3A_391 = arith.addf %mul3A_387, %mul3A_390 : vector<16xf32>
      %sub3A_392 = arith.subf %gather3A_190, %max3A_380 : vector<16xf32>
      %mul3A_393 = arith.mulf %exp3A, %sub3A_392 : vector<16xf32>
      %sub3A_394 = arith.subf %gather3A_194, %max3A_380 : vector<16xf32>
      %mul3A_395 = arith.mulf %exp3A_333, %sub3A_394 : vector<16xf32>
      %add3A_396 = arith.addf %mul3A_393, %mul3A_395 : vector<16xf32>
      %sub3A_397 = arith.subf %gather3A_198, %max3A_380 : vector<16xf32>
      %mul3A_398 = arith.mulf %exp3A_335, %sub3A_397 : vector<16xf32>
      %add3A_399 = arith.addf %add3A_396, %mul3A_398 : vector<16xf32>
      %sub3A_400 = arith.subf %gather3A_202, %max3A_380 : vector<16xf32>
      %mul3A_401 = arith.mulf %exp3A_337, %sub3A_400 : vector<16xf32>
      %add3A_402 = arith.addf %add3A_399, %mul3A_401 : vector<16xf32>
      %sub3A_403 = arith.subf %gather3A_206, %max3A_380 : vector<16xf32>
      %mul3A_404 = arith.mulf %exp3A_339, %sub3A_403 : vector<16xf32>
      %add3A_405 = arith.addf %add3A_402, %mul3A_404 : vector<16xf32>
      %sub3A_406 = arith.subf %gather3A_210, %max3A_380 : vector<16xf32>
      %mul3A_407 = arith.mulf %exp3A_341, %sub3A_406 : vector<16xf32>
      %add3A_408 = arith.addf %add3A_405, %mul3A_407 : vector<16xf32>
      %sub3A_409 = arith.subf %gather3A_214, %max3A_380 : vector<16xf32>
      %mul3A_410 = arith.mulf %exp3A_343, %sub3A_409 : vector<16xf32>
      %add3A_411 = arith.addf %add3A_408, %mul3A_410 : vector<16xf32>
      %sub3A_412 = arith.subf %gather3A_218, %max3A_380 : vector<16xf32>
      %mul3A_413 = arith.mulf %exp3A_345, %sub3A_412 : vector<16xf32>
      %add3A_414 = arith.addf %add3A_411, %mul3A_413 : vector<16xf32>
      %sub3A_415 = arith.subf %gather3A_222, %max3A_380 : vector<16xf32>
      %mul3A_416 = arith.mulf %exp3A_347, %sub3A_415 : vector<16xf32>
      %add3A_417 = arith.addf %add3A_414, %mul3A_416 : vector<16xf32>
      %sub3A_418 = arith.subf %gather3A_226, %max3A_380 : vector<16xf32>
      %mul3A_419 = arith.mulf %exp3A_349, %sub3A_418 : vector<16xf32>
      %add3A_420 = arith.addf %add3A_417, %mul3A_419 : vector<16xf32>
      %sub3A_421 = arith.subf %gather3A_230, %max3A_380 : vector<16xf32>
      %mul3A_422 = arith.mulf %exp3A_351, %sub3A_421 : vector<16xf32>
      %add3A_423 = arith.addf %add3A_420, %mul3A_422 : vector<16xf32>
      %sub3A_424 = arith.subf %gather3A_234, %max3A_380 : vector<16xf32>
      %mul3A_425 = arith.mulf %exp3A_353, %sub3A_424 : vector<16xf32>
      %add3A_426 = arith.addf %add3A_423, %mul3A_425 : vector<16xf32>
      %sub3A_427 = arith.subf %gather3A_238, %max3A_380 : vector<16xf32>
      %mul3A_428 = arith.mulf %exp3A_355, %sub3A_427 : vector<16xf32>
      %add3A_429 = arith.addf %add3A_426, %mul3A_428 : vector<16xf32>
      %sub3A_430 = arith.subf %gather3A_242, %max3A_380 : vector<16xf32>
      %mul3A_431 = arith.mulf %exp3A_357, %sub3A_430 : vector<16xf32>
      %add3A_432 = arith.addf %add3A_429, %mul3A_431 : vector<16xf32>
      %sub3A_433 = arith.subf %gather3A_246, %max3A_380 : vector<16xf32>
      %mul3A_434 = arith.mulf %exp3A_359, %sub3A_433 : vector<16xf32>
      %add3A_435 = arith.addf %add3A_432, %mul3A_434 : vector<16xf32>
      %sub3A_436 = arith.subf %gather3A_250, %max3A_380 : vector<16xf32>
      %mul3A_437 = arith.mulf %exp3A_361, %sub3A_436 : vector<16xf32>
      %add3A_438 = arith.addf %add3A_435, %mul3A_437 : vector<16xf32>
      %mul3A_439 = arith.mulf %exp3A_383, %add3A_438 : vector<16xf32>
      %mul3A_440 = arith.constant 4.800000e+01 : f32
      %mul3A_441 = vector.broadcast %mul3A_440 : f32 to vector<16xf32>
      %mul3A_442 = arith.mulf %mul3A_441, %exp3A_386 : vector<16xf32>
      %neg3A_443 = arith.constant 0.000000e+00 : f32
      %neg3A_444 = vector.broadcast %neg3A_443 : f32 to vector<16xf32>
      %neg3A_445 = arith.subf %neg3A_444, %max3A_380 : vector<16xf32>
      %mul3A_446 = arith.mulf %mul3A_442, %neg3A_445 : vector<16xf32>
      %add3A_447 = arith.addf %mul3A_439, %mul3A_446 : vector<16xf32>
      %bitcast3A = vector.bitcast %add3A_391 : vector<16xf32> to vector<16xi32>
      %shift_right_arithmetic3A = arith.constant 23 : i32
      %shift_right_arithmetic3A_448 = vector.broadcast %shift_right_arithmetic3A : i32 to vector<16xi32>
      %shift_right_arithmetic3A_449 = arith.shrsi %bitcast3A, %shift_right_arithmetic3A_448 : vector<16xi32>
      %and3A = arith.constant 255 : i32
      %and3A_450 = vector.broadcast %and3A : i32 to vector<16xi32>
      %and3A_451 = arith.andi %shift_right_arithmetic3A_449, %and3A_450 : vector<16xi32>
      %sub3A_452 = arith.constant 127 : i32
      %sub3A_453 = vector.broadcast %sub3A_452 : i32 to vector<16xi32>
      %sub3A_454 = arith.subi %and3A_451, %sub3A_453 : vector<16xi32>
      %and3A_455 = arith.constant 8388607 : i32
      %and3A_456 = vector.broadcast %and3A_455 : i32 to vector<16xi32>
      %and3A_457 = arith.andi %bitcast3A, %and3A_456 : vector<16xi32>
      %or3A = arith.constant 1065353216 : i32
      %or3A_458 = vector.broadcast %or3A : i32 to vector<16xi32>
      %or3A_459 = arith.ori %and3A_457, %or3A_458 : vector<16xi32>
      %bitcast3A_460 = vector.bitcast %or3A_459 : vector<16xi32> to vector<16xf32>
      %sub3A_461 = arith.constant 1.000000e+00 : f32
      %sub3A_462 = vector.broadcast %sub3A_461 : f32 to vector<16xf32>
      %sub3A_463 = arith.subf %bitcast3A_460, %sub3A_462 : vector<16xf32>
      %add3A_464 = arith.constant 1.000000e+00 : f32
      %add3A_465 = vector.broadcast %add3A_464 : f32 to vector<16xf32>
      %add3A_466 = arith.addf %bitcast3A_460, %add3A_465 : vector<16xf32>
      %div3A_467 = arith.divf %sub3A_463, %add3A_466 : vector<16xf32>
      %mul3A_468 = arith.mulf %div3A_467, %div3A_467 : vector<16xf32>
      %mul3A_469 = arith.constant 2.000000e+00 : f32
      %mul3A_470 = vector.broadcast %mul3A_469 : f32 to vector<16xf32>
      %mul3A_471 = arith.mulf %mul3A_470, %div3A_467 : vector<16xf32>
      %div3A_472 = arith.constant 7.000000e+00 : f32
      %div3A_473 = vector.broadcast %div3A_472 : f32 to vector<16xf32>
      %div3A_474 = arith.divf %mul3A_468, %div3A_473 : vector<16xf32>
      %add3A_475 = arith.constant 2.000000e-01 : f32
      %add3A_476 = vector.broadcast %add3A_475 : f32 to vector<16xf32>
      %add3A_477 = arith.addf %add3A_476, %div3A_474 : vector<16xf32>
      %mul3A_478 = arith.mulf %mul3A_468, %add3A_477 : vector<16xf32>
      %add3A_479 = arith.constant 0.333333343 : f32
      %add3A_480 = vector.broadcast %add3A_479 : f32 to vector<16xf32>
      %add3A_481 = arith.addf %add3A_480, %mul3A_478 : vector<16xf32>
      %mul3A_482 = arith.mulf %mul3A_468, %add3A_481 : vector<16xf32>
      %add3A_483 = arith.constant 1.000000e+00 : f32
      %add3A_484 = vector.broadcast %add3A_483 : f32 to vector<16xf32>
      %add3A_485 = arith.addf %add3A_484, %mul3A_482 : vector<16xf32>
      %mul3A_486 = arith.mulf %mul3A_471, %add3A_485 : vector<16xf32>
      %convert_element_type3A = arith.sitofp %sub3A_454 : vector<16xi32> to vector<16xf32>
      %mul3A_487 = arith.constant 0.693147182 : f32
      %mul3A_488 = vector.broadcast %mul3A_487 : f32 to vector<16xf32>
      %mul3A_489 = arith.mulf %convert_element_type3A, %mul3A_488 : vector<16xf32>
      %add3A_490 = arith.addf %mul3A_489, %mul3A_486 : vector<16xf32>
      %div3A_491 = arith.divf %add3A_447, %add3A_391 : vector<16xf32>
      %sub3A_492 = arith.subf %add3A_490, %div3A_491 : vector<16xf32>
      %div3A_493 = arith.constant 1.000000e+00 : f32
      %div3A_494 = vector.broadcast %div3A_493 : f32 to vector<16xf32>
      %div3A_495 = arith.divf %div3A_494, %add3A_391 : vector<16xf32>
      %mul3A_496 = arith.mulf %exp3A_383, %div3A_495 : vector<16xf32>
      %mul3A_497 = arith.mulf %exp3A_386, %div3A_495 : vector<16xf32>
      %mul3A_498 = arith.constant 16 : i32
      %mul3A_499 = vector.broadcast %mul3A_498 : i32 to vector<16xi32>
      %mul3A_500 = arith.muli %select_n3A_181, %mul3A_499 : vector<16xi32>
      %mul3A_501 = arith.constant 16 : i32
      %mul3A_502 = vector.broadcast %mul3A_501 : i32 to vector<16xi32>
      %mul3A_503 = arith.muli %mul3A_500, %mul3A_502 : vector<16xi32>
      %add3A_504 = arith.addi %mul3A_503, %iota3A : vector<16xi32>
      %add3A_505 = arith.constant 0 : i32
      %add3A_506 = vector.broadcast %add3A_505 : i32 to vector<16xi32>
      %add3A_507 = arith.addi %add3A_504, %add3A_506 : vector<16xi32>
      %mul3A_508 = arith.mulf %exp3A, %mul3A_496 : vector<16xf32>
      %sub3A_509 = arith.subf %mul3A_508, %mul3A_497 : vector<16xf32>
      tpu.vector_store_idx %arg12[%add3A_507], %sub3A_509 {add = true} : memref<1024xf32, #tpu.memory_space<vmem>>[vector<16xi32>], vector<16xf32>,
      %add3A_510 = arith.constant 16 : i32
      %add3A_511 = vector.broadcast %add3A_510 : i32 to vector<16xi32>
      %add3A_512 = arith.addi %add3A_504, %add3A_511 : vector<16xi32>
      %mul3A_513 = arith.mulf %exp3A_333, %mul3A_496 : vector<16xf32>
      %sub3A_514 = arith.subf %mul3A_513, %mul3A_497 : vector<16xf32>
      tpu.vector_store_idx %arg12[%add3A_512], %sub3A_514 {add = true} : memref<1024xf32, #tpu.memory_space<vmem>>[vector<16xi32>], vector<16xf32>,
      %add3A_515 = arith.constant 32 : i32
      %add3A_516 = vector.broadcast %add3A_515 : i32 to vector<16xi32>
      %add3A_517 = arith.addi %add3A_504, %add3A_516 : vector<16xi32>
      %mul3A_518 = arith.mulf %exp3A_335, %mul3A_496 : vector<16xf32>
      %sub3A_519 = arith.subf %mul3A_518, %mul3A_497 : vector<16xf32>
      tpu.vector_store_idx %arg12[%add3A_517], %sub3A_519 {add = true} : memref<1024xf32, #tpu.memory_space<vmem>>[vector<16xi32>], vector<16xf32>,
      %add3A_520 = arith.constant 48 : i32
      %add3A_521 = vector.broadcast %add3A_520 : i32 to vector<16xi32>
      %add3A_522 = arith.addi %add3A_504, %add3A_521 : vector<16xi32>
      %mul3A_523 = arith.mulf %exp3A_337, %mul3A_496 : vector<16xf32>
      %sub3A_524 = arith.subf %mul3A_523, %mul3A_497 : vector<16xf32>
      tpu.vector_store_idx %arg12[%add3A_522], %sub3A_524 {add = true} : memref<1024xf32, #tpu.memory_space<vmem>>[vector<16xi32>], vector<16xf32>,
      %add3A_525 = arith.constant 64 : i32
      %add3A_526 = vector.broadcast %add3A_525 : i32 to vector<16xi32>
      %add3A_527 = arith.addi %add3A_504, %add3A_526 : vector<16xi32>
      %mul3A_528 = arith.mulf %exp3A_339, %mul3A_496 : vector<16xf32>
      %sub3A_529 = arith.subf %mul3A_528, %mul3A_497 : vector<16xf32>
      tpu.vector_store_idx %arg12[%add3A_527], %sub3A_529 {add = true} : memref<1024xf32, #tpu.memory_space<vmem>>[vector<16xi32>], vector<16xf32>,
      %add3A_530 = arith.constant 80 : i32
      %add3A_531 = vector.broadcast %add3A_530 : i32 to vector<16xi32>
      %add3A_532 = arith.addi %add3A_504, %add3A_531 : vector<16xi32>
      %mul3A_533 = arith.mulf %exp3A_341, %mul3A_496 : vector<16xf32>
      %sub3A_534 = arith.subf %mul3A_533, %mul3A_497 : vector<16xf32>
      tpu.vector_store_idx %arg12[%add3A_532], %sub3A_534 {add = true} : memref<1024xf32, #tpu.memory_space<vmem>>[vector<16xi32>], vector<16xf32>,
      %add3A_535 = arith.constant 96 : i32
      %add3A_536 = vector.broadcast %add3A_535 : i32 to vector<16xi32>
      %add3A_537 = arith.addi %add3A_504, %add3A_536 : vector<16xi32>
      %mul3A_538 = arith.mulf %exp3A_343, %mul3A_496 : vector<16xf32>
      %sub3A_539 = arith.subf %mul3A_538, %mul3A_497 : vector<16xf32>
      tpu.vector_store_idx %arg12[%add3A_537], %sub3A_539 {add = true} : memref<1024xf32, #tpu.memory_space<vmem>>[vector<16xi32>], vector<16xf32>,
      %add3A_540 = arith.constant 112 : i32
      %add3A_541 = vector.broadcast %add3A_540 : i32 to vector<16xi32>
      %add3A_542 = arith.addi %add3A_504, %add3A_541 : vector<16xi32>
      %mul3A_543 = arith.mulf %exp3A_345, %mul3A_496 : vector<16xf32>
      %sub3A_544 = arith.subf %mul3A_543, %mul3A_497 : vector<16xf32>
      tpu.vector_store_idx %arg12[%add3A_542], %sub3A_544 {add = true} : memref<1024xf32, #tpu.memory_space<vmem>>[vector<16xi32>], vector<16xf32>,
      %add3A_545 = arith.constant 128 : i32
      %add3A_546 = vector.broadcast %add3A_545 : i32 to vector<16xi32>
      %add3A_547 = arith.addi %add3A_504, %add3A_546 : vector<16xi32>
      %mul3A_548 = arith.mulf %exp3A_347, %mul3A_496 : vector<16xf32>
      %sub3A_549 = arith.subf %mul3A_548, %mul3A_497 : vector<16xf32>
      tpu.vector_store_idx %arg12[%add3A_547], %sub3A_549 {add = true} : memref<1024xf32, #tpu.memory_space<vmem>>[vector<16xi32>], vector<16xf32>,
      %add3A_550 = arith.constant 144 : i32
      %add3A_551 = vector.broadcast %add3A_550 : i32 to vector<16xi32>
      %add3A_552 = arith.addi %add3A_504, %add3A_551 : vector<16xi32>
      %mul3A_553 = arith.mulf %exp3A_349, %mul3A_496 : vector<16xf32>
      %sub3A_554 = arith.subf %mul3A_553, %mul3A_497 : vector<16xf32>
      tpu.vector_store_idx %arg12[%add3A_552], %sub3A_554 {add = true} : memref<1024xf32, #tpu.memory_space<vmem>>[vector<16xi32>], vector<16xf32>,
      %add3A_555 = arith.constant 160 : i32
      %add3A_556 = vector.broadcast %add3A_555 : i32 to vector<16xi32>
      %add3A_557 = arith.addi %add3A_504, %add3A_556 : vector<16xi32>
      %mul3A_558 = arith.mulf %exp3A_351, %mul3A_496 : vector<16xf32>
      %sub3A_559 = arith.subf %mul3A_558, %mul3A_497 : vector<16xf32>
      tpu.vector_store_idx %arg12[%add3A_557], %sub3A_559 {add = true} : memref<1024xf32, #tpu.memory_space<vmem>>[vector<16xi32>], vector<16xf32>,
      %add3A_560 = arith.constant 176 : i32
      %add3A_561 = vector.broadcast %add3A_560 : i32 to vector<16xi32>
      %add3A_562 = arith.addi %add3A_504, %add3A_561 : vector<16xi32>
      %mul3A_563 = arith.mulf %exp3A_353, %mul3A_496 : vector<16xf32>
      %sub3A_564 = arith.subf %mul3A_563, %mul3A_497 : vector<16xf32>
      tpu.vector_store_idx %arg12[%add3A_562], %sub3A_564 {add = true} : memref<1024xf32, #tpu.memory_space<vmem>>[vector<16xi32>], vector<16xf32>,
      %add3A_565 = arith.constant 192 : i32
      %add3A_566 = vector.broadcast %add3A_565 : i32 to vector<16xi32>
      %add3A_567 = arith.addi %add3A_504, %add3A_566 : vector<16xi32>
      %mul3A_568 = arith.mulf %exp3A_355, %mul3A_496 : vector<16xf32>
      %sub3A_569 = arith.subf %mul3A_568, %mul3A_497 : vector<16xf32>
      tpu.vector_store_idx %arg12[%add3A_567], %sub3A_569 {add = true} : memref<1024xf32, #tpu.memory_space<vmem>>[vector<16xi32>], vector<16xf32>,
      %add3A_570 = arith.constant 208 : i32
      %add3A_571 = vector.broadcast %add3A_570 : i32 to vector<16xi32>
      %add3A_572 = arith.addi %add3A_504, %add3A_571 : vector<16xi32>
      %mul3A_573 = arith.mulf %exp3A_357, %mul3A_496 : vector<16xf32>
      %sub3A_574 = arith.subf %mul3A_573, %mul3A_497 : vector<16xf32>
      tpu.vector_store_idx %arg12[%add3A_572], %sub3A_574 {add = true} : memref<1024xf32, #tpu.memory_space<vmem>>[vector<16xi32>], vector<16xf32>,
      %add3A_575 = arith.constant 224 : i32
      %add3A_576 = vector.broadcast %add3A_575 : i32 to vector<16xi32>
      %add3A_577 = arith.addi %add3A_504, %add3A_576 : vector<16xi32>
      %mul3A_578 = arith.mulf %exp3A_359, %mul3A_496 : vector<16xf32>
      %sub3A_579 = arith.subf %mul3A_578, %mul3A_497 : vector<16xf32>
      tpu.vector_store_idx %arg12[%add3A_577], %sub3A_579 {add = true} : memref<1024xf32, #tpu.memory_space<vmem>>[vector<16xi32>], vector<16xf32>,
      %add3A_580 = arith.constant 240 : i32
      %add3A_581 = vector.broadcast %add3A_580 : i32 to vector<16xi32>
      %add3A_582 = arith.addi %add3A_504, %add3A_581 : vector<16xi32>
      %mul3A_583 = arith.mulf %exp3A_361, %mul3A_496 : vector<16xf32>
      %sub3A_584 = arith.subf %mul3A_583, %mul3A_497 : vector<16xf32>
      tpu.vector_store_idx %arg12[%add3A_582], %sub3A_584 {add = true} : memref<1024xf32, #tpu.memory_space<vmem>>[vector<16xi32>], vector<16xf32>,
      tpu.vector_store_idx %arg10[%add3A_150], %add3A_331 : memref<256xi32, #tpu.memory_space<vmem>>[vector<16xi32>], vector<16xi32>,
      tpu.vector_store_idx %arg11[%add3A_150], %div3A_378 : memref<256xf32, #tpu.memory_space<vmem>>[vector<16xi32>], vector<16xf32>,
      %mul3A_585 = arith.constant 64 : i32
      %mul3A_586 = vector.broadcast %mul3A_585 : i32 to vector<16xi32>
      %mul3A_587 = arith.muli %add3A_150, %mul3A_586 : vector<16xi32>
      %eq3A = arith.constant 0 : i32
      %eq3A_588 = vector.broadcast %eq3A : i32 to vector<16xi32>
      %eq3A_589 = arith.cmpi eq, %select_n3A_181, %eq3A_588 : vector<16xi32>
      %jit3A_590 = arith.constant 0.000000e+00 : f32
      %broadcast_in_dim3A_591 = vector.broadcast %jit3A_590 : f32 to vector<16xf32>
      %select_n3A_592 = arith.select %eq3A_589, %gather3A_190, %broadcast_in_dim3A_591 : vector<16xi1>, vector<16xf32>
      %add3A_593 = arith.constant 0 : i32
      %add3A_594 = vector.broadcast %add3A_593 : i32 to vector<16xi32>
      %add3A_595 = arith.addi %mul3A_587, %add3A_594 : vector<16xi32>
      tpu.vector_store_idx %arg9[%add3A_595], %select_n3A_592 : memref<16384xf32, #tpu.memory_space<vmem>>[vector<16xi32>], vector<16xf32>,
      %eq3A_596 = arith.constant 0 : i32
      %eq3A_597 = vector.broadcast %eq3A_596 : i32 to vector<16xi32>
      %eq3A_598 = arith.cmpi eq, %select_n3A_181, %eq3A_597 : vector<16xi32>
      %jit3A_599 = arith.constant 0.000000e+00 : f32
      %broadcast_in_dim3A_600 = vector.broadcast %jit3A_599 : f32 to vector<16xf32>
      %select_n3A_601 = arith.select %eq3A_598, %gather3A_194, %broadcast_in_dim3A_600 : vector<16xi1>, vector<16xf32>
      %add3A_602 = arith.constant 1 : i32
      %add3A_603 = vector.broadcast %add3A_602 : i32 to vector<16xi32>
      %add3A_604 = arith.addi %mul3A_587, %add3A_603 : vector<16xi32>
      tpu.vector_store_idx %arg9[%add3A_604], %select_n3A_601 : memref<16384xf32, #tpu.memory_space<vmem>>[vector<16xi32>], vector<16xf32>,
      %eq3A_605 = arith.constant 0 : i32
      %eq3A_606 = vector.broadcast %eq3A_605 : i32 to vector<16xi32>
      %eq3A_607 = arith.cmpi eq, %select_n3A_181, %eq3A_606 : vector<16xi32>
      %jit3A_608 = arith.constant 0.000000e+00 : f32
      %broadcast_in_dim3A_609 = vector.broadcast %jit3A_608 : f32 to vector<16xf32>
      %select_n3A_610 = arith.select %eq3A_607, %gather3A_198, %broadcast_in_dim3A_609 : vector<16xi1>, vector<16xf32>
      %add3A_611 = arith.constant 2 : i32
      %add3A_612 = vector.broadcast %add3A_611 : i32 to vector<16xi32>
      %add3A_613 = arith.addi %mul3A_587, %add3A_612 : vector<16xi32>
      tpu.vector_store_idx %arg9[%add3A_613], %select_n3A_610 : memref<16384xf32, #tpu.memory_space<vmem>>[vector<16xi32>], vector<16xf32>,
      %eq3A_614 = arith.constant 0 : i32
      %eq3A_615 = vector.broadcast %eq3A_614 : i32 to vector<16xi32>
      %eq3A_616 = arith.cmpi eq, %select_n3A_181, %eq3A_615 : vector<16xi32>
      %jit3A_617 = arith.constant 0.000000e+00 : f32
      %broadcast_in_dim3A_618 = vector.broadcast %jit3A_617 : f32 to vector<16xf32>
      %select_n3A_619 = arith.select %eq3A_616, %gather3A_202, %broadcast_in_dim3A_618 : vector<16xi1>, vector<16xf32>
      %add3A_620 = arith.constant 3 : i32
      %add3A_621 = vector.broadcast %add3A_620 : i32 to vector<16xi32>
      %add3A_622 = arith.addi %mul3A_587, %add3A_621 : vector<16xi32>
      tpu.vector_store_idx %arg9[%add3A_622], %select_n3A_619 : memref<16384xf32, #tpu.memory_space<vmem>>[vector<16xi32>], vector<16xf32>,
      %eq3A_623 = arith.constant 0 : i32
      %eq3A_624 = vector.broadcast %eq3A_623 : i32 to vector<16xi32>
      %eq3A_625 = arith.cmpi eq, %select_n3A_181, %eq3A_624 : vector<16xi32>
      %jit3A_626 = arith.constant 0.000000e+00 : f32
      %broadcast_in_dim3A_627 = vector.broadcast %jit3A_626 : f32 to vector<16xf32>
      %select_n3A_628 = arith.select %eq3A_625, %gather3A_206, %broadcast_in_dim3A_627 : vector<16xi1>, vector<16xf32>
      %add3A_629 = arith.constant 4 : i32
      %add3A_630 = vector.broadcast %add3A_629 : i32 to vector<16xi32>
      %add3A_631 = arith.addi %mul3A_587, %add3A_630 : vector<16xi32>
      tpu.vector_store_idx %arg9[%add3A_631], %select_n3A_628 : memref<16384xf32, #tpu.memory_space<vmem>>[vector<16xi32>], vector<16xf32>,
      %eq3A_632 = arith.constant 0 : i32
      %eq3A_633 = vector.broadcast %eq3A_632 : i32 to vector<16xi32>
      %eq3A_634 = arith.cmpi eq, %select_n3A_181, %eq3A_633 : vector<16xi32>
      %jit3A_635 = arith.constant 0.000000e+00 : f32
      %broadcast_in_dim3A_636 = vector.broadcast %jit3A_635 : f32 to vector<16xf32>
      %select_n3A_637 = arith.select %eq3A_634, %gather3A_210, %broadcast_in_dim3A_636 : vector<16xi1>, vector<16xf32>
      %add3A_638 = arith.constant 5 : i32
      %add3A_639 = vector.broadcast %add3A_638 : i32 to vector<16xi32>
      %add3A_640 = arith.addi %mul3A_587, %add3A_639 : vector<16xi32>
      tpu.vector_store_idx %arg9[%add3A_640], %select_n3A_637 : memref<16384xf32, #tpu.memory_space<vmem>>[vector<16xi32>], vector<16xf32>,
      %eq3A_641 = arith.constant 0 : i32
      %eq3A_642 = vector.broadcast %eq3A_641 : i32 to vector<16xi32>
      %eq3A_643 = arith.cmpi eq, %select_n3A_181, %eq3A_642 : vector<16xi32>
      %jit3A_644 = arith.constant 0.000000e+00 : f32
      %broadcast_in_dim3A_645 = vector.broadcast %jit3A_644 : f32 to vector<16xf32>
      %select_n3A_646 = arith.select %eq3A_643, %gather3A_214, %broadcast_in_dim3A_645 : vector<16xi1>, vector<16xf32>
      %add3A_647 = arith.constant 6 : i32
      %add3A_648 = vector.broadcast %add3A_647 : i32 to vector<16xi32>
      %add3A_649 = arith.addi %mul3A_587, %add3A_648 : vector<16xi32>
      tpu.vector_store_idx %arg9[%add3A_649], %select_n3A_646 : memref<16384xf32, #tpu.memory_space<vmem>>[vector<16xi32>], vector<16xf32>,
      %eq3A_650 = arith.constant 0 : i32
      %eq3A_651 = vector.broadcast %eq3A_650 : i32 to vector<16xi32>
      %eq3A_652 = arith.cmpi eq, %select_n3A_181, %eq3A_651 : vector<16xi32>
      %jit3A_653 = arith.constant 0.000000e+00 : f32
      %broadcast_in_dim3A_654 = vector.broadcast %jit3A_653 : f32 to vector<16xf32>
      %select_n3A_655 = arith.select %eq3A_652, %gather3A_218, %broadcast_in_dim3A_654 : vector<16xi1>, vector<16xf32>
      %add3A_656 = arith.constant 7 : i32
      %add3A_657 = vector.broadcast %add3A_656 : i32 to vector<16xi32>
      %add3A_658 = arith.addi %mul3A_587, %add3A_657 : vector<16xi32>
      tpu.vector_store_idx %arg9[%add3A_658], %select_n3A_655 : memref<16384xf32, #tpu.memory_space<vmem>>[vector<16xi32>], vector<16xf32>,
      %eq3A_659 = arith.constant 0 : i32
      %eq3A_660 = vector.broadcast %eq3A_659 : i32 to vector<16xi32>
      %eq3A_661 = arith.cmpi eq, %select_n3A_181, %eq3A_660 : vector<16xi32>
      %jit3A_662 = arith.constant 0.000000e+00 : f32
      %broadcast_in_dim3A_663 = vector.broadcast %jit3A_662 : f32 to vector<16xf32>
      %select_n3A_664 = arith.select %eq3A_661, %gather3A_222, %broadcast_in_dim3A_663 : vector<16xi1>, vector<16xf32>
      %add3A_665 = arith.constant 8 : i32
      %add3A_666 = vector.broadcast %add3A_665 : i32 to vector<16xi32>
      %add3A_667 = arith.addi %mul3A_587, %add3A_666 : vector<16xi32>
      tpu.vector_store_idx %arg9[%add3A_667], %select_n3A_664 : memref<16384xf32, #tpu.memory_space<vmem>>[vector<16xi32>], vector<16xf32>,
      %eq3A_668 = arith.constant 0 : i32
      %eq3A_669 = vector.broadcast %eq3A_668 : i32 to vector<16xi32>
      %eq3A_670 = arith.cmpi eq, %select_n3A_181, %eq3A_669 : vector<16xi32>
      %jit3A_671 = arith.constant 0.000000e+00 : f32
      %broadcast_in_dim3A_672 = vector.broadcast %jit3A_671 : f32 to vector<16xf32>
      %select_n3A_673 = arith.select %eq3A_670, %gather3A_226, %broadcast_in_dim3A_672 : vector<16xi1>, vector<16xf32>
      %add3A_674 = arith.constant 9 : i32
      %add3A_675 = vector.broadcast %add3A_674 : i32 to vector<16xi32>
      %add3A_676 = arith.addi %mul3A_587, %add3A_675 : vector<16xi32>
      tpu.vector_store_idx %arg9[%add3A_676], %select_n3A_673 : memref<16384xf32, #tpu.memory_space<vmem>>[vector<16xi32>], vector<16xf32>,
      %eq3A_677 = arith.constant 0 : i32
      %eq3A_678 = vector.broadcast %eq3A_677 : i32 to vector<16xi32>
      %eq3A_679 = arith.cmpi eq, %select_n3A_181, %eq3A_678 : vector<16xi32>
      %jit3A_680 = arith.constant 0.000000e+00 : f32
      %broadcast_in_dim3A_681 = vector.broadcast %jit3A_680 : f32 to vector<16xf32>
      %select_n3A_682 = arith.select %eq3A_679, %gather3A_230, %broadcast_in_dim3A_681 : vector<16xi1>, vector<16xf32>
      %add3A_683 = arith.constant 10 : i32
      %add3A_684 = vector.broadcast %add3A_683 : i32 to vector<16xi32>
      %add3A_685 = arith.addi %mul3A_587, %add3A_684 : vector<16xi32>
      tpu.vector_store_idx %arg9[%add3A_685], %select_n3A_682 : memref<16384xf32, #tpu.memory_space<vmem>>[vector<16xi32>], vector<16xf32>,
      %eq3A_686 = arith.constant 0 : i32
      %eq3A_687 = vector.broadcast %eq3A_686 : i32 to vector<16xi32>
      %eq3A_688 = arith.cmpi eq, %select_n3A_181, %eq3A_687 : vector<16xi32>
      %jit3A_689 = arith.constant 0.000000e+00 : f32
      %broadcast_in_dim3A_690 = vector.broadcast %jit3A_689 : f32 to vector<16xf32>
      %select_n3A_691 = arith.select %eq3A_688, %gather3A_234, %broadcast_in_dim3A_690 : vector<16xi1>, vector<16xf32>
      %add3A_692 = arith.constant 11 : i32
      %add3A_693 = vector.broadcast %add3A_692 : i32 to vector<16xi32>
      %add3A_694 = arith.addi %mul3A_587, %add3A_693 : vector<16xi32>
      tpu.vector_store_idx %arg9[%add3A_694], %select_n3A_691 : memref<16384xf32, #tpu.memory_space<vmem>>[vector<16xi32>], vector<16xf32>,
      %eq3A_695 = arith.constant 0 : i32
      %eq3A_696 = vector.broadcast %eq3A_695 : i32 to vector<16xi32>
      %eq3A_697 = arith.cmpi eq, %select_n3A_181, %eq3A_696 : vector<16xi32>
      %jit3A_698 = arith.constant 0.000000e+00 : f32
      %broadcast_in_dim3A_699 = vector.broadcast %jit3A_698 : f32 to vector<16xf32>
      %select_n3A_700 = arith.select %eq3A_697, %gather3A_238, %broadcast_in_dim3A_699 : vector<16xi1>, vector<16xf32>
      %add3A_701 = arith.constant 12 : i32
      %add3A_702 = vector.broadcast %add3A_701 : i32 to vector<16xi32>
      %add3A_703 = arith.addi %mul3A_587, %add3A_702 : vector<16xi32>
      tpu.vector_store_idx %arg9[%add3A_703], %select_n3A_700 : memref<16384xf32, #tpu.memory_space<vmem>>[vector<16xi32>], vector<16xf32>,
      %eq3A_704 = arith.constant 0 : i32
      %eq3A_705 = vector.broadcast %eq3A_704 : i32 to vector<16xi32>
      %eq3A_706 = arith.cmpi eq, %select_n3A_181, %eq3A_705 : vector<16xi32>
      %jit3A_707 = arith.constant 0.000000e+00 : f32
      %broadcast_in_dim3A_708 = vector.broadcast %jit3A_707 : f32 to vector<16xf32>
      %select_n3A_709 = arith.select %eq3A_706, %gather3A_242, %broadcast_in_dim3A_708 : vector<16xi1>, vector<16xf32>
      %add3A_710 = arith.constant 13 : i32
      %add3A_711 = vector.broadcast %add3A_710 : i32 to vector<16xi32>
      %add3A_712 = arith.addi %mul3A_587, %add3A_711 : vector<16xi32>
      tpu.vector_store_idx %arg9[%add3A_712], %select_n3A_709 : memref<16384xf32, #tpu.memory_space<vmem>>[vector<16xi32>], vector<16xf32>,
      %eq3A_713 = arith.constant 0 : i32
      %eq3A_714 = vector.broadcast %eq3A_713 : i32 to vector<16xi32>
      %eq3A_715 = arith.cmpi eq, %select_n3A_181, %eq3A_714 : vector<16xi32>
      %jit3A_716 = arith.constant 0.000000e+00 : f32
      %broadcast_in_dim3A_717 = vector.broadcast %jit3A_716 : f32 to vector<16xf32>
      %select_n3A_718 = arith.select %eq3A_715, %gather3A_246, %broadcast_in_dim3A_717 : vector<16xi1>, vector<16xf32>
      %add3A_719 = arith.constant 14 : i32
      %add3A_720 = vector.broadcast %add3A_719 : i32 to vector<16xi32>
      %add3A_721 = arith.addi %mul3A_587, %add3A_720 : vector<16xi32>
      tpu.vector_store_idx %arg9[%add3A_721], %select_n3A_718 : memref<16384xf32, #tpu.memory_space<vmem>>[vector<16xi32>], vector<16xf32>,
      %eq3A_722 = arith.constant 0 : i32
      %eq3A_723 = vector.broadcast %eq3A_722 : i32 to vector<16xi32>
      %eq3A_724 = arith.cmpi eq, %select_n3A_181, %eq3A_723 : vector<16xi32>
      %jit3A_725 = arith.constant 0.000000e+00 : f32
      %broadcast_in_dim3A_726 = vector.broadcast %jit3A_725 : f32 to vector<16xf32>
      %select_n3A_727 = arith.select %eq3A_724, %gather3A_250, %broadcast_in_dim3A_726 : vector<16xi1>, vector<16xf32>
      %add3A_728 = arith.constant 15 : i32
      %add3A_729 = vector.broadcast %add3A_728 : i32 to vector<16xi32>
      %add3A_730 = arith.addi %mul3A_587, %add3A_729 : vector<16xi32>
      tpu.vector_store_idx %arg9[%add3A_730], %select_n3A_727 : memref<16384xf32, #tpu.memory_space<vmem>>[vector<16xi32>], vector<16xf32>,
      %eq3A_731 = arith.constant 1 : i32
      %eq3A_732 = vector.broadcast %eq3A_731 : i32 to vector<16xi32>
      %eq3A_733 = arith.cmpi eq, %select_n3A_181, %eq3A_732 : vector<16xi32>
      %jit3A_734 = arith.constant 0.000000e+00 : f32
      %broadcast_in_dim3A_735 = vector.broadcast %jit3A_734 : f32 to vector<16xf32>
      %select_n3A_736 = arith.select %eq3A_733, %gather3A_190, %broadcast_in_dim3A_735 : vector<16xi1>, vector<16xf32>
      %add3A_737 = arith.constant 16 : i32
      %add3A_738 = vector.broadcast %add3A_737 : i32 to vector<16xi32>
      %add3A_739 = arith.addi %mul3A_587, %add3A_738 : vector<16xi32>
      tpu.vector_store_idx %arg9[%add3A_739], %select_n3A_736 : memref<16384xf32, #tpu.memory_space<vmem>>[vector<16xi32>], vector<16xf32>,
      %eq3A_740 = arith.constant 1 : i32
      %eq3A_741 = vector.broadcast %eq3A_740 : i32 to vector<16xi32>
      %eq3A_742 = arith.cmpi eq, %select_n3A_181, %eq3A_741 : vector<16xi32>
      %jit3A_743 = arith.constant 0.000000e+00 : f32
      %broadcast_in_dim3A_744 = vector.broadcast %jit3A_743 : f32 to vector<16xf32>
      %select_n3A_745 = arith.select %eq3A_742, %gather3A_194, %broadcast_in_dim3A_744 : vector<16xi1>, vector<16xf32>
      %add3A_746 = arith.constant 17 : i32
      %add3A_747 = vector.broadcast %add3A_746 : i32 to vector<16xi32>
      %add3A_748 = arith.addi %mul3A_587, %add3A_747 : vector<16xi32>
      tpu.vector_store_idx %arg9[%add3A_748], %select_n3A_745 : memref<16384xf32, #tpu.memory_space<vmem>>[vector<16xi32>], vector<16xf32>,
      %eq3A_749 = arith.constant 1 : i32
      %eq3A_750 = vector.broadcast %eq3A_749 : i32 to vector<16xi32>
      %eq3A_751 = arith.cmpi eq, %select_n3A_181, %eq3A_750 : vector<16xi32>
      %jit3A_752 = arith.constant 0.000000e+00 : f32
      %broadcast_in_dim3A_753 = vector.broadcast %jit3A_752 : f32 to vector<16xf32>
      %select_n3A_754 = arith.select %eq3A_751, %gather3A_198, %broadcast_in_dim3A_753 : vector<16xi1>, vector<16xf32>
      %add3A_755 = arith.constant 18 : i32
      %add3A_756 = vector.broadcast %add3A_755 : i32 to vector<16xi32>
      %add3A_757 = arith.addi %mul3A_587, %add3A_756 : vector<16xi32>
      tpu.vector_store_idx %arg9[%add3A_757], %select_n3A_754 : memref<16384xf32, #tpu.memory_space<vmem>>[vector<16xi32>], vector<16xf32>,
      %eq3A_758 = arith.constant 1 : i32
      %eq3A_759 = vector.broadcast %eq3A_758 : i32 to vector<16xi32>
      %eq3A_760 = arith.cmpi eq, %select_n3A_181, %eq3A_759 : vector<16xi32>
      %jit3A_761 = arith.constant 0.000000e+00 : f32
      %broadcast_in_dim3A_762 = vector.broadcast %jit3A_761 : f32 to vector<16xf32>
      %select_n3A_763 = arith.select %eq3A_760, %gather3A_202, %broadcast_in_dim3A_762 : vector<16xi1>, vector<16xf32>
      %add3A_764 = arith.constant 19 : i32
      %add3A_765 = vector.broadcast %add3A_764 : i32 to vector<16xi32>
      %add3A_766 = arith.addi %mul3A_587, %add3A_765 : vector<16xi32>
      tpu.vector_store_idx %arg9[%add3A_766], %select_n3A_763 : memref<16384xf32, #tpu.memory_space<vmem>>[vector<16xi32>], vector<16xf32>,
      %eq3A_767 = arith.constant 1 : i32
      %eq3A_768 = vector.broadcast %eq3A_767 : i32 to vector<16xi32>
      %eq3A_769 = arith.cmpi eq, %select_n3A_181, %eq3A_768 : vector<16xi32>
      %jit3A_770 = arith.constant 0.000000e+00 : f32
      %broadcast_in_dim3A_771 = vector.broadcast %jit3A_770 : f32 to vector<16xf32>
      %select_n3A_772 = arith.select %eq3A_769, %gather3A_206, %broadcast_in_dim3A_771 : vector<16xi1>, vector<16xf32>
      %add3A_773 = arith.constant 20 : i32
      %add3A_774 = vector.broadcast %add3A_773 : i32 to vector<16xi32>
      %add3A_775 = arith.addi %mul3A_587, %add3A_774 : vector<16xi32>
      tpu.vector_store_idx %arg9[%add3A_775], %select_n3A_772 : memref<16384xf32, #tpu.memory_space<vmem>>[vector<16xi32>], vector<16xf32>,
      %eq3A_776 = arith.constant 1 : i32
      %eq3A_777 = vector.broadcast %eq3A_776 : i32 to vector<16xi32>
      %eq3A_778 = arith.cmpi eq, %select_n3A_181, %eq3A_777 : vector<16xi32>
      %jit3A_779 = arith.constant 0.000000e+00 : f32
      %broadcast_in_dim3A_780 = vector.broadcast %jit3A_779 : f32 to vector<16xf32>
      %select_n3A_781 = arith.select %eq3A_778, %gather3A_210, %broadcast_in_dim3A_780 : vector<16xi1>, vector<16xf32>
      %add3A_782 = arith.constant 21 : i32
      %add3A_783 = vector.broadcast %add3A_782 : i32 to vector<16xi32>
      %add3A_784 = arith.addi %mul3A_587, %add3A_783 : vector<16xi32>
      tpu.vector_store_idx %arg9[%add3A_784], %select_n3A_781 : memref<16384xf32, #tpu.memory_space<vmem>>[vector<16xi32>], vector<16xf32>,
      %eq3A_785 = arith.constant 1 : i32
      %eq3A_786 = vector.broadcast %eq3A_785 : i32 to vector<16xi32>
      %eq3A_787 = arith.cmpi eq, %select_n3A_181, %eq3A_786 : vector<16xi32>
      %jit3A_788 = arith.constant 0.000000e+00 : f32
      %broadcast_in_dim3A_789 = vector.broadcast %jit3A_788 : f32 to vector<16xf32>
      %select_n3A_790 = arith.select %eq3A_787, %gather3A_214, %broadcast_in_dim3A_789 : vector<16xi1>, vector<16xf32>
      %add3A_791 = arith.constant 22 : i32
      %add3A_792 = vector.broadcast %add3A_791 : i32 to vector<16xi32>
      %add3A_793 = arith.addi %mul3A_587, %add3A_792 : vector<16xi32>
      tpu.vector_store_idx %arg9[%add3A_793], %select_n3A_790 : memref<16384xf32, #tpu.memory_space<vmem>>[vector<16xi32>], vector<16xf32>,
      %eq3A_794 = arith.constant 1 : i32
      %eq3A_795 = vector.broadcast %eq3A_794 : i32 to vector<16xi32>
      %eq3A_796 = arith.cmpi eq, %select_n3A_181, %eq3A_795 : vector<16xi32>
      %jit3A_797 = arith.constant 0.000000e+00 : f32
      %broadcast_in_dim3A_798 = vector.broadcast %jit3A_797 : f32 to vector<16xf32>
      %select_n3A_799 = arith.select %eq3A_796, %gather3A_218, %broadcast_in_dim3A_798 : vector<16xi1>, vector<16xf32>
      %add3A_800 = arith.constant 23 : i32
      %add3A_801 = vector.broadcast %add3A_800 : i32 to vector<16xi32>
      %add3A_802 = arith.addi %mul3A_587, %add3A_801 : vector<16xi32>
      tpu.vector_store_idx %arg9[%add3A_802], %select_n3A_799 : memref<16384xf32, #tpu.memory_space<vmem>>[vector<16xi32>], vector<16xf32>,
      %eq3A_803 = arith.constant 1 : i32
      %eq3A_804 = vector.broadcast %eq3A_803 : i32 to vector<16xi32>
      %eq3A_805 = arith.cmpi eq, %select_n3A_181, %eq3A_804 : vector<16xi32>
      %jit3A_806 = arith.constant 0.000000e+00 : f32
      %broadcast_in_dim3A_807 = vector.broadcast %jit3A_806 : f32 to vector<16xf32>
      %select_n3A_808 = arith.select %eq3A_805, %gather3A_222, %broadcast_in_dim3A_807 : vector<16xi1>, vector<16xf32>
      %add3A_809 = arith.constant 24 : i32
      %add3A_810 = vector.broadcast %add3A_809 : i32 to vector<16xi32>
      %add3A_811 = arith.addi %mul3A_587, %add3A_810 : vector<16xi32>
      tpu.vector_store_idx %arg9[%add3A_811], %select_n3A_808 : memref<16384xf32, #tpu.memory_space<vmem>>[vector<16xi32>], vector<16xf32>,
      %eq3A_812 = arith.constant 1 : i32
      %eq3A_813 = vector.broadcast %eq3A_812 : i32 to vector<16xi32>
      %eq3A_814 = arith.cmpi eq, %select_n3A_181, %eq3A_813 : vector<16xi32>
      %jit3A_815 = arith.constant 0.000000e+00 : f32
      %broadcast_in_dim3A_816 = vector.broadcast %jit3A_815 : f32 to vector<16xf32>
      %select_n3A_817 = arith.select %eq3A_814, %gather3A_226, %broadcast_in_dim3A_816 : vector<16xi1>, vector<16xf32>
      %add3A_818 = arith.constant 25 : i32
      %add3A_819 = vector.broadcast %add3A_818 : i32 to vector<16xi32>
      %add3A_820 = arith.addi %mul3A_587, %add3A_819 : vector<16xi32>
      tpu.vector_store_idx %arg9[%add3A_820], %select_n3A_817 : memref<16384xf32, #tpu.memory_space<vmem>>[vector<16xi32>], vector<16xf32>,
      %eq3A_821 = arith.constant 1 : i32
      %eq3A_822 = vector.broadcast %eq3A_821 : i32 to vector<16xi32>
      %eq3A_823 = arith.cmpi eq, %select_n3A_181, %eq3A_822 : vector<16xi32>
      %jit3A_824 = arith.constant 0.000000e+00 : f32
      %broadcast_in_dim3A_825 = vector.broadcast %jit3A_824 : f32 to vector<16xf32>
      %select_n3A_826 = arith.select %eq3A_823, %gather3A_230, %broadcast_in_dim3A_825 : vector<16xi1>, vector<16xf32>
      %add3A_827 = arith.constant 26 : i32
      %add3A_828 = vector.broadcast %add3A_827 : i32 to vector<16xi32>
      %add3A_829 = arith.addi %mul3A_587, %add3A_828 : vector<16xi32>
      tpu.vector_store_idx %arg9[%add3A_829], %select_n3A_826 : memref<16384xf32, #tpu.memory_space<vmem>>[vector<16xi32>], vector<16xf32>,
      %eq3A_830 = arith.constant 1 : i32
      %eq3A_831 = vector.broadcast %eq3A_830 : i32 to vector<16xi32>
      %eq3A_832 = arith.cmpi eq, %select_n3A_181, %eq3A_831 : vector<16xi32>
      %jit3A_833 = arith.constant 0.000000e+00 : f32
      %broadcast_in_dim3A_834 = vector.broadcast %jit3A_833 : f32 to vector<16xf32>
      %select_n3A_835 = arith.select %eq3A_832, %gather3A_234, %broadcast_in_dim3A_834 : vector<16xi1>, vector<16xf32>
      %add3A_836 = arith.constant 27 : i32
      %add3A_837 = vector.broadcast %add3A_836 : i32 to vector<16xi32>
      %add3A_838 = arith.addi %mul3A_587, %add3A_837 : vector<16xi32>
      tpu.vector_store_idx %arg9[%add3A_838], %select_n3A_835 : memref<16384xf32, #tpu.memory_space<vmem>>[vector<16xi32>], vector<16xf32>,
      %eq3A_839 = arith.constant 1 : i32
      %eq3A_840 = vector.broadcast %eq3A_839 : i32 to vector<16xi32>
      %eq3A_841 = arith.cmpi eq, %select_n3A_181, %eq3A_840 : vector<16xi32>
      %jit3A_842 = arith.constant 0.000000e+00 : f32
      %broadcast_in_dim3A_843 = vector.broadcast %jit3A_842 : f32 to vector<16xf32>
      %select_n3A_844 = arith.select %eq3A_841, %gather3A_238, %broadcast_in_dim3A_843 : vector<16xi1>, vector<16xf32>
      %add3A_845 = arith.constant 28 : i32
      %add3A_846 = vector.broadcast %add3A_845 : i32 to vector<16xi32>
      %add3A_847 = arith.addi %mul3A_587, %add3A_846 : vector<16xi32>
      tpu.vector_store_idx %arg9[%add3A_847], %select_n3A_844 : memref<16384xf32, #tpu.memory_space<vmem>>[vector<16xi32>], vector<16xf32>,
      %eq3A_848 = arith.constant 1 : i32
      %eq3A_849 = vector.broadcast %eq3A_848 : i32 to vector<16xi32>
      %eq3A_850 = arith.cmpi eq, %select_n3A_181, %eq3A_849 : vector<16xi32>
      %jit3A_851 = arith.constant 0.000000e+00 : f32
      %broadcast_in_dim3A_852 = vector.broadcast %jit3A_851 : f32 to vector<16xf32>
      %select_n3A_853 = arith.select %eq3A_850, %gather3A_242, %broadcast_in_dim3A_852 : vector<16xi1>, vector<16xf32>
      %add3A_854 = arith.constant 29 : i32
      %add3A_855 = vector.broadcast %add3A_854 : i32 to vector<16xi32>
      %add3A_856 = arith.addi %mul3A_587, %add3A_855 : vector<16xi32>
      tpu.vector_store_idx %arg9[%add3A_856], %select_n3A_853 : memref<16384xf32, #tpu.memory_space<vmem>>[vector<16xi32>], vector<16xf32>,
      %eq3A_857 = arith.constant 1 : i32
      %eq3A_858 = vector.broadcast %eq3A_857 : i32 to vector<16xi32>
      %eq3A_859 = arith.cmpi eq, %select_n3A_181, %eq3A_858 : vector<16xi32>
      %jit3A_860 = arith.constant 0.000000e+00 : f32
      %broadcast_in_dim3A_861 = vector.broadcast %jit3A_860 : f32 to vector<16xf32>
      %select_n3A_862 = arith.select %eq3A_859, %gather3A_246, %broadcast_in_dim3A_861 : vector<16xi1>, vector<16xf32>
      %add3A_863 = arith.constant 30 : i32
      %add3A_864 = vector.broadcast %add3A_863 : i32 to vector<16xi32>
      %add3A_865 = arith.addi %mul3A_587, %add3A_864 : vector<16xi32>
      tpu.vector_store_idx %arg9[%add3A_865], %select_n3A_862 : memref<16384xf32, #tpu.memory_space<vmem>>[vector<16xi32>], vector<16xf32>,
      %eq3A_866 = arith.constant 1 : i32
      %eq3A_867 = vector.broadcast %eq3A_866 : i32 to vector<16xi32>
      %eq3A_868 = arith.cmpi eq, %select_n3A_181, %eq3A_867 : vector<16xi32>
      %jit3A_869 = arith.constant 0.000000e+00 : f32
      %broadcast_in_dim3A_870 = vector.broadcast %jit3A_869 : f32 to vector<16xf32>
      %select_n3A_871 = arith.select %eq3A_868, %gather3A_250, %broadcast_in_dim3A_870 : vector<16xi1>, vector<16xf32>
      %add3A_872 = arith.constant 31 : i32
      %add3A_873 = vector.broadcast %add3A_872 : i32 to vector<16xi32>
      %add3A_874 = arith.addi %mul3A_587, %add3A_873 : vector<16xi32>
      tpu.vector_store_idx %arg9[%add3A_874], %select_n3A_871 : memref<16384xf32, #tpu.memory_space<vmem>>[vector<16xi32>], vector<16xf32>,
      %eq3A_875 = arith.constant 2 : i32
      %eq3A_876 = vector.broadcast %eq3A_875 : i32 to vector<16xi32>
      %eq3A_877 = arith.cmpi eq, %select_n3A_181, %eq3A_876 : vector<16xi32>
      %jit3A_878 = arith.constant 0.000000e+00 : f32
      %broadcast_in_dim3A_879 = vector.broadcast %jit3A_878 : f32 to vector<16xf32>
      %select_n3A_880 = arith.select %eq3A_877, %gather3A_190, %broadcast_in_dim3A_879 : vector<16xi1>, vector<16xf32>
      %add3A_881 = arith.constant 32 : i32
      %add3A_882 = vector.broadcast %add3A_881 : i32 to vector<16xi32>
      %add3A_883 = arith.addi %mul3A_587, %add3A_882 : vector<16xi32>
      tpu.vector_store_idx %arg9[%add3A_883], %select_n3A_880 : memref<16384xf32, #tpu.memory_space<vmem>>[vector<16xi32>], vector<16xf32>,
      %eq3A_884 = arith.constant 2 : i32
      %eq3A_885 = vector.broadcast %eq3A_884 : i32 to vector<16xi32>
      %eq3A_886 = arith.cmpi eq, %select_n3A_181, %eq3A_885 : vector<16xi32>
      %jit3A_887 = arith.constant 0.000000e+00 : f32
      %broadcast_in_dim3A_888 = vector.broadcast %jit3A_887 : f32 to vector<16xf32>
      %select_n3A_889 = arith.select %eq3A_886, %gather3A_194, %broadcast_in_dim3A_888 : vector<16xi1>, vector<16xf32>
      %add3A_890 = arith.constant 33 : i32
      %add3A_891 = vector.broadcast %add3A_890 : i32 to vector<16xi32>
      %add3A_892 = arith.addi %mul3A_587, %add3A_891 : vector<16xi32>
      tpu.vector_store_idx %arg9[%add3A_892], %select_n3A_889 : memref<16384xf32, #tpu.memory_space<vmem>>[vector<16xi32>], vector<16xf32>,
      %eq3A_893 = arith.constant 2 : i32
      %eq3A_894 = vector.broadcast %eq3A_893 : i32 to vector<16xi32>
      %eq3A_895 = arith.cmpi eq, %select_n3A_181, %eq3A_894 : vector<16xi32>
      %jit3A_896 = arith.constant 0.000000e+00 : f32
      %broadcast_in_dim3A_897 = vector.broadcast %jit3A_896 : f32 to vector<16xf32>
      %select_n3A_898 = arith.select %eq3A_895, %gather3A_198, %broadcast_in_dim3A_897 : vector<16xi1>, vector<16xf32>
      %add3A_899 = arith.constant 34 : i32
      %add3A_900 = vector.broadcast %add3A_899 : i32 to vector<16xi32>
      %add3A_901 = arith.addi %mul3A_587, %add3A_900 : vector<16xi32>
      tpu.vector_store_idx %arg9[%add3A_901], %select_n3A_898 : memref<16384xf32, #tpu.memory_space<vmem>>[vector<16xi32>], vector<16xf32>,
      %eq3A_902 = arith.constant 2 : i32
      %eq3A_903 = vector.broadcast %eq3A_902 : i32 to vector<16xi32>
      %eq3A_904 = arith.cmpi eq, %select_n3A_181, %eq3A_903 : vector<16xi32>
      %jit3A_905 = arith.constant 0.000000e+00 : f32
      %broadcast_in_dim3A_906 = vector.broadcast %jit3A_905 : f32 to vector<16xf32>
      %select_n3A_907 = arith.select %eq3A_904, %gather3A_202, %broadcast_in_dim3A_906 : vector<16xi1>, vector<16xf32>
      %add3A_908 = arith.constant 35 : i32
      %add3A_909 = vector.broadcast %add3A_908 : i32 to vector<16xi32>
      %add3A_910 = arith.addi %mul3A_587, %add3A_909 : vector<16xi32>
      tpu.vector_store_idx %arg9[%add3A_910], %select_n3A_907 : memref<16384xf32, #tpu.memory_space<vmem>>[vector<16xi32>], vector<16xf32>,
      %eq3A_911 = arith.constant 2 : i32
      %eq3A_912 = vector.broadcast %eq3A_911 : i32 to vector<16xi32>
      %eq3A_913 = arith.cmpi eq, %select_n3A_181, %eq3A_912 : vector<16xi32>
      %jit3A_914 = arith.constant 0.000000e+00 : f32
      %broadcast_in_dim3A_915 = vector.broadcast %jit3A_914 : f32 to vector<16xf32>
      %select_n3A_916 = arith.select %eq3A_913, %gather3A_206, %broadcast_in_dim3A_915 : vector<16xi1>, vector<16xf32>
      %add3A_917 = arith.constant 36 : i32
      %add3A_918 = vector.broadcast %add3A_917 : i32 to vector<16xi32>
      %add3A_919 = arith.addi %mul3A_587, %add3A_918 : vector<16xi32>
      tpu.vector_store_idx %arg9[%add3A_919], %select_n3A_916 : memref<16384xf32, #tpu.memory_space<vmem>>[vector<16xi32>], vector<16xf32>,
      %eq3A_920 = arith.constant 2 : i32
      %eq3A_921 = vector.broadcast %eq3A_920 : i32 to vector<16xi32>
      %eq3A_922 = arith.cmpi eq, %select_n3A_181, %eq3A_921 : vector<16xi32>
      %jit3A_923 = arith.constant 0.000000e+00 : f32
      %broadcast_in_dim3A_924 = vector.broadcast %jit3A_923 : f32 to vector<16xf32>
      %select_n3A_925 = arith.select %eq3A_922, %gather3A_210, %broadcast_in_dim3A_924 : vector<16xi1>, vector<16xf32>
      %add3A_926 = arith.constant 37 : i32
      %add3A_927 = vector.broadcast %add3A_926 : i32 to vector<16xi32>
      %add3A_928 = arith.addi %mul3A_587, %add3A_927 : vector<16xi32>
      tpu.vector_store_idx %arg9[%add3A_928], %select_n3A_925 : memref<16384xf32, #tpu.memory_space<vmem>>[vector<16xi32>], vector<16xf32>,
      %eq3A_929 = arith.constant 2 : i32
      %eq3A_930 = vector.broadcast %eq3A_929 : i32 to vector<16xi32>
      %eq3A_931 = arith.cmpi eq, %select_n3A_181, %eq3A_930 : vector<16xi32>
      %jit3A_932 = arith.constant 0.000000e+00 : f32
      %broadcast_in_dim3A_933 = vector.broadcast %jit3A_932 : f32 to vector<16xf32>
      %select_n3A_934 = arith.select %eq3A_931, %gather3A_214, %broadcast_in_dim3A_933 : vector<16xi1>, vector<16xf32>
      %add3A_935 = arith.constant 38 : i32
      %add3A_936 = vector.broadcast %add3A_935 : i32 to vector<16xi32>
      %add3A_937 = arith.addi %mul3A_587, %add3A_936 : vector<16xi32>
      tpu.vector_store_idx %arg9[%add3A_937], %select_n3A_934 : memref<16384xf32, #tpu.memory_space<vmem>>[vector<16xi32>], vector<16xf32>,
      %eq3A_938 = arith.constant 2 : i32
      %eq3A_939 = vector.broadcast %eq3A_938 : i32 to vector<16xi32>
      %eq3A_940 = arith.cmpi eq, %select_n3A_181, %eq3A_939 : vector<16xi32>
      %jit3A_941 = arith.constant 0.000000e+00 : f32
      %broadcast_in_dim3A_942 = vector.broadcast %jit3A_941 : f32 to vector<16xf32>
      %select_n3A_943 = arith.select %eq3A_940, %gather3A_218, %broadcast_in_dim3A_942 : vector<16xi1>, vector<16xf32>
      %add3A_944 = arith.constant 39 : i32
      %add3A_945 = vector.broadcast %add3A_944 : i32 to vector<16xi32>
      %add3A_946 = arith.addi %mul3A_587, %add3A_945 : vector<16xi32>
      tpu.vector_store_idx %arg9[%add3A_946], %select_n3A_943 : memref<16384xf32, #tpu.memory_space<vmem>>[vector<16xi32>], vector<16xf32>,
      %eq3A_947 = arith.constant 2 : i32
      %eq3A_948 = vector.broadcast %eq3A_947 : i32 to vector<16xi32>
      %eq3A_949 = arith.cmpi eq, %select_n3A_181, %eq3A_948 : vector<16xi32>
      %jit3A_950 = arith.constant 0.000000e+00 : f32
      %broadcast_in_dim3A_951 = vector.broadcast %jit3A_950 : f32 to vector<16xf32>
      %select_n3A_952 = arith.select %eq3A_949, %gather3A_222, %broadcast_in_dim3A_951 : vector<16xi1>, vector<16xf32>
      %add3A_953 = arith.constant 40 : i32
      %add3A_954 = vector.broadcast %add3A_953 : i32 to vector<16xi32>
      %add3A_955 = arith.addi %mul3A_587, %add3A_954 : vector<16xi32>
      tpu.vector_store_idx %arg9[%add3A_955], %select_n3A_952 : memref<16384xf32, #tpu.memory_space<vmem>>[vector<16xi32>], vector<16xf32>,
      %eq3A_956 = arith.constant 2 : i32
      %eq3A_957 = vector.broadcast %eq3A_956 : i32 to vector<16xi32>
      %eq3A_958 = arith.cmpi eq, %select_n3A_181, %eq3A_957 : vector<16xi32>
      %jit3A_959 = arith.constant 0.000000e+00 : f32
      %broadcast_in_dim3A_960 = vector.broadcast %jit3A_959 : f32 to vector<16xf32>
      %select_n3A_961 = arith.select %eq3A_958, %gather3A_226, %broadcast_in_dim3A_960 : vector<16xi1>, vector<16xf32>
      %add3A_962 = arith.constant 41 : i32
      %add3A_963 = vector.broadcast %add3A_962 : i32 to vector<16xi32>
      %add3A_964 = arith.addi %mul3A_587, %add3A_963 : vector<16xi32>
      tpu.vector_store_idx %arg9[%add3A_964], %select_n3A_961 : memref<16384xf32, #tpu.memory_space<vmem>>[vector<16xi32>], vector<16xf32>,
      %eq3A_965 = arith.constant 2 : i32
      %eq3A_966 = vector.broadcast %eq3A_965 : i32 to vector<16xi32>
      %eq3A_967 = arith.cmpi eq, %select_n3A_181, %eq3A_966 : vector<16xi32>
      %jit3A_968 = arith.constant 0.000000e+00 : f32
      %broadcast_in_dim3A_969 = vector.broadcast %jit3A_968 : f32 to vector<16xf32>
      %select_n3A_970 = arith.select %eq3A_967, %gather3A_230, %broadcast_in_dim3A_969 : vector<16xi1>, vector<16xf32>
      %add3A_971 = arith.constant 42 : i32
      %add3A_972 = vector.broadcast %add3A_971 : i32 to vector<16xi32>
      %add3A_973 = arith.addi %mul3A_587, %add3A_972 : vector<16xi32>
      tpu.vector_store_idx %arg9[%add3A_973], %select_n3A_970 : memref<16384xf32, #tpu.memory_space<vmem>>[vector<16xi32>], vector<16xf32>,
      %eq3A_974 = arith.constant 2 : i32
      %eq3A_975 = vector.broadcast %eq3A_974 : i32 to vector<16xi32>
      %eq3A_976 = arith.cmpi eq, %select_n3A_181, %eq3A_975 : vector<16xi32>
      %jit3A_977 = arith.constant 0.000000e+00 : f32
      %broadcast_in_dim3A_978 = vector.broadcast %jit3A_977 : f32 to vector<16xf32>
      %select_n3A_979 = arith.select %eq3A_976, %gather3A_234, %broadcast_in_dim3A_978 : vector<16xi1>, vector<16xf32>
      %add3A_980 = arith.constant 43 : i32
      %add3A_981 = vector.broadcast %add3A_980 : i32 to vector<16xi32>
      %add3A_982 = arith.addi %mul3A_587, %add3A_981 : vector<16xi32>
      tpu.vector_store_idx %arg9[%add3A_982], %select_n3A_979 : memref<16384xf32, #tpu.memory_space<vmem>>[vector<16xi32>], vector<16xf32>,
      %eq3A_983 = arith.constant 2 : i32
      %eq3A_984 = vector.broadcast %eq3A_983 : i32 to vector<16xi32>
      %eq3A_985 = arith.cmpi eq, %select_n3A_181, %eq3A_984 : vector<16xi32>
      %jit3A_986 = arith.constant 0.000000e+00 : f32
      %broadcast_in_dim3A_987 = vector.broadcast %jit3A_986 : f32 to vector<16xf32>
      %select_n3A_988 = arith.select %eq3A_985, %gather3A_238, %broadcast_in_dim3A_987 : vector<16xi1>, vector<16xf32>
      %add3A_989 = arith.constant 44 : i32
      %add3A_990 = vector.broadcast %add3A_989 : i32 to vector<16xi32>
      %add3A_991 = arith.addi %mul3A_587, %add3A_990 : vector<16xi32>
      tpu.vector_store_idx %arg9[%add3A_991], %select_n3A_988 : memref<16384xf32, #tpu.memory_space<vmem>>[vector<16xi32>], vector<16xf32>,
      %eq3A_992 = arith.constant 2 : i32
      %eq3A_993 = vector.broadcast %eq3A_992 : i32 to vector<16xi32>
      %eq3A_994 = arith.cmpi eq, %select_n3A_181, %eq3A_993 : vector<16xi32>
      %jit3A_995 = arith.constant 0.000000e+00 : f32
      %broadcast_in_dim3A_996 = vector.broadcast %jit3A_995 : f32 to vector<16xf32>
      %select_n3A_997 = arith.select %eq3A_994, %gather3A_242, %broadcast_in_dim3A_996 : vector<16xi1>, vector<16xf32>
      %add3A_998 = arith.constant 45 : i32
      %add3A_999 = vector.broadcast %add3A_998 : i32 to vector<16xi32>
      %add3A_1000 = arith.addi %mul3A_587, %add3A_999 : vector<16xi32>
      tpu.vector_store_idx %arg9[%add3A_1000], %select_n3A_997 : memref<16384xf32, #tpu.memory_space<vmem>>[vector<16xi32>], vector<16xf32>,
      %eq3A_1001 = arith.constant 2 : i32
      %eq3A_1002 = vector.broadcast %eq3A_1001 : i32 to vector<16xi32>
      %eq3A_1003 = arith.cmpi eq, %select_n3A_181, %eq3A_1002 : vector<16xi32>
      %jit3A_1004 = arith.constant 0.000000e+00 : f32
      %broadcast_in_dim3A_1005 = vector.broadcast %jit3A_1004 : f32 to vector<16xf32>
      %select_n3A_1006 = arith.select %eq3A_1003, %gather3A_246, %broadcast_in_dim3A_1005 : vector<16xi1>, vector<16xf32>
      %add3A_1007 = arith.constant 46 : i32
      %add3A_1008 = vector.broadcast %add3A_1007 : i32 to vector<16xi32>
      %add3A_1009 = arith.addi %mul3A_587, %add3A_1008 : vector<16xi32>
      tpu.vector_store_idx %arg9[%add3A_1009], %select_n3A_1006 : memref<16384xf32, #tpu.memory_space<vmem>>[vector<16xi32>], vector<16xf32>,
      %eq3A_1010 = arith.constant 2 : i32
      %eq3A_1011 = vector.broadcast %eq3A_1010 : i32 to vector<16xi32>
      %eq3A_1012 = arith.cmpi eq, %select_n3A_181, %eq3A_1011 : vector<16xi32>
      %jit3A_1013 = arith.constant 0.000000e+00 : f32
      %broadcast_in_dim3A_1014 = vector.broadcast %jit3A_1013 : f32 to vector<16xf32>
      %select_n3A_1015 = arith.select %eq3A_1012, %gather3A_250, %broadcast_in_dim3A_1014 : vector<16xi1>, vector<16xf32>
      %add3A_1016 = arith.constant 47 : i32
      %add3A_1017 = vector.broadcast %add3A_1016 : i32 to vector<16xi32>
      %add3A_1018 = arith.addi %mul3A_587, %add3A_1017 : vector<16xi32>
      tpu.vector_store_idx %arg9[%add3A_1018], %select_n3A_1015 : memref<16384xf32, #tpu.memory_space<vmem>>[vector<16xi32>], vector<16xf32>,
      %eq3A_1019 = arith.constant 3 : i32
      %eq3A_1020 = vector.broadcast %eq3A_1019 : i32 to vector<16xi32>
      %eq3A_1021 = arith.cmpi eq, %select_n3A_181, %eq3A_1020 : vector<16xi32>
      %jit3A_1022 = arith.constant 0.000000e+00 : f32
      %broadcast_in_dim3A_1023 = vector.broadcast %jit3A_1022 : f32 to vector<16xf32>
      %select_n3A_1024 = arith.select %eq3A_1021, %gather3A_190, %broadcast_in_dim3A_1023 : vector<16xi1>, vector<16xf32>
      %add3A_1025 = arith.constant 48 : i32
      %add3A_1026 = vector.broadcast %add3A_1025 : i32 to vector<16xi32>
      %add3A_1027 = arith.addi %mul3A_587, %add3A_1026 : vector<16xi32>
      tpu.vector_store_idx %arg9[%add3A_1027], %select_n3A_1024 : memref<16384xf32, #tpu.memory_space<vmem>>[vector<16xi32>], vector<16xf32>,
      %eq3A_1028 = arith.constant 3 : i32
      %eq3A_1029 = vector.broadcast %eq3A_1028 : i32 to vector<16xi32>
      %eq3A_1030 = arith.cmpi eq, %select_n3A_181, %eq3A_1029 : vector<16xi32>
      %jit3A_1031 = arith.constant 0.000000e+00 : f32
      %broadcast_in_dim3A_1032 = vector.broadcast %jit3A_1031 : f32 to vector<16xf32>
      %select_n3A_1033 = arith.select %eq3A_1030, %gather3A_194, %broadcast_in_dim3A_1032 : vector<16xi1>, vector<16xf32>
      %add3A_1034 = arith.constant 49 : i32
      %add3A_1035 = vector.broadcast %add3A_1034 : i32 to vector<16xi32>
      %add3A_1036 = arith.addi %mul3A_587, %add3A_1035 : vector<16xi32>
      tpu.vector_store_idx %arg9[%add3A_1036], %select_n3A_1033 : memref<16384xf32, #tpu.memory_space<vmem>>[vector<16xi32>], vector<16xf32>,
      %eq3A_1037 = arith.constant 3 : i32
      %eq3A_1038 = vector.broadcast %eq3A_1037 : i32 to vector<16xi32>
      %eq3A_1039 = arith.cmpi eq, %select_n3A_181, %eq3A_1038 : vector<16xi32>
      %jit3A_1040 = arith.constant 0.000000e+00 : f32
      %broadcast_in_dim3A_1041 = vector.broadcast %jit3A_1040 : f32 to vector<16xf32>
      %select_n3A_1042 = arith.select %eq3A_1039, %gather3A_198, %broadcast_in_dim3A_1041 : vector<16xi1>, vector<16xf32>
      %add3A_1043 = arith.constant 50 : i32
      %add3A_1044 = vector.broadcast %add3A_1043 : i32 to vector<16xi32>
      %add3A_1045 = arith.addi %mul3A_587, %add3A_1044 : vector<16xi32>
      tpu.vector_store_idx %arg9[%add3A_1045], %select_n3A_1042 : memref<16384xf32, #tpu.memory_space<vmem>>[vector<16xi32>], vector<16xf32>,
      %eq3A_1046 = arith.constant 3 : i32
      %eq3A_1047 = vector.broadcast %eq3A_1046 : i32 to vector<16xi32>
      %eq3A_1048 = arith.cmpi eq, %select_n3A_181, %eq3A_1047 : vector<16xi32>
      %jit3A_1049 = arith.constant 0.000000e+00 : f32
      %broadcast_in_dim3A_1050 = vector.broadcast %jit3A_1049 : f32 to vector<16xf32>
      %select_n3A_1051 = arith.select %eq3A_1048, %gather3A_202, %broadcast_in_dim3A_1050 : vector<16xi1>, vector<16xf32>
      %add3A_1052 = arith.constant 51 : i32
      %add3A_1053 = vector.broadcast %add3A_1052 : i32 to vector<16xi32>
      %add3A_1054 = arith.addi %mul3A_587, %add3A_1053 : vector<16xi32>
      tpu.vector_store_idx %arg9[%add3A_1054], %select_n3A_1051 : memref<16384xf32, #tpu.memory_space<vmem>>[vector<16xi32>], vector<16xf32>,
      %eq3A_1055 = arith.constant 3 : i32
      %eq3A_1056 = vector.broadcast %eq3A_1055 : i32 to vector<16xi32>
      %eq3A_1057 = arith.cmpi eq, %select_n3A_181, %eq3A_1056 : vector<16xi32>
      %jit3A_1058 = arith.constant 0.000000e+00 : f32
      %broadcast_in_dim3A_1059 = vector.broadcast %jit3A_1058 : f32 to vector<16xf32>
      %select_n3A_1060 = arith.select %eq3A_1057, %gather3A_206, %broadcast_in_dim3A_1059 : vector<16xi1>, vector<16xf32>
      %add3A_1061 = arith.constant 52 : i32
      %add3A_1062 = vector.broadcast %add3A_1061 : i32 to vector<16xi32>
      %add3A_1063 = arith.addi %mul3A_587, %add3A_1062 : vector<16xi32>
      tpu.vector_store_idx %arg9[%add3A_1063], %select_n3A_1060 : memref<16384xf32, #tpu.memory_space<vmem>>[vector<16xi32>], vector<16xf32>,
      %eq3A_1064 = arith.constant 3 : i32
      %eq3A_1065 = vector.broadcast %eq3A_1064 : i32 to vector<16xi32>
      %eq3A_1066 = arith.cmpi eq, %select_n3A_181, %eq3A_1065 : vector<16xi32>
      %jit3A_1067 = arith.constant 0.000000e+00 : f32
      %broadcast_in_dim3A_1068 = vector.broadcast %jit3A_1067 : f32 to vector<16xf32>
      %select_n3A_1069 = arith.select %eq3A_1066, %gather3A_210, %broadcast_in_dim3A_1068 : vector<16xi1>, vector<16xf32>
      %add3A_1070 = arith.constant 53 : i32
      %add3A_1071 = vector.broadcast %add3A_1070 : i32 to vector<16xi32>
      %add3A_1072 = arith.addi %mul3A_587, %add3A_1071 : vector<16xi32>
      tpu.vector_store_idx %arg9[%add3A_1072], %select_n3A_1069 : memref<16384xf32, #tpu.memory_space<vmem>>[vector<16xi32>], vector<16xf32>,
      %eq3A_1073 = arith.constant 3 : i32
      %eq3A_1074 = vector.broadcast %eq3A_1073 : i32 to vector<16xi32>
      %eq3A_1075 = arith.cmpi eq, %select_n3A_181, %eq3A_1074 : vector<16xi32>
      %jit3A_1076 = arith.constant 0.000000e+00 : f32
      %broadcast_in_dim3A_1077 = vector.broadcast %jit3A_1076 : f32 to vector<16xf32>
      %select_n3A_1078 = arith.select %eq3A_1075, %gather3A_214, %broadcast_in_dim3A_1077 : vector<16xi1>, vector<16xf32>
      %add3A_1079 = arith.constant 54 : i32
      %add3A_1080 = vector.broadcast %add3A_1079 : i32 to vector<16xi32>
      %add3A_1081 = arith.addi %mul3A_587, %add3A_1080 : vector<16xi32>
      tpu.vector_store_idx %arg9[%add3A_1081], %select_n3A_1078 : memref<16384xf32, #tpu.memory_space<vmem>>[vector<16xi32>], vector<16xf32>,
      %eq3A_1082 = arith.constant 3 : i32
      %eq3A_1083 = vector.broadcast %eq3A_1082 : i32 to vector<16xi32>
      %eq3A_1084 = arith.cmpi eq, %select_n3A_181, %eq3A_1083 : vector<16xi32>
      %jit3A_1085 = arith.constant 0.000000e+00 : f32
      %broadcast_in_dim3A_1086 = vector.broadcast %jit3A_1085 : f32 to vector<16xf32>
      %select_n3A_1087 = arith.select %eq3A_1084, %gather3A_218, %broadcast_in_dim3A_1086 : vector<16xi1>, vector<16xf32>
      %add3A_1088 = arith.constant 55 : i32
      %add3A_1089 = vector.broadcast %add3A_1088 : i32 to vector<16xi32>
      %add3A_1090 = arith.addi %mul3A_587, %add3A_1089 : vector<16xi32>
      tpu.vector_store_idx %arg9[%add3A_1090], %select_n3A_1087 : memref<16384xf32, #tpu.memory_space<vmem>>[vector<16xi32>], vector<16xf32>,
      %eq3A_1091 = arith.constant 3 : i32
      %eq3A_1092 = vector.broadcast %eq3A_1091 : i32 to vector<16xi32>
      %eq3A_1093 = arith.cmpi eq, %select_n3A_181, %eq3A_1092 : vector<16xi32>
      %jit3A_1094 = arith.constant 0.000000e+00 : f32
      %broadcast_in_dim3A_1095 = vector.broadcast %jit3A_1094 : f32 to vector<16xf32>
      %select_n3A_1096 = arith.select %eq3A_1093, %gather3A_222, %broadcast_in_dim3A_1095 : vector<16xi1>, vector<16xf32>
      %add3A_1097 = arith.constant 56 : i32
      %add3A_1098 = vector.broadcast %add3A_1097 : i32 to vector<16xi32>
      %add3A_1099 = arith.addi %mul3A_587, %add3A_1098 : vector<16xi32>
      tpu.vector_store_idx %arg9[%add3A_1099], %select_n3A_1096 : memref<16384xf32, #tpu.memory_space<vmem>>[vector<16xi32>], vector<16xf32>,
      %eq3A_1100 = arith.constant 3 : i32
      %eq3A_1101 = vector.broadcast %eq3A_1100 : i32 to vector<16xi32>
      %eq3A_1102 = arith.cmpi eq, %select_n3A_181, %eq3A_1101 : vector<16xi32>
      %jit3A_1103 = arith.constant 0.000000e+00 : f32
      %broadcast_in_dim3A_1104 = vector.broadcast %jit3A_1103 : f32 to vector<16xf32>
      %select_n3A_1105 = arith.select %eq3A_1102, %gather3A_226, %broadcast_in_dim3A_1104 : vector<16xi1>, vector<16xf32>
      %add3A_1106 = arith.constant 57 : i32
      %add3A_1107 = vector.broadcast %add3A_1106 : i32 to vector<16xi32>
      %add3A_1108 = arith.addi %mul3A_587, %add3A_1107 : vector<16xi32>
      tpu.vector_store_idx %arg9[%add3A_1108], %select_n3A_1105 : memref<16384xf32, #tpu.memory_space<vmem>>[vector<16xi32>], vector<16xf32>,
      %eq3A_1109 = arith.constant 3 : i32
      %eq3A_1110 = vector.broadcast %eq3A_1109 : i32 to vector<16xi32>
      %eq3A_1111 = arith.cmpi eq, %select_n3A_181, %eq3A_1110 : vector<16xi32>
      %jit3A_1112 = arith.constant 0.000000e+00 : f32
      %broadcast_in_dim3A_1113 = vector.broadcast %jit3A_1112 : f32 to vector<16xf32>
      %select_n3A_1114 = arith.select %eq3A_1111, %gather3A_230, %broadcast_in_dim3A_1113 : vector<16xi1>, vector<16xf32>
      %add3A_1115 = arith.constant 58 : i32
      %add3A_1116 = vector.broadcast %add3A_1115 : i32 to vector<16xi32>
      %add3A_1117 = arith.addi %mul3A_587, %add3A_1116 : vector<16xi32>
      tpu.vector_store_idx %arg9[%add3A_1117], %select_n3A_1114 : memref<16384xf32, #tpu.memory_space<vmem>>[vector<16xi32>], vector<16xf32>,
      %eq3A_1118 = arith.constant 3 : i32
      %eq3A_1119 = vector.broadcast %eq3A_1118 : i32 to vector<16xi32>
      %eq3A_1120 = arith.cmpi eq, %select_n3A_181, %eq3A_1119 : vector<16xi32>
      %jit3A_1121 = arith.constant 0.000000e+00 : f32
      %broadcast_in_dim3A_1122 = vector.broadcast %jit3A_1121 : f32 to vector<16xf32>
      %select_n3A_1123 = arith.select %eq3A_1120, %gather3A_234, %broadcast_in_dim3A_1122 : vector<16xi1>, vector<16xf32>
      %add3A_1124 = arith.constant 59 : i32
      %add3A_1125 = vector.broadcast %add3A_1124 : i32 to vector<16xi32>
      %add3A_1126 = arith.addi %mul3A_587, %add3A_1125 : vector<16xi32>
      tpu.vector_store_idx %arg9[%add3A_1126], %select_n3A_1123 : memref<16384xf32, #tpu.memory_space<vmem>>[vector<16xi32>], vector<16xf32>,
      %eq3A_1127 = arith.constant 3 : i32
      %eq3A_1128 = vector.broadcast %eq3A_1127 : i32 to vector<16xi32>
      %eq3A_1129 = arith.cmpi eq, %select_n3A_181, %eq3A_1128 : vector<16xi32>
      %jit3A_1130 = arith.constant 0.000000e+00 : f32
      %broadcast_in_dim3A_1131 = vector.broadcast %jit3A_1130 : f32 to vector<16xf32>
      %select_n3A_1132 = arith.select %eq3A_1129, %gather3A_238, %broadcast_in_dim3A_1131 : vector<16xi1>, vector<16xf32>
      %add3A_1133 = arith.constant 60 : i32
      %add3A_1134 = vector.broadcast %add3A_1133 : i32 to vector<16xi32>
      %add3A_1135 = arith.addi %mul3A_587, %add3A_1134 : vector<16xi32>
      tpu.vector_store_idx %arg9[%add3A_1135], %select_n3A_1132 : memref<16384xf32, #tpu.memory_space<vmem>>[vector<16xi32>], vector<16xf32>,
      %eq3A_1136 = arith.constant 3 : i32
      %eq3A_1137 = vector.broadcast %eq3A_1136 : i32 to vector<16xi32>
      %eq3A_1138 = arith.cmpi eq, %select_n3A_181, %eq3A_1137 : vector<16xi32>
      %jit3A_1139 = arith.constant 0.000000e+00 : f32
      %broadcast_in_dim3A_1140 = vector.broadcast %jit3A_1139 : f32 to vector<16xf32>
      %select_n3A_1141 = arith.select %eq3A_1138, %gather3A_242, %broadcast_in_dim3A_1140 : vector<16xi1>, vector<16xf32>
      %add3A_1142 = arith.constant 61 : i32
      %add3A_1143 = vector.broadcast %add3A_1142 : i32 to vector<16xi32>
      %add3A_1144 = arith.addi %mul3A_587, %add3A_1143 : vector<16xi32>
      tpu.vector_store_idx %arg9[%add3A_1144], %select_n3A_1141 : memref<16384xf32, #tpu.memory_space<vmem>>[vector<16xi32>], vector<16xf32>,
      %eq3A_1145 = arith.constant 3 : i32
      %eq3A_1146 = vector.broadcast %eq3A_1145 : i32 to vector<16xi32>
      %eq3A_1147 = arith.cmpi eq, %select_n3A_181, %eq3A_1146 : vector<16xi32>
      %jit3A_1148 = arith.constant 0.000000e+00 : f32
      %broadcast_in_dim3A_1149 = vector.broadcast %jit3A_1148 : f32 to vector<16xf32>
      %select_n3A_1150 = arith.select %eq3A_1147, %gather3A_246, %broadcast_in_dim3A_1149 : vector<16xi1>, vector<16xf32>
      %add3A_1151 = arith.constant 62 : i32
      %add3A_1152 = vector.broadcast %add3A_1151 : i32 to vector<16xi32>
      %add3A_1153 = arith.addi %mul3A_587, %add3A_1152 : vector<16xi32>
      tpu.vector_store_idx %arg9[%add3A_1153], %select_n3A_1150 : memref<16384xf32, #tpu.memory_space<vmem>>[vector<16xi32>], vector<16xf32>,
      %eq3A_1154 = arith.constant 3 : i32
      %eq3A_1155 = vector.broadcast %eq3A_1154 : i32 to vector<16xi32>
      %eq3A_1156 = arith.cmpi eq, %select_n3A_181, %eq3A_1155 : vector<16xi32>
      %jit3A_1157 = arith.constant 0.000000e+00 : f32
      %broadcast_in_dim3A_1158 = vector.broadcast %jit3A_1157 : f32 to vector<16xf32>
      %select_n3A_1159 = arith.select %eq3A_1156, %gather3A_250, %broadcast_in_dim3A_1158 : vector<16xi1>, vector<16xf32>
      %add3A_1160 = arith.constant 63 : i32
      %add3A_1161 = vector.broadcast %add3A_1160 : i32 to vector<16xi32>
      %add3A_1162 = arith.addi %mul3A_587, %add3A_1161 : vector<16xi32>
      tpu.vector_store_idx %arg9[%add3A_1162], %select_n3A_1159 : memref<16384xf32, #tpu.memory_space<vmem>>[vector<16xi32>], vector<16xf32>,
      %add3A_1163 = arith.addf %scan3A_145, %sub3A_492 : vector<16xf32>
      %add3A_1164 = arith.addf %scan3A_146, %mul3A_497 : vector<16xf32>
      scf.yield %add3A_1163, %add3A_1164 : vector<16xf32>, vector<16xf32>
    }
    %scan3A_137 = arith.constant 16 : i32
    %swap3A_138 = arith.constant 0 : index
    %swap3A_139 = tpu.vector_load %arg13[%swap3A_138] {strides = array<i32>} : memref<32xf32, #tpu.memory_space<vmem>>, vector<16xf32>,
    tpu.vector_store %arg13[%swap3A_138], %scan3A_136#0 {strides = array<i32>} : memref<32xf32, #tpu.memory_space<vmem>>, vector<16xf32>,
    %swap3A_140 = arith.constant 16 : index
    %swap3A_141 = tpu.vector_load %arg13[%swap3A_140] {strides = array<i32>} : memref<32xf32, #tpu.memory_space<vmem>>, vector<16xf32>,
    tpu.vector_store %arg13[%swap3A_140], %scan3A_136#1 {strides = array<i32>} : memref<32xf32, #tpu.memory_space<vmem>>, vector<16xf32>,
    %mul3A_142 = arith.constant 64 : i32
    %mul3A_143 = arith.muli %mul3A_2, %mul3A_142 : i32
    "tpu.region"() ({
      %run_scoped3A = tpu.sem_alloc : memref<!tpu.dma_semaphore, #tpu.memory_space<semaphore_mem>>
      %dma_start3A = tpu.memref_slice %arg3[%mul3A_143] : memref<524288xf32, #tpu.memory_space<hbm>> -> memref<16384xf32, #tpu.memory_space<hbm>>
      %dma_start3A_144 = tpu.memref_slice %arg3[%mul3A_143] : memref<524288xf32, #tpu.memory_space<hbm>> -> memref<16384xf32, #tpu.memory_space<hbm>>
      tpu.enqueue_dma source(%arg9 : memref<16384xf32, #tpu.memory_space<vmem>>) target(%dma_start3A_144 : memref<16384xf32, #tpu.memory_space<hbm>>) target_semaphore(%run_scoped3A : memref<!tpu.dma_semaphore, #tpu.memory_space<semaphore_mem>>)
      %dma_wait3A = tpu.memref_slice %arg3[%mul3A_143] : memref<524288xf32, #tpu.memory_space<hbm>> -> memref<16384xf32, #tpu.memory_space<hbm>>
      %dma_wait3A_145 = tpu.memref_slice %arg3[%mul3A_143] : memref<524288xf32, #tpu.memory_space<hbm>> -> memref<16384xf32, #tpu.memory_space<hbm>>
      tpu.wait_dma2 semaphore(%run_scoped3A : memref<!tpu.dma_semaphore, #tpu.memory_space<semaphore_mem>>) src(%arg9 : memref<16384xf32, #tpu.memory_space<vmem>>) dst(%dma_wait3A_145 : memref<16384xf32, #tpu.memory_space<hbm>>)
      tpu.yield
    }) : () -> ()
    "tpu.region"() ({
      %run_scoped3A = tpu.sem_alloc : memref<!tpu.dma_semaphore, #tpu.memory_space<semaphore_mem>>
      %dma_start3A = tpu.memref_slice %arg4[%mul3A_2] : memref<8192xi32, #tpu.memory_space<hbm>> -> memref<256xi32, #tpu.memory_space<hbm>>
      %dma_start3A_144 = tpu.memref_slice %arg4[%mul3A_2] : memref<8192xi32, #tpu.memory_space<hbm>> -> memref<256xi32, #tpu.memory_space<hbm>>
      tpu.enqueue_dma source(%arg10 : memref<256xi32, #tpu.memory_space<vmem>>) target(%dma_start3A_144 : memref<256xi32, #tpu.memory_space<hbm>>) target_semaphore(%run_scoped3A : memref<!tpu.dma_semaphore, #tpu.memory_space<semaphore_mem>>)
      %dma_wait3A = tpu.memref_slice %arg4[%mul3A_2] : memref<8192xi32, #tpu.memory_space<hbm>> -> memref<256xi32, #tpu.memory_space<hbm>>
      %dma_wait3A_145 = tpu.memref_slice %arg4[%mul3A_2] : memref<8192xi32, #tpu.memory_space<hbm>> -> memref<256xi32, #tpu.memory_space<hbm>>
      tpu.wait_dma2 semaphore(%run_scoped3A : memref<!tpu.dma_semaphore, #tpu.memory_space<semaphore_mem>>) src(%arg10 : memref<256xi32, #tpu.memory_space<vmem>>) dst(%dma_wait3A_145 : memref<256xi32, #tpu.memory_space<hbm>>)
      tpu.yield
    }) : () -> ()
    "tpu.region"() ({
      %run_scoped3A = tpu.sem_alloc : memref<!tpu.dma_semaphore, #tpu.memory_space<semaphore_mem>>
      %dma_start3A = tpu.memref_slice %arg5[%mul3A_2] : memref<8192xf32, #tpu.memory_space<hbm>> -> memref<256xf32, #tpu.memory_space<hbm>>
      %dma_start3A_144 = tpu.memref_slice %arg5[%mul3A_2] : memref<8192xf32, #tpu.memory_space<hbm>> -> memref<256xf32, #tpu.memory_space<hbm>>
      tpu.enqueue_dma source(%arg11 : memref<256xf32, #tpu.memory_space<vmem>>) target(%dma_start3A_144 : memref<256xf32, #tpu.memory_space<hbm>>) target_semaphore(%run_scoped3A : memref<!tpu.dma_semaphore, #tpu.memory_space<semaphore_mem>>)
      %dma_wait3A = tpu.memref_slice %arg5[%mul3A_2] : memref<8192xf32, #tpu.memory_space<hbm>> -> memref<256xf32, #tpu.memory_space<hbm>>
      %dma_wait3A_145 = tpu.memref_slice %arg5[%mul3A_2] : memref<8192xf32, #tpu.memory_space<hbm>> -> memref<256xf32, #tpu.memory_space<hbm>>
      tpu.wait_dma2 semaphore(%run_scoped3A : memref<!tpu.dma_semaphore, #tpu.memory_space<semaphore_mem>>) src(%arg11 : memref<256xf32, #tpu.memory_space<vmem>>) dst(%dma_wait3A_145 : memref<256xf32, #tpu.memory_space<hbm>>)
      tpu.yield
    }) : () -> ()
    "tpu.region"() ({
      %run_scoped3A = tpu.sem_alloc : memref<!tpu.dma_semaphore, #tpu.memory_space<semaphore_mem>>
      %dma_start3A = arith.constant 0 : i32
      %dma_start3A_144 = tpu.memref_slice %arg6[%add3A, %dma_start3A] : memref<32x1024xf32, #tpu.memory_space<hbm>> -> memref<1x1024xf32, #tpu.memory_space<hbm>>
      %dma_start3A_145 = tpu.memref_squeeze %dma_start3A_144 : memref<1x1024xf32, #tpu.memory_space<hbm>> -> memref<1024xf32, #tpu.memory_space<hbm>>
      %dma_start3A_146 = arith.constant 0 : i32
      %dma_start3A_147 = tpu.memref_slice %arg6[%add3A, %dma_start3A_146] : memref<32x1024xf32, #tpu.memory_space<hbm>> -> memref<1x1024xf32, #tpu.memory_space<hbm>>
      %dma_start3A_148 = tpu.memref_squeeze %dma_start3A_147 : memref<1x1024xf32, #tpu.memory_space<hbm>> -> memref<1024xf32, #tpu.memory_space<hbm>>
      tpu.enqueue_dma source(%arg12 : memref<1024xf32, #tpu.memory_space<vmem>>) target(%dma_start3A_148 : memref<1024xf32, #tpu.memory_space<hbm>>) target_semaphore(%run_scoped3A : memref<!tpu.dma_semaphore, #tpu.memory_space<semaphore_mem>>)
      %dma_wait3A = arith.constant 0 : i32
      %dma_wait3A_149 = tpu.memref_slice %arg6[%add3A, %dma_wait3A] : memref<32x1024xf32, #tpu.memory_space<hbm>> -> memref<1x1024xf32, #tpu.memory_space<hbm>>
      %dma_wait3A_150 = tpu.memref_squeeze %dma_wait3A_149 : memref<1x1024xf32, #tpu.memory_space<hbm>> -> memref<1024xf32, #tpu.memory_space<hbm>>
      %dma_wait3A_151 = arith.constant 0 : i32
      %dma_wait3A_152 = tpu.memref_slice %arg6[%add3A, %dma_wait3A_151] : memref<32x1024xf32, #tpu.memory_space<hbm>> -> memref<1x1024xf32, #tpu.memory_space<hbm>>
      %dma_wait3A_153 = tpu.memref_squeeze %dma_wait3A_152 : memref<1x1024xf32, #tpu.memory_space<hbm>> -> memref<1024xf32, #tpu.memory_space<hbm>>
      tpu.wait_dma2 semaphore(%run_scoped3A : memref<!tpu.dma_semaphore, #tpu.memory_space<semaphore_mem>>) src(%arg12 : memref<1024xf32, #tpu.memory_space<vmem>>) dst(%dma_wait3A_153 : memref<1024xf32, #tpu.memory_space<hbm>>)
      tpu.yield
    }) : () -> ()
    "tpu.region"() ({
      %run_scoped3A = tpu.sem_alloc : memref<!tpu.dma_semaphore, #tpu.memory_space<semaphore_mem>>
      %dma_start3A = arith.constant 0 : i32
      %dma_start3A_144 = tpu.memref_slice %arg7[%add3A, %dma_start3A] : memref<32x32xf32, #tpu.memory_space<hbm>> -> memref<1x32xf32, #tpu.memory_space<hbm>>
      %dma_start3A_145 = tpu.memref_squeeze %dma_start3A_144 : memref<1x32xf32, #tpu.memory_space<hbm>> -> memref<32xf32, #tpu.memory_space<hbm>>
      %dma_start3A_146 = arith.constant 0 : i32
      %dma_start3A_147 = tpu.memref_slice %arg7[%add3A, %dma_start3A_146] : memref<32x32xf32, #tpu.memory_space<hbm>> -> memref<1x32xf32, #tpu.memory_space<hbm>>
      %dma_start3A_148 = tpu.memref_squeeze %dma_start3A_147 : memref<1x32xf32, #tpu.memory_space<hbm>> -> memref<32xf32, #tpu.memory_space<hbm>>
      tpu.enqueue_dma source(%arg13 : memref<32xf32, #tpu.memory_space<vmem>>) target(%dma_start3A_148 : memref<32xf32, #tpu.memory_space<hbm>>) target_semaphore(%run_scoped3A : memref<!tpu.dma_semaphore, #tpu.memory_space<semaphore_mem>>)
      %dma_wait3A = arith.constant 0 : i32
      %dma_wait3A_149 = tpu.memref_slice %arg7[%add3A, %dma_wait3A] : memref<32x32xf32, #tpu.memory_space<hbm>> -> memref<1x32xf32, #tpu.memory_space<hbm>>
      %dma_wait3A_150 = tpu.memref_squeeze %dma_wait3A_149 : memref<1x32xf32, #tpu.memory_space<hbm>> -> memref<32xf32, #tpu.memory_space<hbm>>
      %dma_wait3A_151 = arith.constant 0 : i32
      %dma_wait3A_152 = tpu.memref_slice %arg7[%add3A, %dma_wait3A_151] : memref<32x32xf32, #tpu.memory_space<hbm>> -> memref<1x32xf32, #tpu.memory_space<hbm>>
      %dma_wait3A_153 = tpu.memref_squeeze %dma_wait3A_152 : memref<1x32xf32, #tpu.memory_space<hbm>> -> memref<32xf32, #tpu.memory_space<hbm>>
      tpu.wait_dma2 semaphore(%run_scoped3A : memref<!tpu.dma_semaphore, #tpu.memory_space<semaphore_mem>>) src(%arg13 : memref<32xf32, #tpu.memory_space<vmem>>) dst(%dma_wait3A_153 : memref<32xf32, #tpu.memory_space<hbm>>)
      tpu.yield
    }) : () -> ()
    return
  }
}

module attributes {stable_mosaic.version = 14 : i64} {
  func.func @_matmul_kernel(%arg0: i32, %arg1: memref<1024x2048xf32, #tpu.memory_space<vmem>>, %arg2: memref<2048x68xf32, #tpu.memory_space<vmem>>, %arg3: memref<1024x68xf32, #tpu.memory_space<vmem>>) attributes {dimension_semantics = [#tpu.dimension_semantics<arbitrary>], iteration_bounds = array<i64: 8>, scalar_prefetch = 0 : i64, scratch_operands = 0 : i64, tpu.core_type = #tpu.core_type<tc>, window_params = [{transform_indices = @transform_0, window_bounds = array<i64: 1024, 2048>}, {pipeline_mode = #tpu.pipeline_mode<synchronous>, transform_indices = @transform_1, window_bounds = array<i64: 2048, 68>}, {transform_indices = @transform_2, window_bounds = array<i64: 1024, 68>}]} {
    %get3A = arith.constant 0 : index
    %get3A_0 = arith.constant 0 : index
    %get3A_1 = vector.load %arg1[%get3A, %get3A_0] : memref<1024x2048xf32, #tpu.memory_space<vmem>>, vector<1024x2048xf32>
    %get3A_2 = arith.constant 0 : index
    %get3A_3 = arith.constant 0 : index
    %get3A_4 = vector.load %arg2[%get3A_2, %get3A_3] : memref<2048x68xf32, #tpu.memory_space<vmem>>, vector<2048x68xf32>
    %dot_general3A = arith.constant dense<0.000000e+00> : vector<1024x68xf32>
    %dot_general3A_5 = tpu.matmul %get3A_1, %get3A_4, %dot_general3A {dimension_numbers = #tpu.dot_dimension_numbers<[1], [0], [0], [1], [0, 0, 1, 1], [], []>, transpose_lhs_hint = false} : vector<1024x2048xf32>, vector<2048x68xf32>, vector<1024x68xf32> -> vector<1024x68xf32>
    %swap3A = arith.constant 0 : index
    %swap3A_6 = arith.constant 0 : index
    %swap3A_7 = vector.load %arg3[%swap3A, %swap3A_6] : memref<1024x68xf32, #tpu.memory_space<vmem>>, vector<1024x68xf32>
    tpu.vector_store %arg3[%swap3A, %swap3A_6], %dot_general3A_5 {strides = array<i32>} : memref<1024x68xf32, #tpu.memory_space<vmem>>, vector<1024x68xf32>,
    return
  }
  func.func @transform_0(%arg0: i32) -> (i32, i32) {
    %c0_i32 = arith.constant 0 : i32
    %c0_i32_0 = arith.constant 0 : i32
    return %arg0, %c0_i32 : i32, i32
  }
  func.func @transform_1(%arg0: i32) -> (i32, i32) {
    %c0_i32 = arith.constant 0 : i32
    %c0_i32_0 = arith.constant 0 : i32
    %c0_i32_1 = arith.constant 0 : i32
    return %c0_i32, %c0_i32_0 : i32, i32
  }
  func.func @transform_2(%arg0: i32) -> (i32, i32) {
    %c0_i32 = arith.constant 0 : i32
    %c0_i32_0 = arith.constant 0 : i32
    return %arg0, %c0_i32 : i32, i32
  }
}

module attributes {stable_mosaic.version = 14 : i64} {
  func.func @_finalize_kernel(%arg0: memref<32x64x16xf32, #tpu.memory_space<vmem>>, %arg1: memref<32x2x16xf32, #tpu.memory_space<vmem>>, %arg2: memref<1x1xf32, #tpu.memory_space<vmem>>, %arg3: memref<1x1xf32, #tpu.memory_space<vmem>>) attributes {dimension_semantics = [], scalar_prefetch = 0 : i64, scratch_operands = 0 : i64, tpu.core_type = #tpu.core_type<tc>} {
    %get3A = arith.constant 0 : index
    %get3A_0 = arith.constant 0 : index
    %get3A_1 = arith.constant 0 : index
    %get3A_2 = vector.load %arg0[%get3A, %get3A_0, %get3A_1] : memref<32x64x16xf32, #tpu.memory_space<vmem>>, vector<32x64x16xf32>
    %reduce_sum3A = arith.constant dense<0.000000e+00> : vector<64xf32>
    %reduce_sum3A_3 = vector.multi_reduction <add>, %get3A_2, %reduce_sum3A [0, 2] : vector<32x64x16xf32> to vector<64xf32>
    %get3A_4 = arith.constant 0 : index
    %get3A_5 = arith.constant 1 : index
    %get3A_6 = arith.constant 0 : index
    %get3A_7 = vector.load %arg1[%get3A_4, %get3A_5, %get3A_6] : memref<32x2x16xf32, #tpu.memory_space<vmem>>, vector<32x1x16xf32>
    %get3A_8 = vector.shape_cast %get3A_7 : vector<32x1x16xf32> to vector<32x16xf32>
    %reduce_sum3A_9 = vector.shape_cast %get3A_8 : vector<32x16xf32> to vector<1x32x16xf32>
    %reduce_sum3A_10 = arith.constant dense<0.000000e+00> : vector<1xf32>
    %reduce_sum3A_11 = vector.multi_reduction <add>, %reduce_sum3A_9, %reduce_sum3A_10 [1, 2] : vector<1x32x16xf32> to vector<1xf32>
    %reduce_sum3A_12 = vector.shape_cast %reduce_sum3A_11 : vector<1xf32> to vector<1x1x1xf32>
    %reduce_sum3A_13 = vector.extract %reduce_sum3A_12[0, 0, 0] : f32 from vector<1x1x1xf32>
    %add3A = vector.broadcast %reduce_sum3A_13 : f32 to vector<64xf32>
    %add3A_14 = arith.addf %reduce_sum3A_3, %add3A : vector<64xf32>
    %div3A = arith.constant 8.192000e+03 : f32
    %div3A_15 = vector.broadcast %div3A : f32 to vector<64xf32>
    %div3A_16 = arith.divf %add3A_14, %div3A_15 : vector<64xf32>
    %reduce_sum3A_17 = vector.shape_cast %div3A_16 : vector<64xf32> to vector<1x64xf32>
    %reduce_sum3A_18 = arith.constant dense<0.000000e+00> : vector<1xf32>
    %reduce_sum3A_19 = vector.multi_reduction <add>, %reduce_sum3A_17, %reduce_sum3A_18 [1] : vector<1x64xf32> to vector<1xf32>
    %reduce_sum3A_20 = vector.shape_cast %reduce_sum3A_19 : vector<1xf32> to vector<1x1xf32>
    %reduce_sum3A_21 = vector.extract %reduce_sum3A_20[0, 0] : f32 from vector<1x1xf32>
    %div3A_22 = arith.constant 6.400000e+01 : f32
    %div3A_23 = arith.divf %reduce_sum3A_21, %div3A_22 : f32
    %sub3A = vector.broadcast %div3A_23 : f32 to vector<64xf32>
    %sub3A_24 = arith.subf %div3A_16, %sub3A : vector<64xf32>
    %integer_pow3A = arith.mulf %sub3A_24, %sub3A_24 : vector<64xf32>
    %reduce_sum3A_25 = vector.shape_cast %integer_pow3A : vector<64xf32> to vector<1x64xf32>
    %reduce_sum3A_26 = arith.constant dense<0.000000e+00> : vector<1xf32>
    %reduce_sum3A_27 = vector.multi_reduction <add>, %reduce_sum3A_25, %reduce_sum3A_26 [1] : vector<1x64xf32> to vector<1xf32>
    %reduce_sum3A_28 = vector.shape_cast %reduce_sum3A_27 : vector<1xf32> to vector<1x1xf32>
    %reduce_sum3A_29 = vector.extract %reduce_sum3A_28[0, 0] : f32 from vector<1x1xf32>
    %div3A_30 = arith.constant 6.300000e+01 : f32
    %div3A_31 = arith.divf %reduce_sum3A_29, %div3A_30 : f32
    %reshape3A = vector.broadcast %div3A_31 : f32 to vector<1x1xf32>
    %swap3A = arith.constant 0 : index
    %swap3A_32 = arith.constant 0 : index
    %swap3A_33 = vector.load %arg2[%swap3A, %swap3A_32] : memref<1x1xf32, #tpu.memory_space<vmem>>, vector<1x1xf32>
    tpu.vector_store %arg2[%swap3A, %swap3A_32], %reshape3A {strides = array<i32>} : memref<1x1xf32, #tpu.memory_space<vmem>>, vector<1x1xf32>,
    %get3A_34 = arith.constant 0 : index
    %get3A_35 = arith.constant 0 : index
    %get3A_36 = arith.constant 0 : index
    %get3A_37 = vector.load %arg1[%get3A_34, %get3A_35, %get3A_36] : memref<32x2x16xf32, #tpu.memory_space<vmem>>, vector<32x1x16xf32>
    %get3A_38 = vector.shape_cast %get3A_37 : vector<32x1x16xf32> to vector<32x16xf32>
    %reduce_sum3A_39 = vector.shape_cast %get3A_38 : vector<32x16xf32> to vector<1x32x16xf32>
    %reduce_sum3A_40 = arith.constant dense<0.000000e+00> : vector<1xf32>
    %reduce_sum3A_41 = vector.multi_reduction <add>, %reduce_sum3A_39, %reduce_sum3A_40 [1, 2] : vector<1x32x16xf32> to vector<1xf32>
    %reduce_sum3A_42 = vector.shape_cast %reduce_sum3A_41 : vector<1xf32> to vector<1x1x1xf32>
    %reduce_sum3A_43 = vector.extract %reduce_sum3A_42[0, 0, 0] : f32 from vector<1x1x1xf32>
    %div3A_44 = arith.constant 8.192000e+03 : f32
    %div3A_45 = arith.divf %reduce_sum3A_43, %div3A_44 : f32
    %reshape3A_46 = vector.broadcast %div3A_45 : f32 to vector<1x1xf32>
    %swap3A_47 = arith.constant 0 : index
    %swap3A_48 = arith.constant 0 : index
    %swap3A_49 = vector.load %arg3[%swap3A_47, %swap3A_48] : memref<1x1xf32, #tpu.memory_space<vmem>>, vector<1x1xf32>
    tpu.vector_store %arg3[%swap3A_47, %swap3A_48], %reshape3A_46 {strides = array<i32>} : memref<1x1xf32, #tpu.memory_space<vmem>>, vector<1x1xf32>,
    return
  }
}

</mosaic_0001>

<sc_bundles>
// kernel: kernel.5.cloned.1.call-start
scs
__scs_entry_jumppad:
0x0: {  	(pc) =	sbr.rel $0x88, $3  }
0x1: {  	(tag) =	ssettag $0x0;
	lr =	simm.s32 $0x1  }
0x2: {  	[smem:$0x3F9E] =	sst lr;
	_ =	strace $0xD0000000  }
0x3: {  	_ = 	snop  }
0x4: {  	_ = 	snop  }
0x5: {  	_ = 	snop  }
0x6: {  	_ = 	snop  }
0x7: {  	_ = 	snop  }
__scs_overlays_trampoline_lowered:
0x8: {  	[smem:$0x3FAD] =	sst s0  }
0x9: {  	[smem:$0x3FAE] =	sst s1  }
0xa: {  	[smem:$0x3FAF] =	sst s2  }
0xb: {  	[smem:$0x3FB0] =	sst s3  }
0xc: {  	[smem:$0x3FB1] =	sst s4  }
0xd: {  	[smem:$0x3FB2] =	sst s5  }
0xe: {  	[smem:$0x3FB3] =	sst s6  }
0xf: {  	[smem:$0x3FB4] =	sst s7  }
0x10: {  	[smem:$0x3FB5] =	sst s8  }
0x11: {  	[smem:$0x3FB6] =	sst s9;
	s0 =	simm.s32 @!p0 $0x0  }
0x12: {  	s1 =	sld [smem:$0x3F9C];
	s0 =	simm.s32 @p0 $0x1  }
0x13: {  	[smem:$0x3FB7] =	sst s0;
	s0 =	simm.s32 @!p1 $0x0  }
0x14: {  	s2 =	sld [smem:$0x3F9B];
	s0 =	simm.s32 @p1 $0x1  }
0x15: {  	[smem:$0x3FB8] =	sst s0;
	s0 =	simm.s32 @!p2 $0x0  }
0x16: {  	s3 =	sld [smem:$0x3FDB];
	s0 =	simm.s32 @p2 $0x1  }
0x17: {  	s4 =	simm.s32 $0x1BF5;
	[smem:$0x3FBA] =	sst s0  }
0x18: {  	s0 =	sld [smem:$0x3F9D];
	_ =	swait.ge [sflag:s4], $0x0  }
0x19: {  	s7 =	sld [smem:$0x3F9E]  }
0x1a: {  	s8 =	sadd.s32 $0xFFFFE003, lr  }
0x1b: {  	s9 =	sadd.s32 $0xFFFFFEF7, lr;
	s5 =	simm.s32 $0xFFFFFFFF;
	p2 =	slt.u32 s8, $0xFFFFF086  }
0x1c: {  	p1 =	slt.u32 s9, $0xF7A;
	s5 =	simm.s32 @!p2 $0x0  }
0x1d: {  	s5 =	simm.s32 @p1 $0x1;
	p0 =	seq.s32 s7, s2  }
0x1e: {  	s7 =	smul.u32 @!p0 $0xF7A, s2;
	p2 =	seq.s32 @!p0 s5, $0x0  }
0x1f: {  	s9 =	smul.u32 $0xF7A, s1;
	s8 =	simm.s32 @!p0 $0x1BF5;
	p2 =	por !p2, p0  }
0x20: {  	[sflag:s8] =	ssyncset.s32 @!p0 $0xFFFFF086;
	s6 =	sadd.s32 @!p0 s3, s7;
	s7 =	simm.s32 @!p0 $0x108  }
0x21: {  	s3 =	sadd.s32 s3, s9;
	s6 =	sadd.s32 @!p0 $0x88, s6;
	s7 =	simm.s32 @p2 $0x1082  }
0x22: {  	[simem:s7], [sflag:s8] =	dma.local @!p0 [hbm:s6], $0xF7A  }
0x23: {  	s9 =	sor.u32 $0xD0000000, s2;
	s6 =	simm.s32 $0x108;
	_ =	swait.ge @!p0 [sflag:s8], $0x0  }
0x24: {  	s3 =	sadd.s32 $0x88, s3;
	s6 =	simm.s32 @!p1 $0x1082;
	[sflag:s4] =	ssyncset.s32 $0xFFFFF086  }
0x25: {  	[simem:s6], [sflag:s4] =	dma.local [hbm:s3], $0xF7A  }
0x26: {  	[smem:$0x3F9E] =	sst s1;
	(tag) =	ssettag s2;
	_ =	strace s9  }
0x27: {  	s1 =	sld [smem:$0x3FAE]  }
0x28: {  	s2 =	sld [smem:$0x3FAF]  }
0x29: {  	s4 =	sld [smem:$0x3FB1]  }
0x2a: {  	p0 =	seq.s32 s5, $0x0;
	s5 =	sld [smem:$0x3FB2]  }
0x2b: {  	s6 =	sld [smem:$0x3FB3]  }
0x2c: {  	s7 =	sld [smem:$0x3FB4]  }
0x2d: {  	s3 =	simm.s32 $0x108;
	s8 =	sld [smem:$0x3FB5]  }
0x2e: {  	s3 =	simm.s32 @!p0 $0x1082;
	s9 =	sld [smem:$0x3FB6]  }
0x2f: {  	lr =	sadd.s32 s0, s3;
	s0 =	sld [smem:$0x3FAD]  }
0x30: {  	s3 =	sld [smem:$0x3FB0]  }
0x31: {  	[smem:$0x3FB9] =	sst s10  }
0x32: {  	s10 =	sld [smem:$0x3FB7];
	_ =	sdelay $0x3  }
0x33: {  	p0 =	seq.s32 s10, $0x1;
	s10 =	sld [smem:$0x3FB9];
	_ =	sdelay $0x3  }
0x34: {  	[smem:$0x3FB9] =	sst s10  }
0x35: {  	s10 =	sld [smem:$0x3FB8];
	_ =	sdelay $0x3  }
0x36: {  	p1 =	seq.s32 s10, $0x1;
	s10 =	sld [smem:$0x3FB9];
	_ =	sdelay $0x3  }
0x37: {  	[smem:$0x3FB9] =	sst s10  }
0x38: {  	s10 =	sld [smem:$0x3FBA]  }
0x39: {  	_ = 	snop;
	(pc) =	sbr.ind lr, $3  }
0x3a: {  	_ = 	snop  }
0x3b: {  	_ = 	snop  }
0x3c: {  	p2 =	seq.s32 s10, $0x1;
	s10 =	sld [smem:$0x3FB9]  }
0x3d: {  	_ =	shalt  }
0x3e: {  	_ =	shalt  }
0x3f: {  	_ =	shalt  }
0x40: {  	_ =	shalt  }
0x41: {  	_ =	shalt  }
0x42: {  	_ =	shalt  }
0x43: {  	_ =	shalt  }
0x44: {  	_ =	shalt  }
0x45: {  	_ =	shalt  }
0x46: {  	_ =	shalt  }
0x47: {  	_ =	shalt  }
0x48: {  	_ =	shalt  }
0x49: {  	_ =	shalt  }
0x4a: {  	_ =	shalt  }
0x4b: {  	_ =	shalt  }
0x4c: {  	_ =	shalt  }
0x4d: {  	_ =	shalt  }
0x4e: {  	_ =	shalt  }
0x4f: {  	_ =	shalt  }
0x50: {  	_ =	shalt  }
0x51: {  	_ =	shalt  }
0x52: {  	_ =	shalt  }
0x53: {  	_ =	shalt  }
0x54: {  	_ =	shalt  }
0x55: {  	_ =	shalt  }
0x56: {  	_ =	shalt  }
0x57: {  	_ =	shalt  }
0x58: {  	_ =	shalt  }
0x59: {  	_ =	shalt  }
0x5a: {  	_ =	shalt  }
0x5b: {  	_ =	shalt  }
0x5c: {  	_ =	shalt  }
0x5d: {  	_ =	shalt  }
0x5e: {  	_ =	shalt  }
0x5f: {  	_ =	shalt  }
0x60: {  	_ =	shalt  }
0x61: {  	_ =	shalt  }
0x62: {  	_ =	shalt  }
0x63: {  	_ =	shalt  }
0x64: {  	_ =	shalt  }
0x65: {  	_ =	shalt  }
0x66: {  	_ =	shalt  }
0x67: {  	_ =	shalt  }
0x68: {  	_ =	shalt  }
0x69: {  	_ =	shalt  }
0x6a: {  	_ =	shalt  }
0x6b: {  	_ =	shalt  }
0x6c: {  	_ =	shalt  }
0x6d: {  	_ =	shalt  }
0x6e: {  	_ =	shalt  }
0x6f: {  	_ =	shalt  }
0x70: {  	_ =	shalt  }
0x71: {  	_ =	shalt  }
0x72: {  	_ =	shalt  }
0x73: {  	_ =	shalt  }
0x74: {  	_ =	shalt  }
0x75: {  	_ =	shalt  }
0x76: {  	_ =	shalt  }
0x77: {  	_ =	shalt  }
0x78: {  	_ =	shalt  }
0x79: {  	_ =	shalt  }
0x7a: {  	_ =	shalt  }
0x7b: {  	_ =	shalt  }
0x7c: {  	_ =	shalt  }
0x7d: {  	_ =	shalt  }
0x7e: {  	_ =	shalt  }
0x7f: {  	_ =	shalt  }
0x80: {  	_ =	shalt  }
0x81: {  	_ =	shalt  }
0x82: {  	_ =	shalt  }
0x83: {  	_ =	shalt  }
0x84: {  	_ =	shalt  }
0x85: {  	_ =	shalt  }
0x86: {  	_ =	shalt  }
0x87: {  	_ =	shalt  }
.Lfunc_end0:
.L_simem_size_0:
called_computation_lowered:
.L_overlay_start_0:
0x88: {  	s2 =	sld [smem:$0x3FD9]  }
0x89: {  	s3 =	sld [smem:$0x3FFE];
	_ =	sdelay $0x1  }
0x8a: {  	s1 =	srdreg.scid  }
0x8b: {  	s0 =	sand.u32 $0x1, s1  }
0x8c: {  	s14 =	sshll.u32 s0, $0xA;
	s2 =	sadd.s32 s3, s2  }
0x8d: {  	s2 =	sadd.s32 s2, s14  }
0x8e: {  	[smem:$0x3FC5] =	sst s2  }
0x8f: {  	_ = 	snop  }
0x90: {  	s2 =	sld [smem:$0x3FD0];
	_ =	sdelay $0x2  }
0x91: {  	s15 =	simm.s32 $0xA;
	s4 =	simm.s32 $0x10  }
0x92: {  	[smem:s4], [sflag:s15] =	dma.local [hbm:s2], $0x1  }
0x93: {  	_ =	swait.eq [sflag:s15], $0x1  }
0x94: {  	s16 =	sld [smem:$0x10];
	[sflag:s15] =	ssyncset.done $0x0  }
0x95: {  	s17 =	sld [smem:$0x11];
	[sflag:s15] =	ssyncadd.s32 $0xFFFFFFFF  }
0x96: {  	s18 =	sld [smem:$0x12];
	(tm) =	ssettm $0x1  }
0x97: {  	s5 =	sld [smem:$0x3FFB];
	_ =	sdelay $0x3  }
0x98: {  	_ =	strace s5  }
0x99: {  	s5 =	sld [smem:$0x3FFC];
	_ =	sdelay $0x3  }
0x9a: {  	_ =	strace s5  }
0x9b: {  	s5 =	sld [smem:$0x3FFD];
	_ =	sdelay $0x3  }
0x9c: {  	_ =	strace s5  }
0x9d: {  	_ =	strace $0x8FFFFFFF  }
0x9e: {  	s19 =	sld [smem:$0x3FDB];
	_ =	sdelay $0x1  }
0x9f: {  	s6 =	simm.s32 $_scs_section_size  }
0xa0: {  	s7 =	simm.s32 $_size__tile_overlayer_lowered;
	s8 =	simm.s32 $_tile_overlayer_lowered  }
0xa1: {  	s22 =	simm.s32 $0x1BFF;
	s21 =	sshll.u32 s8, $0x1;
	s5 =	sadd.s32 s6, s19  }
0xa2: {  	s9 =	simm.s32 $0x0;
	s20 =	sshll.u32 s7, $0x1;
	s7 =	sadd.s32 s21, s5  }
0xa3: {  	[timem:s9], [sflag:s22] =	dma.local [hbm:s7], s20  }
0xa4: {  	_ =	swait.ge [sflag:s22], s20  }
0xa5: {  	s6 =	ssub.s32 $0x0, s20;
	[sflag:s22] =	ssyncset.done $0x0  }
0xa6: {  	[sflag:s22] =	ssyncadd.s32 s6;
	_ =	sdelay $0x1  }
0xa7: {  	s23 =	simm.s32 $0x1B8B  }
0xa8: {  	_ =	swait.ge [sflag:s23], $0x1  }
0xa9: {  	[sflag:s23] =	ssyncset.done $0x0  }
0xaa: {  	s25 =	simm.s32 $0x1B8E;
	s24 =	sld [smem:$0x3FFE];
	[sflag:s23] =	ssyncadd.s32 $0xFFFFFFFF  }
0xab: {  	s26 =	simm.s32 $execute0_lowered;
	[smem:$0x3FD2] =	sst s25  }
0xac: {  	s7 =	sshll.u32 s26, $0x1;
	_ =	strace $0x80000046;
	[dreg:$0x1] =	wrdreg $0xFFFFFFFF  }
0xad: {  	s28 =	simm.s32 $_size_execute0_lowered;
	s5 =	sadd.s32 s5, s7;
	[dreg:$0x0] =	wrdreg $0x0  }
0xae: {  	s7 =	sshll.u32 s28, $0x1;
	[dreg:$0x2] =	wrdreg s5  }
0xaf: {  	[dreg:$0x3] =	wrdreg s7  }
0xb0: {  	[dreg:$0x4] =	wrdreg $0xC0  }
0xb1: {  	_ =	task [dreg:s9], $0x5FFFF  }
0xb2: {  	[dreg:$0x1] =	wrdreg $0xFFFFFFFF  }
0xb3: {  	[dreg:$0x0] =	wrdreg $0x60  }
0xb4: {  	[dreg:$0x2] =	wrdreg s24  }
0xb5: {  	[dreg:$0x3] =	wrdreg s16  }
0xb6: {  	[dreg:$0x4] =	wrdreg s17  }
0xb7: {  	[dreg:$0x5] =	wrdreg s18  }
0xb8: {  	[dreg:$0x6] =	wrdreg $0x9  }
0xb9: {  	_ =	task.clear_ibuf [dreg:s9], $0x7FFFF;
	_ =	strace $0x90000046  }
0xba: {  	s29 =	simm.s32 $0x9;
	_ =	strace $0x80000048  }
0xbb: {  	_ =	swait.ge [sflag:s29], $0x1  }
0xbc: {  	[sflag:s29] =	ssyncadd.s32 $0xFFFFFFFF  }
0xbd: {  	_ =	strace $0x90000048  }
0xbe: {  	_ =	sfence  }
0xbf: {  	s30 =	sld [smem:$0x0];
	_ =	sdelay $0x2  }
0xc0: {  	s31 =	sshll.u32 s1, $0xD;
	s1 =	sshrl.u32 s1, $0x2  }
0xc1: {  	s3 =	sand.u32 $0x4000, s31;
	s1 =	sadd.s32 s1, s30  }
0xc2: {  	s0 =	sor.u32 s3, s0;
	s1 =	sshll.u32 s1, $0x11  }
0xc3: {  	s0 =	sor.u32 s1, s0  }
0xc4: {  	s0 =	sadd.s32 $0x8F2B, s0  }
0xc5: {  	[sflag:s0] =	ssyncadd.remote.s32 $0x1  }
0xc6: {  	_ =	sfence.sel $0xFFFF  }
0xc7: {  	[dreg:$0x0] =	wrdreg $0xFFFFFFFF;
	(pc) =	sbr.abs _section_cstart, $3  }
0xc8: {  	[dreg:$0x1] =	wrdreg $0xFFFFFFFF  }
0xc9: {  	_ =	task.clear_ibuf [dreg:s9], $0x2FFFF;
	_ =	strace $0x9FFFFFFF  }
0xca: {  	(tm) =	ssettm $0x7FFFFFFF  }
0xcb: {  	_ =	shalt  }
tec
execute0_lowered:
.L_overlay_start_1:
0x0: {  	(tag) =	ssettag $0x1  }
0x1: {  	s3 =	rddreg [dreg:$0x0]  }
0x2: {  	s4 =	rddreg [dreg:$0x1]  }
0x3: {  	s5 =	rddreg [dreg:$0x2]  }
0x4: {  	s6 =	rddreg [dreg:$0x3];
	s2 =	simm.s32 $0x0;
	v49 =	vlaneseq.u32  }
0x5: {  	s1 =	srdreg.scid;
	[smem:$0x7FF] =	sst s2;
	v1 =	vor.u32 $0x10, v49  }
0x6: {  	s7 =	sand.u32 $0x1, s1;
	s1 =	rddreg [dreg:$0x4];
	v50 =	vor.u32 $0x20, v49;
	_ =	strace $0x80000047;
	[tilespmem:$0x1FF00] =	vst v1  }
0x7: {  	v51 =	vor.u32 $0x30, v49;
	[tilespmem:$0x1FF10] =	vst v50  }
0x8: {  	v52 =	vor.u32 $0x40, v49;
	[tilespmem:$0x1FF20] =	vst v51  }
0x9: {  	s0 =	stileid.u32;
	v53 =	vor.u32 $0x50, v49;
	[tilespmem:$0x1FF30] =	vst v52  }
0xa: {  	v0 =	vimm.f32 $7.000000000e+00;
	s13 =	simm.s32 $0x8500;
	s14 =	simm.s32 $0x4400;
	s15 =	simm.s32 $0x80;
	v54 =	vor.u32 $0x60, v49;
	[tilespmem:$0x1FF40] =	vst v53  }
0xb: {  	s16 =	simm.s32 $0x400;
	s17 =	simm.s32 $0x8A00;
	s8 =	sshll.u32 s0, $0x1;
	v55 =	vor.u32 $0x70, v49;
	[tilespmem:$0x1FF50] =	vst v54;
	(erf) = vrcp.f32 v0  }
0xc: {  	s18 =	simm.s32 $0x0;
	s10 =	sshrl.u32 s0, $0x2;
	v56 =	vor.u32 $0x80, v49;
	s8 =	sor.u32 s7, s8;
	[tilespmem:$0x1FF60] =	vst v55  }
0xd: {  	v57 =	vor.u32 $0x90, v49;
	s12 =	sshll.u32 s10, $0xD;
	s10 =	sshll.u32 s10, $0xA;
	s7 =	ssub.s32 $0x2, s7;
	[tilespmem:$0x1FF70] =	vst v56  }
0xe: {  	v58 =	vor.u32 $0xA0, v49;
	[tilespmem:$0x1FF80] =	vst v57;
	s9 =	smul.u32 $0x880, s8;
	s11 =	sshll.u32 s8, $0x7;
	s30 =	sshrl.u32 s7, $0x1  }
0xf: {  	v59 =	vor.u32 $0xB0, v49;
	[tilespmem:$0x1FF90] =	vst v58;
	s31 =	sshll.u32 s8, $0xB;
	s8 =	sshll.u32 s8, $0x5;
	s11 =	sand.u32 $0x380, s11  }
0x10: {  	v60 =	vor.u32 $0xC0, v49;
	[tilespmem:$0x1FFA0] =	vst v59;
	s4 =	sadd.s32 s4, s31;
	s5 =	sadd.s32 s5, s8;
	s6 =	sadd.s32 s6, s8  }
0x11: {  	v62 =	vor.u32 $0xD0, v49;
	[tilespmem:$0x1FFB0] =	vst v60;
	s9 =	sadd.s32 s9, s3;
	s12 =	sor.u32 s12, s11;
	s10 =	sor.u32 s10, s11  }
0x12: {  	v63 =	vor.u32 $0xE0, v49;
	[tilespmem:$0x1FFD0] =	vst v62;
	s29 =	sshrl.u32 s12, $0x3;
	s10 =	sshrl.u32 s10, $0x3;
	s12 =	ssub.s32 s7, s30  }
0x13: {  	[tilespmem:$0x1FFE0] =	vst v63;
	v0 =	vor.u32 $0xF0, v49;
	s11 =	sadd.s32 s29, s3;
	s10 =	sadd.s32 s10, s3;
	s3 =	sadd.s32 $0xA00, s9  }
0x14: {  	[tilespmem:$0x1FFF0] =	vst v0;
	s9 =	smax.u32 s12, $0x1;
	s12 =	simm.s32 $0x8400;
	s7 =	sadd.s32 $0x11C00, s11;
	v61 =	vpop (erf)  }
0x15: {  	s8 =	sadd.s32 $0x11A00, s10;
	s10 =	simm.s32 $0x1;
	s11 =	simm.s32 $0x8600;
	[tilespmem:$0x1FFC0] =	vst v61  }
.LBB2_1:
0x16: {  	[tilespmem:s2], [sflag:$0x1] =	stream.linear.gather [hbm4b:s3+s2], $0x4400, $0x38;
	[tilespmem:$0x8A80] =	vst v63  }
0x17: {  	_ =	swait.ge [sflag:s10], $0x4400  }
0x18: {  	[sflag:s10] =	ssyncset.done $0x0  }
0x19: {  	v19 =	vimm.f32 $0.0e+00;
	[sflag:s10] =	ssyncadd.s32 $0xFFFFBC00  }
0x1a: {  	[tilespmem:$0x8600] =	vst v19  }
0x1b: {  	[tilespmem:$0x8610] =	vst v19  }
0x1c: {  	[tilespmem:$0x8620] =	vst v19  }
0x1d: {  	[tilespmem:$0x8630] =	vst v19  }
0x1e: {  	[tilespmem:$0x8640] =	vst v19  }
0x1f: {  	[tilespmem:$0x8650] =	vst v19  }
0x20: {  	[tilespmem:$0x8660] =	vst v19  }
0x21: {  	[tilespmem:$0x8670] =	vst v19  }
0x22: {  	[tilespmem:$0x8680] =	vst v19  }
0x23: {  	[tilespmem:$0x8690] =	vst v19  }
0x24: {  	[tilespmem:$0x86A0] =	vst v19  }
0x25: {  	[tilespmem:$0x86B0] =	vst v19  }
0x26: {  	[tilespmem:$0x86C0] =	vst v19  }
0x27: {  	[tilespmem:$0x86D0] =	vst v19  }
0x28: {  	[tilespmem:$0x86E0] =	vst v19  }
0x29: {  	[tilespmem:$0x86F0] =	vst v19  }
0x2a: {  	[tilespmem:$0x8700] =	vst v19  }
0x2b: {  	[tilespmem:$0x8710] =	vst v19  }
0x2c: {  	[tilespmem:$0x8720] =	vst v19  }
0x2d: {  	[tilespmem:$0x8730] =	vst v19  }
0x2e: {  	[tilespmem:$0x8740] =	vst v19  }
0x2f: {  	[tilespmem:$0x8750] =	vst v19  }
0x30: {  	[tilespmem:$0x8760] =	vst v19  }
0x31: {  	[tilespmem:$0x8770] =	vst v19  }
0x32: {  	[tilespmem:$0x8780] =	vst v19  }
0x33: {  	[tilespmem:$0x8790] =	vst v19  }
0x34: {  	[tilespmem:$0x87A0] =	vst v19  }
0x35: {  	[tilespmem:$0x87B0] =	vst v19  }
0x36: {  	[tilespmem:$0x87C0] =	vst v19  }
0x37: {  	[tilespmem:$0x87D0] =	vst v19  }
0x38: {  	[tilespmem:$0x87E0] =	vst v19  }
0x39: {  	[tilespmem:$0x87F0] =	vst v19  }
0x3a: {  	[tilespmem:$0x8800] =	vst v19  }
0x3b: {  	[tilespmem:$0x8810] =	vst v19  }
0x3c: {  	[tilespmem:$0x8820] =	vst v19  }
0x3d: {  	[tilespmem:$0x8830] =	vst v19  }
0x3e: {  	[tilespmem:$0x8840] =	vst v19  }
0x3f: {  	[tilespmem:$0x8850] =	vst v19  }
0x40: {  	[tilespmem:$0x8860] =	vst v19  }
0x41: {  	[tilespmem:$0x8870] =	vst v19  }
0x42: {  	[tilespmem:$0x8880] =	vst v19  }
0x43: {  	[tilespmem:$0x8890] =	vst v19  }
0x44: {  	[tilespmem:$0x88A0] =	vst v19  }
0x45: {  	[tilespmem:$0x88B0] =	vst v19  }
0x46: {  	[tilespmem:$0x88C0] =	vst v19  }
0x47: {  	[tilespmem:$0x88D0] =	vst v19  }
0x48: {  	[tilespmem:$0x88E0] =	vst v19  }
0x49: {  	[tilespmem:$0x88F0] =	vst v19  }
0x4a: {  	[tilespmem:$0x8900] =	vst v19  }
0x4b: {  	[tilespmem:$0x8910] =	vst v19  }
0x4c: {  	[tilespmem:$0x8920] =	vst v19  }
0x4d: {  	[tilespmem:$0x8930] =	vst v19  }
0x4e: {  	[tilespmem:$0x8940] =	vst v19  }
0x4f: {  	[tilespmem:$0x8950] =	vst v19  }
0x50: {  	[tilespmem:$0x8960] =	vst v19  }
0x51: {  	v10 =	vlaneseq.u32;
	[tilespmem:$0x8970] =	vst v19  }
0x52: {  	v11 =	vor.u32 s2, v10;
	[tilespmem:$0x8980] =	vst v19  }
0x53: {  	v0 =	vmul.u32 $0x44, v11;
	[tilespmem:$0x8990] =	vst v19  }
0x54: {  	[tilespmem:$0x89A0] =	vst v19  }
0x55: {  	[tilespmem:$0x89B0] =	vst v19;
	v1 =	vadd.s32 $0x40, v0  }
0x56: {  	[tilespmem:$0x89C0] =	vst v19;
	v2 =	vadd.s32 $0x41, v0  }
0x57: {  	[tilespmem:$0x89D0] =	vst v19  }
0x58: {  	[tilespmem:$0x89E0] =	vst v19;
	v3 =	vadd.s32 $0x42, v0  }
0x59: {  	[tilespmem:$0x89F0] =	vst v19  }
0x5a: {  	v4 =	vadd.s32 $0x43, v0;
	v1 =	vld.idx.msk [tilespmem:v1+s2+$0x0], $0xffff  }
0x5b: {  	v2 =	vld.idx.msk [tilespmem:v2+s2+$0x0], $0xffff;
	_ =	sdelay $0x1  }
0x5c: {  	v3 =	vld.idx.msk [tilespmem:v3+s2+$0x0], $0xffff;
	_ =	sdelay $0x1  }
0x5d: {  	v4 =	vld.idx.msk [tilespmem:v4+s2+$0x0], $0xffff  }
0x5e: {  	vm0 =	vgt.f32 v2, v1  }
0x5f: {  	v1 =	vsel vm0, v2, v1  }
0x60: {  	v2 =	vimm.s32 $0x0;
	vm1 =	vgt.f32 v3, v1  }
0x61: {  	v6 =	vimm.s32 $0x0;
	v2 =	vsel vm1, $0xFFFFFFFF, v2;
	v1 =	vsel vm1, v3, v1  }
0x62: {  	[tilespmem:$0x1FEE0] =	vst v2;
	v2 =	vsel vm0, $0x1, v6;
	vm12 =	vgt.f32 v4, v1  }
0x63: {  	v1 =	vsel vm1, $0x2, v2;
	vm0 =	vmneg vm12  }
0x64: {  	v7 =	vnsel vm0, $0x3, v1  }
0x65: {  	v36 =	vshll.u32 v7, $0x4  }
0x66: {  	v0 =	vadd.s32 v0, v36  }
0x67: {  	v1 =	vor.u32 $0x1, v0;
	_ =	sdelay $0x1  }
0x68: {  	v2 =	vor.u32 $0x2, v0;
	_ =	sdelay $0x1  }
0x69: {  	v3 =	vor.u32 $0x3, v0;
	v34 =	vld.idx.msk [tilespmem:v0+s2+$0x0], $0xffff  }
0x6a: {  	v33 =	vld.idx.msk [tilespmem:v1+s2+$0x0], $0xffff  }
0x6b: {  	v1 =	vadd.s32 $0x4, v0  }
0x6c: {  	v31 =	vld.idx.msk [tilespmem:v2+s2+$0x0], $0xffff  }
0x6d: {  	v2 =	vadd.s32 $0x5, v0  }
0x6e: {  	v29 =	vld.idx.msk [tilespmem:v3+s2+$0x0], $0xffff  }
0x6f: {  	v3 =	vadd.s32 $0x6, v0;
	vm2 =	vgt.f32 v33, v34  }
0x70: {  	v27 =	vld.idx.msk [tilespmem:v1+s2+$0x0], $0xffff;
	v1 =	vsel vm2, v33, v34  }
0x71: {  	v4 =	vadd.s32 $0x7, v0;
	vm3 =	vgt.f32 v31, v1  }
0x72: {  	v45 =	vld.idx.msk [tilespmem:v2+s2+$0x0], $0xffff;
	v1 =	vsel vm3, v31, v1  }
0x73: {  	v2 =	vadd.s32 $0x8, v0;
	vm4 =	vgt.f32 v29, v1  }
0x74: {  	v39 =	vld.idx.msk [tilespmem:v3+s2+$0x0], $0xffff;
	v1 =	vsel vm4, v29, v1  }
0x75: {  	v3 =	vadd.s32 $0x9, v0;
	vm5 =	vgt.f32 v27, v1  }
0x76: {  	v42 =	vld.idx.msk [tilespmem:v4+s2+$0x0], $0xffff;
	v1 =	vsel vm5, v27, v1  }
0x77: {  	v4 =	vadd.s32 $0xA, v0;
	vm6 =	vgt.f32 v45, v1  }
0x78: {  	v43 =	vld.idx.msk [tilespmem:v2+s2+$0x0], $0xffff;
	v1 =	vsel vm6, v45, v1  }
0x79: {  	v2 =	vadd.s32 $0xB, v0;
	vm7 =	vgt.f32 v39, v1  }
0x7a: {  	v35 =	vld.idx.msk [tilespmem:v3+s2+$0x0], $0xffff;
	v1 =	vsel vm7, v39, v1  }
0x7b: {  	v3 =	vadd.s32 $0xC, v0;
	vm8 =	vgt.f32 v42, v1  }
0x7c: {  	v24 =	vld.idx.msk [tilespmem:v4+s2+$0x0], $0xffff;
	v1 =	vsel vm8, v42, v1  }
0x7d: {  	v4 =	vadd.s32 $0xD, v0;
	vm9 =	vgt.f32 v43, v1  }
0x7e: {  	v25 =	vld.idx.msk [tilespmem:v2+s2+$0x0], $0xffff;
	v1 =	vsel vm9, v43, v1  }
0x7f: {  	v2 =	vadd.s32 $0xE, v0;
	vm10 =	vgt.f32 v35, v1  }
0x80: {  	v26 =	vld.idx.msk [tilespmem:v3+s2+$0x0], $0xffff;
	v1 =	vsel vm10, v35, v1  }
0x81: {  	v0 =	vadd.s32 $0xF, v0;
	vm11 =	vgt.f32 v24, v1  }
0x82: {  	v28 =	vld.idx.msk [tilespmem:v4+s2+$0x0], $0xffff;
	v1 =	vsel vm11, v24, v1  }
0x83: {  	vm12 =	vgt.f32 v25, v1  }
0x84: {  	v30 =	vld.idx.msk [tilespmem:v2+s2+$0x0], $0xffff;
	v1 =	vsel vm12, v25, v1  }
0x85: {  	vm13 =	vgt.f32 v26, v1  }
0x86: {  	v32 =	vld.idx.msk [tilespmem:v0+s2+$0x0], $0xffff;
	v0 =	vsel vm13, v26, v1  }
0x87: {  	vm14 =	vgt.f32 v28, v0  }
0x88: {  	v0 =	vsel vm14, v28, v0  }
0x89: {  	vm1 =	vgt.f32 v30, v0  }
0x8a: {  	v0 =	vsel vm1, v30, v0  }
0x8b: {  	vm15 =	vgt.f32 v32, v0  }
0x8c: {  	v4 =	vsel vm15, v32, v0  }
0x8d: {  	v0 =	vsub.f32 v34, v4  }
0x8e: {  	v1 =	vsub.f32 v33, v4  }
0x8f: {  	v0 =	vmul.f32 $1.442695020e+00, v0  }
0x90: {  	v2 =	vsub.f32 v31, v4;
	v1 =	vmul.f32 $1.442695020e+00, v1  }
0x91: {  	(erf) = vpow2.f32 v0  }
0x92: {  	v0 =	vmul.f32 $1.442695020e+00, v2;
	v2 =	vsub.f32 v29, v4;
	(erf) = vpow2.f32 v1;
	_ =	sdelay $0x1  }
0x93: {  	v1 =	vsub.f32 v27, v4;
	v2 =	vmul.f32 $1.442695020e+00, v2;
	(erf) = vpow2.f32 v0;
	_ =	sdelay $0x1  }
0x94: {  	v0 =	vsub.f32 v45, v4;
	v1 =	vmul.f32 $1.442695020e+00, v1;
	(erf) = vpow2.f32 v2;
	_ =	sdelay $0x1  }
0x95: {  	v2 =	vsub.f32 v39, v4;
	v0 =	vmul.f32 $1.442695020e+00, v0;
	(erf) = vpow2.f32 v1;
	_ =	sdelay $0x1  }
0x96: {  	v1 =	vsub.f32 v42, v4;
	v5 =	vmul.f32 $1.442695020e+00, v2;
	(erf) = vpow2.f32 v0;
	v20 =	vpop (erf)  }
0x97: {  	v37 =	vsub.f32 v43, v4;
	v21 =	vpop (erf)  }
0x98: {  	v1 =	vmul.f32 $1.442695020e+00, v1;
	(erf) = vpow2.f32 v5;
	v5 =	vadd.f32 v21, v20  }
0x99: {  	v38 =	vsub.f32 v35, v4;
	v23 =	vpop (erf)  }
0x9a: {  	v37 =	vmul.f32 $1.442695020e+00, v37;
	(erf) = vpow2.f32 v1;
	v5 =	vadd.f32 v5, v23  }
0x9b: {  	v40 =	vsub.f32 v24, v4;
	v22 =	vpop (erf)  }
0x9c: {  	v38 =	vmul.f32 $1.442695020e+00, v38;
	(erf) = vpow2.f32 v37;
	v5 =	vadd.f32 v5, v22  }
0x9d: {  	v51 =	vsub.f32 v25, v4;
	v55 =	vpop (erf)  }
0x9e: {  	v40 =	vmul.f32 $1.442695020e+00, v40;
	(erf) = vpow2.f32 v38;
	v5 =	vadd.f32 v5, v55  }
0x9f: {  	v57 =	vsub.f32 v26, v4;
	v44 =	vpop (erf)  }
0xa0: {  	v37 =	vmul.f32 $1.442695020e+00, v51;
	(erf) = vpow2.f32 v40;
	v5 =	vadd.f32 v5, v44  }
0xa1: {  	v58 =	vsub.f32 v28, v4;
	v54 =	vpop (erf)  }
0xa2: {  	v38 =	vmul.f32 $1.442695020e+00, v57;
	(erf) = vpow2.f32 v37;
	v5 =	vadd.f32 v5, v54  }
0xa3: {  	v59 =	vsub.f32 v30, v4;
	v53 =	vpop (erf)  }
0xa4: {  	v40 =	vmul.f32 $1.442695020e+00, v58;
	(erf) = vpow2.f32 v38;
	v5 =	vadd.f32 v5, v53  }
0xa5: {  	v41 =	vmax.f32 v4, $0.0e+00;
	v60 =	vmin.f32 v4, $0.0e+00;
	v4 =	vsub.f32 v32, v4;
	v52 =	vpop (erf)  }
0xa6: {  	v37 =	vmul.f32 $1.442695020e+00, v59;
	(erf) = vpow2.f32 v40;
	v5 =	vadd.f32 v5, v52  }
0xa7: {  	v12 =	vsub.f32 $0.0e+00, v41;
	v38 =	vmul.f32 $1.442695020e+00, v60;
	v50 =	vpop (erf)  }
0xa8: {  	v4 =	vmul.f32 $1.442695020e+00, v4;
	(erf) = vpow2.f32 v37;
	v5 =	vadd.f32 v5, v50  }
0xa9: {  	v51 =	vpop (erf);
	(erf) = vpow2.f32 v38  }
0xaa: {  	v61 =	vmul.f32 $1.442695020e+00, v12;
	(erf) = vpow2.f32 v4;
	v5 =	vadd.f32 v5, v51  }
0xab: {  	v49 =	vpop (erf)  }
0xac: {  	(erf) = vpow2.f32 v61;
	v4 =	vadd.f32 v5, v49  }
0xad: {  	v48 =	vpop (erf)  }
0xae: {  	v4 =	vadd.f32 v4, v48  }
0xaf: {  	v47 =	vpop (erf)  }
0xb0: {  	v4 =	vadd.f32 v4, v47  }
0xb1: {  	v46 =	vpop (erf)  }
0xb2: {  	v8 =	vpop (erf);
	v4 =	vadd.f32 v4, v46  }
0xb3: {  	v37 =	vpop (erf)  }
0xb4: {  	v62 =	vsel vm2, $0x1, v6;
	v18 =	vadd.f32 v4, v37  }
0xb5: {  	v38 =	vsel vm3, $0x2, v62;
	v5 =	vpop (erf)  }
0xb6: {  	v38 =	vsel vm4, $0x3, v38;
	v13 =	vmul.f32 $4.800000000e+01, v5;
	v63 =	vmul.f32 v18, v8  }
0xb7: {  	v38 =	vsel vm5, $0x4, v38  }
0xb8: {  	v38 =	vsel vm6, $0x5, v38;
	v40 =	vadd.f32 v63, v13  }
0xb9: {  	v38 =	vsel vm7, $0x6, v38  }
0xba: {  	v38 =	vsel vm8, $0x7, v38;
	(erf) = vrcp.f32 v40  }
0xbb: {  	v38 =	vsel vm9, $0x8, v38  }
0xbc: {  	v38 =	vsel vm10, $0x9, v38  }
0xbd: {  	v0 =	vld [tilespmem:$0x1FF00];
	v38 =	vsel vm11, $0xA, v38  }
0xbe: {  	v38 =	vsel vm12, $0xB, v38  }
0xbf: {  	v38 =	vsel vm13, $0xC, v38  }
0xc0: {  	v38 =	vsel vm14, $0xD, v38  }
0xc1: {  	v57 =	vshll.u32 v7, $0x8  }
0xc2: {  	v61 =	vor.u32 v0, v57;
	v0 =	vld [tilespmem:$0x1FF10]  }
0xc3: {  	v56 =	vsel vm1, $0xE, v38;
	v38 =	vpop (erf)  }
0xc4: {  	v58 =	vmul.f32 v38, v8  }
0xc5: {  	v60 =	vor.u32 v10, v57  }
0xc6: {  	v9 =	vmul.f32 v38, v5;
	v5 =	vmul.f32 v58, v20  }
0xc7: {  	v6 =	vld [tilespmem:$0x1FF40];
	v63 =	vor.u32 v0, v57;
	v0 =	vmul.f32 v58, v21  }
0xc8: {  	v2 =	vld [tilespmem:$0x1FF20];
	v1 =	vmul.f32 v58, v23;
	v5 =	vsub.f32 v5, v9  }
0xc9: {  	v3 =	vld [tilespmem:$0x1FF30];
	v0 =	vsub.f32 v0, v9  }
0xca: {  	v1 =	vsub.f32 v1, v9;
	[tilespmem:v60+s11+$0x0] =	vst.idx.add.f32.msk $0xffff, v5  }
0xcb: {  	[tilespmem:v61+s11+$0x0] =	vst.idx.add.f32.msk $0xffff, v0  }
0xcc: {  	[tilespmem:v63+s11+$0x0] =	vst.idx.add.f32.msk $0xffff, v1  }
0xcd: {  	v2 =	vor.u32 v2, v57;
	v1 =	vld [tilespmem:$0x1FF50]  }
0xce: {  	v3 =	vor.u32 v3, v57;
	v5 =	vmul.f32 v58, v22  }
0xcf: {  	v60 =	vor.u32 v6, v57;
	v6 =	vld [tilespmem:$0x1FF60];
	v0 =	vmul.f32 v58, v55  }
0xd0: {  	v56 =	vsel vm15, $0xF, v56;
	v5 =	vsub.f32 v5, v9  }
0xd1: {  	v56 =	vadd.s32 v36, v56;
	v36 =	vmul.f32 v58, v44;
	v0 =	vsub.f32 v0, v9  }
0xd2: {  	[tilespmem:v2+s11+$0x0] =	vst.idx.add.f32.msk $0xffff, v5;
	v1 =	vor.u32 v1, v57  }
0xd3: {  	v2 =	vmul.f32 v58, v54;
	v5 =	vsub.f32 v36, v9;
	[tilespmem:v3+s11+$0x0] =	vst.idx.add.f32.msk $0xffff, v0  }
0xd4: {  	v63 =	vor.u32 v6, v57;
	v3 =	vld [tilespmem:$0x1FF70]  }
0xd5: {  	v0 =	vmul.f32 v58, v53;
	v2 =	vsub.f32 v2, v9;
	[tilespmem:v60+s11+$0x0] =	vst.idx.add.f32.msk $0xffff, v5  }
0xd6: {  	v5 =	vld [tilespmem:$0x1FF80]  }
0xd7: {  	v0 =	vsub.f32 v0, v9;
	[tilespmem:v1+s11+$0x0] =	vst.idx.add.f32.msk $0xffff, v2  }
0xd8: {  	v2 =	vld [tilespmem:$0x1FF90]  }
0xd9: {  	[tilespmem:v63+s11+$0x0] =	vst.idx.add.f32.msk $0xffff, v0  }
0xda: {  	v0 =	vld [tilespmem:$0x1FFA0]  }
0xdb: {  	v3 =	vor.u32 v3, v57  }
0xdc: {  	v59 =	vsub.f32 v34, v41;
	v6 =	vld [tilespmem:$0x1FFB0];
	v60 =	vmul.f32 v58, v52  }
0xdd: {  	v4 =	vsub.f32 v33, v41;
	v36 =	vmul.f32 v58, v50;
	v5 =	vor.u32 v5, v57  }
0xde: {  	v20 =	vmul.f32 v20, v59;
	v60 =	vsub.f32 v60, v9;
	v2 =	vor.u32 v2, v57  }
0xdf: {  	v59 =	vsub.f32 v36, v9;
	v63 =	vor.u32 v0, v57;
	v0 =	vmul.f32 v58, v51  }
0xe0: {  	[tilespmem:v3+s11+$0x0] =	vst.idx.add.f32.msk $0xffff, v60;
	v3 =	vmul.f32 v21, v4;
	v4 =	vmul.f32 v58, v49  }
0xe1: {  	v21 =	vor.u32 v6, v57;
	v6 =	vld [tilespmem:$0x1FFD0];
	v0 =	vsub.f32 v0, v9  }
0xe2: {  	v36 =	vmul.f32 v58, v48;
	[tilespmem:v5+s11+$0x0] =	vst.idx.add.f32.msk $0xffff, v59;
	v4 =	vsub.f32 v4, v9  }
0xe3: {  	v1 =	vand.u32 $0x7FFFFF, v40;
	[tilespmem:v2+s11+$0x0] =	vst.idx.add.f32.msk $0xffff, v0  }
0xe4: {  	v62 =	vsub.f32 v31, v41;
	v1 =	vor.u32 $0x3F800000, v1;
	[tilespmem:v63+s11+$0x0] =	vst.idx.add.f32.msk $0xffff, v4;
	v4 =	vsub.f32 v36, v9  }
0xe5: {  	v5 =	vadd.f32 $1.000000000e+00, v1  }
0xe6: {  	v23 =	vmul.f32 v23, v62;
	[tilespmem:v21+s11+$0x0] =	vst.idx.add.f32.msk $0xffff, v4  }
0xe7: {  	v61 =	vsub.f32 v29, v41;
	(erf) = vrcp.f32 v5;
	v2 =	vadd.f32 v3, v20;
	v4 =	vld [tilespmem:$0x1FFE0]  }
0xe8: {  	(erf) = vrcp.f32 v18;
	v18 =	vor.u32 v6, v57;
	v6 =	vld [tilespmem:$0x1FFF0]  }
0xe9: {  	v0 =	vmul.f32 v22, v61;
	v2 =	vadd.f32 v2, v23  }
0xea: {  	v20 =	vmul.f32 v58, v47  }
0xeb: {  	v3 =	vsub.f32 v27, v41;
	v0 =	vadd.f32 v2, v0  }
0xec: {  	v2 =	vsub.f32 v20, v9;
	v20 =	vmul.f32 v58, v37;
	v4 =	vor.u32 v4, v57  }
0xed: {  	v5 =	vsub.f32 v45, v41;
	v22 =	vmul.f32 v58, v46;
	v21 =	vor.u32 v6, v57  }
0xee: {  	v3 =	vmul.f32 v55, v3;
	[tilespmem:v18+s11+$0x0] =	vst.idx.add.f32.msk $0xffff, v2;
	v2 =	vsub.f32 v20, v9  }
0xef: {  	v5 =	vmul.f32 v44, v5;
	v22 =	vsub.f32 v22, v9  }
0xf0: {  	v44 =	vshll.u32 v11, $0x6;
	v23 =	vsub.f32 v39, v41;
	v0 =	vadd.f32 v0, v3  }
0xf1: {  	v18 =	vor.u32 $0x1, v44;
	[tilespmem:v4+s11+$0x0] =	vst.idx.add.f32.msk $0xffff, v22  }
0xf2: {  	v20 =	vor.u32 $0x2, v44;
	v0 =	vadd.f32 v0, v5;
	v4 =	vmul.f32 v54, v23;
	[tilespmem:v21+s11+$0x0] =	vst.idx.add.f32.msk $0xffff, v2;
	v2 =	vpop (erf)  }
0xf3: {  	vm13 =	veq.s32 v7, $0x0;
	v3 =	vsub.f32 v42, v41;
	v22 =	vor.u32 $0x3, v44;
	v21 =	vpop (erf);
	[tilespmem:v11+s12+$0x0] =	vst.idx.msk $0xffff, v56  }
0xf4: {  	v0 =	vadd.f32 v0, v4;
	v4 =	vnsel vm13, $0x0, v34;
	[tilespmem:v11+s13+$0x0] =	vst.idx.msk $0xffff, v21;
	v21 =	vor.u32 $0x4, v44  }
0xf5: {  	v3 =	vmul.f32 v53, v3;
	v23 =	vor.u32 $0x5, v44;
	[tilespmem:v44+s14+$0x0] =	vst.idx.msk $0xffff, v4;
	v4 =	vnsel vm13, $0x0, v33  }
0xf6: {  	vm14 =	veq.s32 v7, $0x1;
	[tilespmem:v18+s14+$0x0] =	vst.idx.msk $0xffff, v4;
	v4 =	vnsel vm13, $0x0, v31;
	v18 =	vor.u32 $0x6, v44  }
0xf7: {  	v0 =	vadd.f32 v0, v3;
	v3 =	vnsel vm13, $0x0, v29;
	[tilespmem:v20+s14+$0x0] =	vst.idx.msk $0xffff, v4;
	v4 =	vor.u32 $0x7, v44  }
0xf8: {  	v5 =	vsub.f32 v43, v41;
	[tilespmem:v22+s14+$0x0] =	vst.idx.msk $0xffff, v3;
	v3 =	vor.u32 $0x8, v44;
	v22 =	vnsel vm13, $0x0, v27  }
0xf9: {  	v59 =	vnsel vm13, $0x0, v25;
	[tilespmem:v21+s14+$0x0] =	vst.idx.msk $0xffff, v22;
	v21 =	vor.u32 $0x9, v44;
	v22 =	vnsel vm13, $0x0, v45  }
0xfa: {  	v58 =	vor.u32 $0xA, v44;
	v5 =	vmul.f32 v52, v5;
	[tilespmem:v23+s14+$0x0] =	vst.idx.msk $0xffff, v22;
	v22 =	vnsel vm13, $0x0, v39  }
0xfb: {  	v23 =	vsub.f32 v25, v41;
	[tilespmem:v18+s14+$0x0] =	vst.idx.msk $0xffff, v22;
	v18 =	vor.u32 $0xB, v44;
	v22 =	vnsel vm13, $0x0, v42  }
0xfc: {  	v0 =	vadd.f32 v0, v5;
	v5 =	vnsel vm13, $0x0, v43;
	[tilespmem:v4+s14+$0x0] =	vst.idx.msk $0xffff, v22;
	v4 =	vor.u32 $0xC, v44  }
0xfd: {  	v22 =	vmul.f32 v49, v23;
	v23 =	vnsel vm13, $0x0, v35;
	[tilespmem:v3+s14+$0x0] =	vst.idx.msk $0xffff, v5;
	v3 =	vor.u32 $0xD, v44  }
0xfe: {  	v57 =	vsub.f32 v35, v41;
	[tilespmem:v21+s14+$0x0] =	vst.idx.msk $0xffff, v23;
	v21 =	vnsel vm13, $0x0, v24;
	v23 =	vor.u32 $0xE, v44  }
0xff: {  	v1 =	vadd.f32 $-1.000000000e+00, v1;
	v20 =	vsub.f32 v24, v41;
	[tilespmem:v58+s14+$0x0] =	vst.idx.msk $0xffff, v21;
	v21 =	vor.u32 $0xF, v44  }
0x100: {  	v60 =	vor.u32 $0x10, v44;
	v50 =	vmul.f32 v50, v57;
	[tilespmem:v18+s14+$0x0] =	vst.idx.msk $0xffff, v59;
	v18 =	vnsel vm13, $0x0, v26  }
0x101: {  	v20 =	vmul.f32 v51, v20;
	[tilespmem:v4+s14+$0x0] =	vst.idx.msk $0xffff, v18;
	v4 =	vnsel vm13, $0x0, v28;
	v18 =	vor.u32 $0x11, v44  }
0x102: {  	v0 =	vadd.f32 v0, v50;
	[tilespmem:v3+s14+$0x0] =	vst.idx.msk $0xffff, v4;
	v3 =	vnsel vm13, $0x0, v30;
	v4 =	vor.u32 $0x12, v44  }
0x103: {  	v62 =	vor.u32 $0x15, v44;
	[tilespmem:v23+s14+$0x0] =	vst.idx.msk $0xffff, v3;
	v3 =	vor.u32 $0x13, v44;
	v23 =	vnsel vm13, $0x0, v32  }
0x104: {  	v0 =	vadd.f32 v0, v20;
	[tilespmem:v21+s14+$0x0] =	vst.idx.msk $0xffff, v23;
	v21 =	vnsel vm14, $0x0, v34;
	v23 =	vor.u32 $0x14, v44  }
0x105: {  	v20 =	vsub.f32 v28, v41;
	v5 =	vsub.f32 v26, v41;
	[tilespmem:v60+s14+$0x0] =	vst.idx.msk $0xffff, v21;
	v21 =	vnsel vm14, $0x0, v33  }
0x106: {  	v0 =	vadd.f32 v0, v22;
	[tilespmem:v18+s14+$0x0] =	vst.idx.msk $0xffff, v21;
	v18 =	vnsel vm14, $0x0, v31;
	v21 =	vor.u32 $0x16, v44  }
0x107: {  	v5 =	vmul.f32 v48, v5;
	[tilespmem:v4+s14+$0x0] =	vst.idx.msk $0xffff, v18;
	v4 =	vnsel vm14, $0x0, v29;
	v18 =	vor.u32 $0x17, v44  }
0x108: {  	v20 =	vmul.f32 v47, v20;
	[tilespmem:v3+s14+$0x0] =	vst.idx.msk $0xffff, v4;
	v3 =	vnsel vm14, $0x0, v27;
	v4 =	vor.u32 $0x18, v44  }
0x109: {  	v0 =	vadd.f32 v0, v5;
	v5 =	vor.u32 $0x19, v44;
	[tilespmem:v23+s14+$0x0] =	vst.idx.msk $0xffff, v3;
	v3 =	vnsel vm14, $0x0, v45  }
0x10a: {  	v1 =	vmul.f32 v2, v1;
	v2 =	vnsel vm14, $0x0, v39;
	[tilespmem:v62+s14+$0x0] =	vst.idx.msk $0xffff, v3;
	v3 =	vor.u32 $0x1A, v44  }
0x10b: {  	v0 =	vadd.f32 v0, v20;
	v20 =	vor.u32 $0x1B, v44;
	[tilespmem:v21+s14+$0x0] =	vst.idx.msk $0xffff, v2;
	v2 =	vnsel vm14, $0x0, v42  }
0x10c: {  	[tilespmem:v18+s14+$0x0] =	vst.idx.msk $0xffff, v2;
	v2 =	vnsel vm14, $0x0, v43;
	v18 =	vor.u32 $0x1C, v44  }
0x10d: {  	[tilespmem:v4+s14+$0x0] =	vst.idx.msk $0xffff, v2;
	v2 =	vnsel vm14, $0x0, v35;
	v4 =	vor.u32 $0x1D, v44  }
0x10e: {  	[tilespmem:v5+s14+$0x0] =	vst.idx.msk $0xffff, v2;
	v2 =	vnsel vm14, $0x0, v24;
	v5 =	vor.u32 $0x1E, v44  }
0x10f: {  	[tilespmem:v3+s14+$0x0] =	vst.idx.msk $0xffff, v2;
	v2 =	vnsel vm14, $0x0, v25  }
0x110: {  	[tilespmem:v20+s14+$0x0] =	vst.idx.msk $0xffff, v2;
	v2 =	vnsel vm14, $0x0, v26  }
0x111: {  	[tilespmem:v18+s14+$0x0] =	vst.idx.msk $0xffff, v2;
	v2 =	vnsel vm14, $0x0, v28  }
0x112: {  	[tilespmem:v4+s14+$0x0] =	vst.idx.msk $0xffff, v2;
	v2 =	vnsel vm14, $0x0, v30  }
0x113: {  	[tilespmem:v5+s14+$0x0] =	vst.idx.msk $0xffff, v2;
	v5 =	vld [tilespmem:$0x1FEE0];
	_ =	sdelay $0x1  }
0x114: {  	v61 =	vsub.f32 v30, v41;
	v3 =	vor.u32 $0x1F, v44  }
0x115: {  	v14 =	vsel vm0, $0x0, v26;
	v41 =	vsub.f32 v32, v41;
	v20 =	vor.u32 $0x20, v44  }
0x116: {  	v63 =	vshrl.u32 v40, $0x17;
	v6 =	vld [tilespmem:$0x1FFC0];
	v22 =	vmul.f32 v46, v61;
	v18 =	vor.u32 $0x21, v44  }
0x117: {  	v37 =	vmul.f32 v37, v41;
	v4 =	vor.u32 $0x22, v44;
	vm15 =	vnez.u8 v5  }
0x118: {  	v2 =	vnsel vm14, $0x0, v32;
	v5 =	vor.u32 $0x23, v44;
	vm1 =	vmand vm15, vm0  }
0x119: {  	v21 =	vmul.f32 v1, v1;
	[tilespmem:v3+s14+$0x0] =	vst.idx.msk $0xffff, v2;
	v3 =	vor.u32 $0x24, v44;
	v2 =	vnsel vm1, $0x0, v34  }
0x11a: {  	v0 =	vadd.f32 v0, v22;
	[tilespmem:v20+s14+$0x0] =	vst.idx.msk $0xffff, v2;
	v2 =	vnsel vm1, $0x0, v33;
	v20 =	vor.u32 $0x25, v44  }
0x11b: {  	v22 =	vmul.f32 v21, v6;
	[tilespmem:v18+s14+$0x0] =	vst.idx.msk $0xffff, v2;
	v2 =	vnsel vm1, $0x0, v31;
	v18 =	vor.u32 $0x26, v44  }
0x11c: {  	v0 =	vadd.f32 v0, v37;
	[tilespmem:v4+s14+$0x0] =	vst.idx.msk $0xffff, v2;
	v2 =	vnsel vm1, $0x0, v29;
	v4 =	vor.u32 $0x27, v44  }
0x11d: {  	v22 =	vadd.f32 $2.000000030e-01, v22;
	[tilespmem:v5+s14+$0x0] =	vst.idx.msk $0xffff, v2;
	v2 =	vnsel vm1, $0x0, v27;
	v5 =	vor.u32 $0x28, v44  }
0x11e: {  	v23 =	vmul.f32 v13, v12;
	[tilespmem:v3+s14+$0x0] =	vst.idx.msk $0xffff, v2;
	v2 =	vnsel vm1, $0x0, v45;
	v3 =	vor.u32 $0x29, v44  }
0x11f: {  	v22 =	vmul.f32 v22, v21;
	[tilespmem:v20+s14+$0x0] =	vst.idx.msk $0xffff, v2;
	v2 =	vnsel vm1, $0x0, v39;
	v20 =	vor.u32 $0x2A, v44  }
0x120: {  	v0 =	vmul.f32 v0, v8;
	[tilespmem:v18+s14+$0x0] =	vst.idx.msk $0xffff, v2;
	v2 =	vnsel vm1, $0x0, v42;
	v18 =	vor.u32 $0x2B, v44  }
0x121: {  	v22 =	vadd.f32 $3.333333430e-01, v22;
	[tilespmem:v4+s14+$0x0] =	vst.idx.msk $0xffff, v2;
	v2 =	vnsel vm1, $0x0, v43;
	v4 =	vor.u32 $0x2C, v44  }
0x122: {  	v1 =	vadd.f32 v1, v1;
	[tilespmem:v5+s14+$0x0] =	vst.idx.msk $0xffff, v2;
	v2 =	vnsel vm1, $0x0, v35;
	v5 =	vor.u32 $0x2D, v44  }
0x123: {  	v21 =	vmul.f32 v22, v21;
	[tilespmem:v3+s14+$0x0] =	vst.idx.msk $0xffff, v2;
	v2 =	vnsel vm1, $0x0, v24;
	v3 =	vor.u32 $0x2E, v44  }
0x124: {  	v22 =	vsel vm0, $0x0, v34;
	[tilespmem:v20+s14+$0x0] =	vst.idx.msk $0xffff, v2;
	v2 =	vnsel vm1, $0x0, v25;
	v20 =	vor.u32 $0x2F, v44  }
0x125: {  	v21 =	vadd.f32 $1.000000000e+00, v21;
	[tilespmem:v18+s14+$0x0] =	vst.idx.msk $0xffff, v2;
	v2 =	vnsel vm1, $0x0, v26;
	v18 =	vor.u32 $0x30, v44  }
0x126: {  	v34 =	vand.u32 $0xFF, v63;
	[tilespmem:v4+s14+$0x0] =	vst.idx.msk $0xffff, v2;
	v2 =	vnsel vm1, $0x0, v28;
	v4 =	vor.u32 $0x31, v44  }
0x127: {  	v34 =	vadd.s32 $0xFFFFFF81, v34;
	[tilespmem:v5+s14+$0x0] =	vst.idx.msk $0xffff, v2;
	v2 =	vnsel vm1, $0x0, v30;
	v5 =	vor.u32 $0x32, v44  }
0x128: {  	v34 =	vcvt.s32.f32 v34;
	[tilespmem:v3+s14+$0x0] =	vst.idx.msk $0xffff, v2;
	v2 =	vnsel vm1, $0x0, v32;
	v3 =	vor.u32 $0x33, v44  }
0x129: {  	v0 =	vadd.f32 v0, v23;
	v1 =	vmul.f32 v21, v1;
	[tilespmem:v20+s14+$0x0] =	vst.idx.msk $0xffff, v2;
	v20 =	vor.u32 $0x34, v44  }
0x12a: {  	v21 =	vor.u32 $0x35, v44;
	v33 =	vsel vm0, $0x0, v33;
	v2 =	vmul.f32 $6.931471820e-01, v34;
	[tilespmem:v18+s14+$0x0] =	vst.idx.msk $0xffff, v22  }
0x12b: {  	v16 =	vsel vm0, $0x0, v30;
	v0 =	vmul.f32 v38, v0;
	v31 =	vsel vm0, $0x0, v31;
	[tilespmem:v4+s14+$0x0] =	vst.idx.msk $0xffff, v33  }
0x12c: {  	v29 =	vsel vm0, $0x0, v29;
	v1 =	vadd.f32 v1, v2;
	v2 =	vor.u32 $0x36, v44;
	[tilespmem:v5+s14+$0x0] =	vst.idx.msk $0xffff, v31  }
0x12d: {  	v8 =	vor.u32 $0x38, v44;
	v27 =	vsel vm0, $0x0, v27;
	v22 =	vor.u32 $0x37, v44;
	[tilespmem:v3+s14+$0x0] =	vst.idx.msk $0xffff, v29  }
0x12e: {  	v18 =	vsel vm0, $0x0, v45;
	v0 =	vsub.f32 v1, v0;
	v1 =	vadd.f32 v9, v19;
	[tilespmem:v20+s14+$0x0] =	vst.idx.msk $0xffff, v27  }
0x12f: {  	v7 =	vsel vm0, $0x0, v35;
	v54 =	vor.u32 $0x3F, v44;
	v6 =	vor.u32 $0x39, v44;
	[tilespmem:v21+s14+$0x0] =	vst.idx.msk $0xffff, v18  }
0x130: {  	v11 =	vsel vm0, $0x0, v24;
	v13 =	vsel vm0, $0x0, v25;
	v4 =	vsel vm0, $0x0, v39;
	[tilespmem:$0x1FEF0] =	vst v1  }
0x131: {  	s19 =	simm.s32 $0x10;
	v33 =	vsel vm0, $0x0, v32;
	v5 =	vsel vm0, $0x0, v42;
	v31 =	vsel vm0, $0x0, v28;
	[tilespmem:v2+s14+$0x0] =	vst.idx.msk $0xffff, v4  }
0x132: {  	v3 =	vsel vm0, $0x0, v43;
	v20 =	vor.u32 s19, v10;
	v26 =	vadd.f32 v0, v19;
	[tilespmem:v22+s14+$0x0] =	vst.idx.msk $0xffff, v5  }
0x133: {  	v1 =	vor.u32 $0x3B, v44;
	v0 =	vmul.u32 $0x44, v20;
	v2 =	vor.u32 $0x3A, v44;
	[tilespmem:v8+s14+$0x0] =	vst.idx.msk $0xffff, v3  }
0x134: {  	s19 =	simm.s32 $0x20;
	v4 =	vor.u32 $0x3D, v44;
	v5 =	vor.u32 $0x3E, v44;
	v3 =	vor.u32 $0x3C, v44;
	[tilespmem:v6+s14+$0x0] =	vst.idx.msk $0xffff, v7  }
.LBB2_2:
0x135: {  	_ =	sdelay $0x3  }
0x136: {  	[tilespmem:v2+s14+$0x0] =	vst.idx.msk $0xffff, v11  }
0x137: {  	v21 =	vadd.s32 $0x40, v0;
	[tilespmem:v1+s14+$0x0] =	vst.idx.msk $0xffff, v13  }
0x138: {  	v22 =	vadd.s32 $0x41, v0;
	[tilespmem:v3+s14+$0x0] =	vst.idx.msk $0xffff, v14  }
0x139: {  	[tilespmem:v4+s14+$0x0] =	vst.idx.msk $0xffff, v31  }
0x13a: {  	v1 =	vadd.s32 $0x42, v0;
	[tilespmem:v5+s14+$0x0] =	vst.idx.msk $0xffff, v16  }
0x13b: {  	[tilespmem:v54+s14+$0x0] =	vst.idx.msk $0xffff, v33  }
0x13c: {  	v2 =	vadd.s32 $0x43, v0;
	v3 =	vld.idx.msk [tilespmem:v21+s2+$0x0], $0xffff  }
0x13d: {  	v4 =	vld.idx.msk [tilespmem:v22+s2+$0x0], $0xffff;
	_ =	sdelay $0x1  }
0x13e: {  	v1 =	vld.idx.msk [tilespmem:v1+s2+$0x0], $0xffff;
	_ =	sdelay $0x1  }
0x13f: {  	v2 =	vld.idx.msk [tilespmem:v2+s2+$0x0], $0xffff  }
0x140: {  	vm1 =	vgt.f32 v4, v3  }
0x141: {  	v3 =	vsel vm1, v4, v3  }
0x142: {  	vm0 =	vgt.f32 v1, v3  }
0x143: {  	v6 =	vimm.s32 $0x0;
	v1 =	vsel vm0, v1, v3  }
0x144: {  	v3 =	vsel vm1, $0x1, v6;
	vm6 =	vgt.f32 v2, v1  }
0x145: {  	v1 =	vsel vm0, $0x2, v3;
	vm1 =	vmneg vm6  }
0x146: {  	v53 =	vnsel vm1, $0x3, v1  }
0x147: {  	v55 =	vshll.u32 v53, $0x4  }
0x148: {  	v0 =	vadd.s32 v0, v55  }
0x149: {  	v1 =	vor.u32 $0x1, v0;
	_ =	sdelay $0x1  }
0x14a: {  	v2 =	vor.u32 $0x2, v0;
	_ =	sdelay $0x1  }
0x14b: {  	v3 =	vor.u32 $0x3, v0;
	v39 =	vld.idx.msk [tilespmem:v0+s2+$0x0], $0xffff  }
0x14c: {  	v41 =	vld.idx.msk [tilespmem:v1+s2+$0x0], $0xffff  }
0x14d: {  	v4 =	vadd.s32 $0x4, v0  }
0x14e: {  	v40 =	vld.idx.msk [tilespmem:v2+s2+$0x0], $0xffff  }
0x14f: {  	v5 =	vadd.s32 $0x5, v0  }
0x150: {  	v37 =	vld.idx.msk [tilespmem:v3+s2+$0x0], $0xffff;
	v1 =	vsel vm1, $0x0, v39  }
0x151: {  	v23 =	vadd.s32 $0x6, v0;
	[tilespmem:$0x1FE40] =	vst v1;
	vm2 =	vgt.f32 v41, v39;
	v1 =	vsel vm1, $0x0, v41  }
0x152: {  	v38 =	vld.idx.msk [tilespmem:v4+s2+$0x0], $0xffff;
	[tilespmem:$0x1FE50] =	vst v1;
	v1 =	vsel vm2, v41, v39  }
0x153: {  	v25 =	vadd.s32 $0x7, v0;
	vm3 =	vgt.f32 v40, v1  }
0x154: {  	v42 =	vld.idx.msk [tilespmem:v5+s2+$0x0], $0xffff;
	v1 =	vsel vm3, v40, v1  }
0x155: {  	v27 =	vadd.s32 $0x8, v0;
	vm7 =	vgt.f32 v37, v1  }
0x156: {  	v43 =	vld.idx.msk [tilespmem:v23+s2+$0x0], $0xffff;
	v2 =	vsel vm1, $0x0, v40;
	v1 =	vsel vm7, v37, v1  }
0x157: {  	v29 =	vadd.s32 $0x9, v0;
	[tilespmem:$0x1FE60] =	vst v2;
	v2 =	vsel vm2, $0x1, v6;
	vm8 =	vgt.f32 v38, v1  }
0x158: {  	v44 =	vld.idx.msk [tilespmem:v25+s2+$0x0], $0xffff;
	v2 =	vsel vm3, $0x2, v2;
	v1 =	vsel vm8, v38, v1  }
0x159: {  	v31 =	vadd.s32 $0xA, v0;
	v2 =	vsel vm7, $0x3, v2;
	vm2 =	vgt.f32 v42, v1  }
0x15a: {  	v45 =	vld.idx.msk [tilespmem:v27+s2+$0x0], $0xffff;
	v2 =	vsel vm8, $0x4, v2;
	v1 =	vsel vm2, v42, v1  }
0x15b: {  	v63 =	vadd.s32 $0xB, v0;
	v2 =	vsel vm2, $0x5, v2;
	vm2 =	vgt.f32 v43, v1  }
0x15c: {  	v46 =	vld.idx.msk [tilespmem:v29+s2+$0x0], $0xffff;
	v1 =	vsel vm2, v43, v1  }
0x15d: {  	v36 =	vadd.s32 $0xC, v0;
	v2 =	vsel vm2, $0x6, v2;
	vm2 =	vgt.f32 v44, v1  }
0x15e: {  	v47 =	vld.idx.msk [tilespmem:v31+s2+$0x0], $0xffff;
	v1 =	vsel vm2, v44, v1  }
0x15f: {  	v50 =	vadd.s32 $0xD, v0;
	v2 =	vsel vm2, $0x7, v2;
	vm2 =	vgt.f32 v45, v1  }
0x160: {  	v48 =	vld.idx.msk [tilespmem:v63+s2+$0x0], $0xffff;
	v1 =	vsel vm2, v45, v1  }
0x161: {  	v51 =	vadd.s32 $0xE, v0;
	vm9 =	vgt.f32 v46, v1  }
0x162: {  	v49 =	vld.idx.msk [tilespmem:v36+s2+$0x0], $0xffff;
	v1 =	vsel vm9, v46, v1  }
0x163: {  	v0 =	vadd.s32 $0xF, v0;
	vm4 =	vgt.f32 v47, v1  }
0x164: {  	v50 =	vld.idx.msk [tilespmem:v50+s2+$0x0], $0xffff;
	v3 =	vsel vm1, $0x0, v37;
	v1 =	vsel vm4, v47, v1  }
0x165: {  	[tilespmem:$0x1FE70] =	vst v3;
	v3 =	vsel vm1, $0x0, v38;
	vm5 =	vgt.f32 v48, v1  }
0x166: {  	v51 =	vld.idx.msk [tilespmem:v51+s2+$0x0], $0xffff;
	[tilespmem:$0x1FE80] =	vst v3;
	v3 =	vsel vm1, $0x0, v42;
	v1 =	vsel vm5, v48, v1  }
0x167: {  	[tilespmem:$0x1FE90] =	vst v3;
	v3 =	vsel vm1, $0x0, v43;
	vm10 =	vgt.f32 v49, v1  }
0x168: {  	v52 =	vld.idx.msk [tilespmem:v0+s2+$0x0], $0xffff;
	[tilespmem:$0x1FEA0] =	vst v3;
	v3 =	vsel vm1, $0x0, v44;
	v1 =	vsel vm10, v49, v1  }
0x169: {  	[tilespmem:$0x1FEB0] =	vst v3;
	v3 =	vsel vm1, $0x0, v45;
	v0 =	vsel vm2, $0x8, v2;
	vm11 =	vgt.f32 v50, v1  }
0x16a: {  	[tilespmem:$0x1FEC0] =	vst v3;
	v3 =	vsel vm1, $0x0, v46;
	v0 =	vsel vm9, $0x9, v0;
	v1 =	vsel vm11, v50, v1  }
0x16b: {  	[tilespmem:$0x1FED0] =	vst v3;
	v3 =	vsel vm1, $0x0, v47;
	v0 =	vsel vm4, $0xA, v0;
	vm12 =	vgt.f32 v51, v1  }
0x16c: {  	[tilespmem:$0x1FE30] =	vst v3;
	v3 =	vsel vm1, $0x0, v48;
	v0 =	vsel vm5, $0xB, v0;
	v1 =	vsel vm12, v51, v1  }
0x16d: {  	[tilespmem:$0x1FE00] =	vst v3;
	v2 =	vsel vm1, $0x0, v49;
	v0 =	vsel vm10, $0xC, v0;
	vm13 =	vgt.f32 v52, v1  }
0x16e: {  	[tilespmem:$0x1FE10] =	vst v2;
	v2 =	vsel vm1, $0x0, v51;
	v0 =	vsel vm11, $0xD, v0;
	v1 =	vsel vm13, v52, v1  }
0x16f: {  	[tilespmem:$0x1FE20] =	vst v2;
	v0 =	vsel vm12, $0xE, v0;
	v2 =	vsub.f32 v39, v1;
	v3 =	vsub.f32 v46, v1  }
0x170: {  	v0 =	vsel vm13, $0xF, v0;
	v5 =	vsub.f32 v40, v1;
	v56 =	vsub.f32 v42, v1  }
0x171: {  	v4 =	vmax.f32 v1, $0.0e+00;
	v58 =	vsub.f32 v38, v1;
	v60 =	vsub.f32 v41, v1  }
0x172: {  	v61 =	vsub.f32 v37, v1;
	v62 =	vsub.f32 v43, v1;
	v2 =	vmul.f32 $1.442695020e+00, v2  }
0x173: {  	v7 =	vsub.f32 v44, v1;
	v8 =	vsub.f32 v45, v1;
	v60 =	vmul.f32 $1.442695020e+00, v60  }
0x174: {  	v35 =	vsub.f32 v47, v1;
	v36 =	vsub.f32 v48, v1;
	(erf) = vpow2.f32 v2  }
0x175: {  	v32 =	vsub.f32 v49, v1;
	v5 =	vmul.f32 $1.442695020e+00, v5;
	(erf) = vpow2.f32 v60  }
0x176: {  	v57 =	vmin.f32 v1, $0.0e+00;
	v34 =	vsub.f32 v50, v1;
	v59 =	vsub.f32 v47, v4  }
0x177: {  	v63 =	vsub.f32 v39, v4;
	v2 =	vmul.f32 $1.442695020e+00, v61;
	(erf) = vpow2.f32 v5  }
0x178: {  	v12 =	vmul.f32 $1.442695020e+00, v57;
	v57 =	vsub.f32 $0.0e+00, v4;
	v14 =	vsub.f32 v50, v4  }
0x179: {  	v16 =	vsub.f32 v38, v4;
	v58 =	vmul.f32 $1.442695020e+00, v58;
	(erf) = vpow2.f32 v2  }
0x17a: {  	v17 =	vsub.f32 v43, v4;
	v18 =	vsub.f32 v46, v4;
	v6 =	vmul.f32 $1.442695020e+00, v56  }
0x17b: {  	v22 =	vmovc v26;
	v26 =	vsub.f32 v44, v4;
	v62 =	vmul.f32 $1.442695020e+00, v62;
	(erf) = vpow2.f32 v58  }
0x17c: {  	v9 =	vmul.f32 $1.442695020e+00, v35;
	v35 =	vsub.f32 v51, v1;
	v1 =	vsub.f32 v52, v1  }
0x17d: {  	v3 =	vmul.f32 $1.442695020e+00, v3;
	v56 =	vadd.s32 v55, v0;
	v55 =	vpop (erf);
	(erf) = vpow2.f32 v6  }
0x17e: {  	v28 =	vsub.f32 v48, v4;
	v13 =	vmul.f32 $1.442695020e+00, v1;
	v58 =	vpop (erf);
	(erf) = vpow2.f32 v62  }
0x17f: {  	v1 =	vmul.f32 $1.442695020e+00, v7;
	v6 =	vmul.f32 $1.442695020e+00, v8;
	v8 =	vadd.f32 v58, v55  }
0x180: {  	v10 =	vmul.f32 $1.442695020e+00, v34;
	v0 =	vsub.f32 v40, v4;
	v2 =	vsub.f32 v41, v4;
	v60 =	vpop (erf)  }
0x181: {  	v5 =	vmul.f32 $1.442695020e+00, v36;
	(erf) = vpow2.f32 v1;
	v8 =	vadd.f32 v8, v60  }
0x182: {  	v30 =	vsub.f32 v51, v4;
	v36 =	vmul.f32 v55, v63;
	v2 =	vmul.f32 v58, v2;
	v63 =	vpop (erf)  }
0x183: {  	v34 =	vsub.f32 v52, v4;
	(erf) = vpow2.f32 v6;
	v8 =	vadd.f32 v8, v63  }
0x184: {  	v61 =	vmul.f32 $1.442695020e+00, v32;
	v7 =	vsub.f32 v37, v4;
	v24 =	vmul.f32 v60, v0;
	v0 =	vpop (erf)  }
0x185: {  	v32 =	vsub.f32 v45, v4;
	(erf) = vpow2.f32 v3;
	v8 =	vadd.f32 v8, v0  }
0x186: {  	v1 =	vsub.f32 v42, v4;
	v6 =	vmul.f32 v63, v7;
	v62 =	vadd.f32 v2, v36;
	v2 =	vpop (erf)  }
0x187: {  	v7 =	vsub.f32 v49, v4;
	v4 =	vadd.f32 v8, v2;
	v3 =	vpop (erf);
	(erf) = vpow2.f32 v9  }
0x188: {  	v8 =	vadd.f32 v62, v24  }
0x189: {  	(erf) = vpow2.f32 v5;
	v19 =	vadd.f32 v4, v3  }
0x18a: {  	v16 =	vmul.f32 v0, v16;
	v9 =	vmul.f32 v2, v1;
	v1 =	vpop (erf);
	v6 =	vadd.f32 v8, v6  }
0x18b: {  	(erf) = vpow2.f32 v61;
	v19 =	vadd.f32 v19, v1  }
0x18c: {  	v11 =	vmul.f32 $1.442695020e+00, v35;
	v6 =	vadd.f32 v6, v16;
	v4 =	vpop (erf)  }
0x18d: {  	v8 =	vmul.f32 v3, v17;
	(erf) = vpow2.f32 v10;
	v17 =	vadd.f32 v19, v4  }
0x18e: {  	v5 =	vpop (erf);
	v6 =	vadd.f32 v6, v9  }
0x18f: {  	v15 =	vmul.f32 $1.442695020e+00, v57;
	(erf) = vpow2.f32 v11;
	v9 =	vadd.f32 v17, v5  }
0x190: {  	v16 =	vmul.f32 v1, v26;
	v6 =	vadd.f32 v6, v8;
	v10 =	vpop (erf);
	(erf) = vpow2.f32 v12  }
0x191: {  	v9 =	vadd.f32 v9, v10;
	(erf) = vpow2.f32 v13  }
0x192: {  	v11 =	vmul.f32 v5, v18;
	v8 =	vmul.f32 v4, v32;
	v6 =	vadd.f32 v6, v16;
	v13 =	vpop (erf)  }
0x193: {  	(erf) = vpow2.f32 v15;
	v9 =	vadd.f32 v9, v13  }
0x194: {  	v15 =	vpop (erf);
	v6 =	vadd.f32 v6, v8  }
0x195: {  	v9 =	vadd.f32 v9, v15  }
0x196: {  	v12 =	vmul.f32 v10, v59;
	v6 =	vadd.f32 v6, v11;
	v11 =	vpop (erf)  }
0x197: {  	v8 =	vmul.f32 v13, v28;
	v9 =	vadd.f32 v9, v11  }
0x198: {  	v7 =	vmul.f32 v15, v7;
	v6 =	vadd.f32 v6, v12;
	v12 =	vmul.f32 v11, v14;
	v14 =	vpop (erf)  }
0x199: {  	v9 =	vadd.f32 v9, v14;
	v16 =	vpop (erf)  }
0x19a: {  	v6 =	vadd.f32 v6, v8;
	v17 =	vpop (erf)  }
0x19b: {  	v9 =	vadd.f32 v9, v17  }
0x19c: {  	v6 =	vadd.f32 v6, v7;
	v7 =	vpop (erf)  }
0x19d: {  	v19 =	vld [tilespmem:$0x1FFB0];
	v24 =	vmul.f32 $4.800000000e+01, v7;
	v18 =	vmul.f32 v9, v16  }
0x19e: {  	v8 =	vmul.f32 v14, v30;
	v6 =	vadd.f32 v6, v12  }
0x19f: {  	v12 =	vadd.f32 v18, v24  }
0x1a0: {  	v6 =	vadd.f32 v6, v8;
	v8 =	vmul.f32 v17, v34  }
0x1a1: {  	v54 =	vshll.u32 v53, $0x8;
	v57 =	vmul.f32 v24, v57;
	v24 =	vand.u32 $0x7FFFFF, v12  }
0x1a2: {  	v6 =	vadd.f32 v6, v8;
	v8 =	vor.u32 $0x3F800000, v24;
	v24 =	vor.u32 v19, v54;
	v19 =	vld [tilespmem:$0x1FFD0];
	_ =	sdelay $0x4  }
0x1a3: {  	v26 =	vor.u32 v19, v54;
	v19 =	vld [tilespmem:$0x1FF70];
	_ =	sdelay $0x4  }
0x1a4: {  	v28 =	vor.u32 v19, v54;
	v19 =	vld [tilespmem:$0x1FF80];
	_ =	sdelay $0x4  }
0x1a5: {  	v30 =	vor.u32 v19, v54;
	v19 =	vld [tilespmem:$0x1FF90];
	_ =	sdelay $0x2  }
0x1a6: {  	v21 =	vld [tilespmem:$0x1FF20];
	_ =	sdelay $0x1  }
0x1a7: {  	v32 =	vor.u32 v19, v54;
	v19 =	vld [tilespmem:$0x1FF40];
	_ =	sdelay $0x2  }
0x1a8: {  	v23 =	vor.u32 v21, v54;
	v21 =	vld [tilespmem:$0x1FF30];
	(erf) = vrcp.f32 v12  }
0x1a9: {  	v27 =	vld [tilespmem:$0x1FF10]  }
0x1aa: {  	v34 =	vor.u32 v19, v54;
	v19 =	vld [tilespmem:$0x1FF50]  }
0x1ab: {  	v29 =	vld [tilespmem:$0x1FF00];
	v18 =	vshrl.u32 v12, $0x17  }
0x1ac: {  	v62 =	vand.u32 $0xFF, v18;
	v18 =	vld [tilespmem:$0x1FFA0];
	v12 =	vadd.f32 $1.000000000e+00, v8  }
0x1ad: {  	v59 =	vmul.f32 v6, v16;
	v6 =	vld [tilespmem:$0x1FFE0]  }
0x1ae: {  	(erf) = vrcp.f32 v12;
	v12 =	vld [tilespmem:$0x1FFF0]  }
0x1af: {  	v35 =	vor.u32 v19, v54;
	v19 =	vld [tilespmem:$0x1FF60];
	_ =	sdelay $0x1  }
0x1b0: {  	v27 =	vor.u32 v27, v54;
	v36 =	vor.u32 v21, v54;
	v21 =	vlaneseq.u32;
	v61 =	vpop (erf)  }
0x1b1: {  	v25 =	vor.u32 v21, v54;
	v18 =	vor.u32 v18, v54;
	v16 =	vmul.f32 v61, v16  }
0x1b2: {  	v6 =	vor.u32 v6, v54;
	v12 =	vor.u32 v12, v54;
	v7 =	vmul.f32 v61, v7  }
0x1b3: {  	v55 =	vmul.f32 v16, v55;
	v19 =	vor.u32 v19, v54;
	v54 =	vor.u32 v29, v54;
	v29 =	vld [tilespmem:$0x1FEF0]  }
0x1b4: {  	v58 =	vmul.f32 v16, v58  }
0x1b5: {  	v60 =	vmul.f32 v16, v60;
	v55 =	vsub.f32 v55, v7  }
0x1b6: {  	v58 =	vsub.f32 v58, v7  }
0x1b7: {  	v63 =	vmul.f32 v16, v63;
	v60 =	vsub.f32 v60, v7;
	[tilespmem:v25+s11+$0x0] =	vst.idx.add.f32.msk $0xffff, v55  }
0x1b8: {  	v0 =	vmul.f32 v16, v0;
	v29 =	vadd.f32 v7, v29;
	[tilespmem:v54+s11+$0x0] =	vst.idx.add.f32.msk $0xffff, v58  }
0x1b9: {  	v2 =	vmul.f32 v16, v2;
	v25 =	vsub.f32 v63, v7;
	[tilespmem:v27+s11+$0x0] =	vst.idx.add.f32.msk $0xffff, v60  }
0x1ba: {  	v3 =	vmul.f32 v16, v3;
	v0 =	vsub.f32 v0, v7;
	[tilespmem:$0x1FEF0] =	vst v29  }
0x1bb: {  	v1 =	vmul.f32 v16, v1;
	v2 =	vsub.f32 v2, v7;
	[tilespmem:v23+s11+$0x0] =	vst.idx.add.f32.msk $0xffff, v25  }
0x1bc: {  	v4 =	vmul.f32 v16, v4;
	v3 =	vsub.f32 v3, v7;
	[tilespmem:v36+s11+$0x0] =	vst.idx.add.f32.msk $0xffff, v0  }
0x1bd: {  	v5 =	vmul.f32 v16, v5;
	v0 =	vsub.f32 v1, v7;
	[tilespmem:v34+s11+$0x0] =	vst.idx.add.f32.msk $0xffff, v2  }
0x1be: {  	v10 =	vmul.f32 v16, v10;
	v1 =	vsub.f32 v4, v7;
	[tilespmem:v35+s11+$0x0] =	vst.idx.add.f32.msk $0xffff, v3  }
0x1bf: {  	v2 =	vsub.f32 v5, v7;
	v3 =	vmul.f32 v16, v13;
	[tilespmem:v19+s11+$0x0] =	vst.idx.add.f32.msk $0xffff, v0  }
0x1c0: {  	v4 =	vsub.f32 v10, v7;
	v5 =	vmul.f32 v16, v15;
	[tilespmem:v28+s11+$0x0] =	vst.idx.add.f32.msk $0xffff, v1  }
0x1c1: {  	v0 =	vmul.f32 v16, v11;
	v1 =	vsub.f32 v3, v7;
	[tilespmem:v30+s11+$0x0] =	vst.idx.add.f32.msk $0xffff, v2  }
0x1c2: {  	v3 =	vsub.f32 v5, v7;
	[tilespmem:v32+s11+$0x0] =	vst.idx.add.f32.msk $0xffff, v4  }
0x1c3: {  	v0 =	vsub.f32 v0, v7;
	[tilespmem:v18+s11+$0x0] =	vst.idx.add.f32.msk $0xffff, v1  }
0x1c4: {  	v29 =	vpop (erf);
	(erf) = vrcp.f32 v9;
	[tilespmem:v24+s11+$0x0] =	vst.idx.add.f32.msk $0xffff, v3  }
0x1c5: {  	v8 =	vadd.f32 $-1.000000000e+00, v8;
	[tilespmem:v26+s11+$0x0] =	vst.idx.add.f32.msk $0xffff, v0  }
0x1c6: {  	v0 =	vld [tilespmem:$0x1FFC0]  }
0x1c7: {  	v9 =	vmul.f32 v16, v14;
	v5 =	vmul.f32 v29, v8  }
0x1c8: {  	v4 =	vmul.f32 v16, v17  }
0x1c9: {  	v2 =	vsub.f32 v9, v7;
	v1 =	vmul.f32 v5, v5  }
0x1ca: {  	v63 =	vshll.u32 v20, $0x6;
	v3 =	vsub.f32 v4, v7  }
0x1cb: {  	[tilespmem:v6+s11+$0x0] =	vst.idx.add.f32.msk $0xffff, v2;
	v2 =	vor.u32 $0x1, v63;
	v0 =	vmul.f32 v1, v0  }
0x1cc: {  	[tilespmem:v12+s11+$0x0] =	vst.idx.add.f32.msk $0xffff, v3;
	v3 =	vor.u32 $0x2, v63  }
0x1cd: {  	vm14 =	veq.s32 v53, $0x0;
	v4 =	vpop (erf);
	v6 =	vor.u32 $0x3, v63;
	[tilespmem:v20+s12+$0x0] =	vst.idx.msk $0xffff, v56;
	v0 =	vadd.f32 $2.000000030e-01, v0  }
0x1ce: {  	v10 =	vor.u32 $0x8, v63;
	v7 =	vor.u32 $0x4, v63;
	[tilespmem:v20+s13+$0x0] =	vst.idx.msk $0xffff, v4;
	v4 =	vnsel vm14, $0x0, v39  }
0x1cf: {  	v9 =	vor.u32 $0x5, v63;
	[tilespmem:v63+s14+$0x0] =	vst.idx.msk $0xffff, v4;
	v4 =	vnsel vm14, $0x0, v41;
	v0 =	vmul.f32 v0, v1  }
0x1d0: {  	v11 =	vor.u32 $0xC, v63;
	[tilespmem:v2+s14+$0x0] =	vst.idx.msk $0xffff, v4;
	v2 =	vnsel vm14, $0x0, v40;
	v4 =	vor.u32 $0x6, v63  }
0x1d1: {  	[tilespmem:v3+s14+$0x0] =	vst.idx.msk $0xffff, v2;
	v2 =	vnsel vm14, $0x0, v37;
	v3 =	vor.u32 $0x7, v63;
	v0 =	vadd.f32 $3.333333430e-01, v0  }
0x1d2: {  	v8 =	vor.u32 $0x9, v63;
	v5 =	vadd.f32 v5, v5;
	[tilespmem:v6+s14+$0x0] =	vst.idx.msk $0xffff, v2;
	v2 =	vnsel vm14, $0x0, v38  }
0x1d3: {  	v6 =	vor.u32 $0xA, v63;
	[tilespmem:v7+s14+$0x0] =	vst.idx.msk $0xffff, v2;
	v0 =	vmul.f32 v0, v1;
	v1 =	vnsel vm14, $0x0, v42  }
0x1d4: {  	v2 =	vor.u32 $0xB, v63;
	v7 =	vadd.s32 $0xFFFFFF81, v62;
	[tilespmem:v9+s14+$0x0] =	vst.idx.msk $0xffff, v1;
	v1 =	vnsel vm14, $0x0, v43  }
0x1d5: {  	v7 =	vcvt.s32.f32 v7;
	v9 =	vnsel vm14, $0x0, v44;
	v0 =	vadd.f32 $1.000000000e+00, v0;
	[tilespmem:v4+s14+$0x0] =	vst.idx.msk $0xffff, v1  }
0x1d6: {  	v1 =	vnsel vm14, $0x0, v45;
	v4 =	vor.u32 $0xD, v63;
	[tilespmem:v3+s14+$0x0] =	vst.idx.msk $0xffff, v9;
	v3 =	vnsel vm14, $0x0, v46  }
0x1d7: {  	v9 =	vadd.f32 v59, v57;
	v0 =	vmul.f32 v0, v5;
	v5 =	vmul.f32 $6.931471820e-01, v7;
	[tilespmem:v10+s14+$0x0] =	vst.idx.msk $0xffff, v1  }
0x1d8: {  	v1 =	vnsel vm14, $0x0, v47;
	v7 =	vor.u32 $0xF, v63;
	[tilespmem:v8+s14+$0x0] =	vst.idx.msk $0xffff, v3;
	v3 =	vor.u32 $0xE, v63  }
0x1d9: {  	v0 =	vadd.f32 v0, v5;
	v5 =	vmul.f32 v61, v9;
	[tilespmem:v6+s14+$0x0] =	vst.idx.msk $0xffff, v1;
	v1 =	vnsel vm14, $0x0, v48  }
0x1da: {  	[tilespmem:v2+s14+$0x0] =	vst.idx.msk $0xffff, v1;
	v1 =	vnsel vm14, $0x0, v49;
	v2 =	vor.u32 $0x10, v63  }
0x1db: {  	v0 =	vsub.f32 v0, v5;
	[tilespmem:v11+s14+$0x0] =	vst.idx.msk $0xffff, v1;
	v1 =	vnsel vm14, $0x0, v50;
	v5 =	vor.u32 $0x11, v63  }
0x1dc: {  	[tilespmem:v4+s14+$0x0] =	vst.idx.msk $0xffff, v1;
	v1 =	vnsel vm14, $0x0, v51;
	v4 =	vor.u32 $0x12, v63  }
0x1dd: {  	vm15 =	veq.s32 v53, $0x1;
	v6 =	vor.u32 $0x13, v63;
	[tilespmem:v3+s14+$0x0] =	vst.idx.msk $0xffff, v1;
	v1 =	vnsel vm14, $0x0, v52  }
0x1de: {  	v26 =	vadd.f32 v0, v22;
	v0 =	vnsel vm15, $0x0, v39;
	[tilespmem:v7+s14+$0x0] =	vst.idx.msk $0xffff, v1;
	v1 =	vor.u32 $0x14, v63  }
0x1df: {  	[tilespmem:v2+s14+$0x0] =	vst.idx.msk $0xffff, v0;
	v0 =	vnsel vm15, $0x0, v41;
	v2 =	vor.u32 $0x15, v63  }
0x1e0: {  	v3 =	vor.u32 $0x16, v63;
	[tilespmem:v5+s14+$0x0] =	vst.idx.msk $0xffff, v0;
	v0 =	vnsel vm15, $0x0, v40  }
0x1e1: {  	[tilespmem:v4+s14+$0x0] =	vst.idx.msk $0xffff, v0;
	v0 =	vnsel vm15, $0x0, v37;
	v4 =	vor.u32 $0x17, v63  }
0x1e2: {  	v5 =	vor.u32 $0x18, v63;
	[tilespmem:v6+s14+$0x0] =	vst.idx.msk $0xffff, v0;
	v0 =	vnsel vm15, $0x0, v38  }
0x1e3: {  	[tilespmem:v1+s14+$0x0] =	vst.idx.msk $0xffff, v0;
	v0 =	vnsel vm15, $0x0, v42;
	v1 =	vor.u32 $0x19, v63  }
0x1e4: {  	[tilespmem:v2+s14+$0x0] =	vst.idx.msk $0xffff, v0;
	v0 =	vnsel vm15, $0x0, v43;
	v2 =	vor.u32 $0x1A, v63  }
0x1e5: {  	[tilespmem:v3+s14+$0x0] =	vst.idx.msk $0xffff, v0;
	v0 =	vnsel vm15, $0x0, v44;
	v3 =	vor.u32 $0x1B, v63  }
0x1e6: {  	[tilespmem:v4+s14+$0x0] =	vst.idx.msk $0xffff, v0;
	v0 =	vnsel vm15, $0x0, v45;
	v4 =	vor.u32 $0x1C, v63  }
0x1e7: {  	[tilespmem:v5+s14+$0x0] =	vst.idx.msk $0xffff, v0;
	v0 =	vnsel vm15, $0x0, v46;
	v5 =	vor.u32 $0x1D, v63  }
0x1e8: {  	[tilespmem:v1+s14+$0x0] =	vst.idx.msk $0xffff, v0;
	v0 =	vnsel vm15, $0x0, v47;
	v1 =	vor.u32 $0x1E, v63  }
0x1e9: {  	[tilespmem:v2+s14+$0x0] =	vst.idx.msk $0xffff, v0;
	v0 =	vnsel vm15, $0x0, v48;
	v2 =	vor.u32 $0x1F, v63  }
0x1ea: {  	[tilespmem:v3+s14+$0x0] =	vst.idx.msk $0xffff, v0;
	v0 =	vnsel vm15, $0x0, v49;
	v3 =	vor.u32 $0x20, v63  }
0x1eb: {  	[tilespmem:v4+s14+$0x0] =	vst.idx.msk $0xffff, v0;
	v0 =	vnsel vm15, $0x0, v50;
	v4 =	vor.u32 $0x21, v63  }
0x1ec: {  	[tilespmem:v5+s14+$0x0] =	vst.idx.msk $0xffff, v0;
	v0 =	vnsel vm15, $0x0, v51;
	v5 =	vor.u32 $0x22, v63  }
0x1ed: {  	vm0 =	vmand vm0, vm1;
	[tilespmem:v1+s14+$0x0] =	vst.idx.msk $0xffff, v0;
	v0 =	vnsel vm15, $0x0, v52;
	v1 =	vor.u32 $0x23, v63  }
0x1ee: {  	[tilespmem:v2+s14+$0x0] =	vst.idx.msk $0xffff, v0;
	v0 =	vnsel vm0, $0x0, v39;
	v2 =	vor.u32 $0x24, v63  }
0x1ef: {  	[tilespmem:v3+s14+$0x0] =	vst.idx.msk $0xffff, v0;
	v0 =	vnsel vm0, $0x0, v41;
	v3 =	vor.u32 $0x25, v63  }
0x1f0: {  	[tilespmem:v4+s14+$0x0] =	vst.idx.msk $0xffff, v0;
	v0 =	vnsel vm0, $0x0, v40;
	v4 =	vor.u32 $0x26, v63  }
0x1f1: {  	[tilespmem:v5+s14+$0x0] =	vst.idx.msk $0xffff, v0;
	v0 =	vnsel vm0, $0x0, v37;
	v5 =	vor.u32 $0x27, v63  }
0x1f2: {  	[tilespmem:v1+s14+$0x0] =	vst.idx.msk $0xffff, v0;
	v0 =	vnsel vm0, $0x0, v38;
	v1 =	vor.u32 $0x28, v63  }
0x1f3: {  	[tilespmem:v2+s14+$0x0] =	vst.idx.msk $0xffff, v0;
	v0 =	vnsel vm0, $0x0, v42;
	v2 =	vor.u32 $0x29, v63  }
0x1f4: {  	[tilespmem:v3+s14+$0x0] =	vst.idx.msk $0xffff, v0;
	v0 =	vnsel vm0, $0x0, v43;
	v3 =	vor.u32 $0x2A, v63  }
0x1f5: {  	[tilespmem:v4+s14+$0x0] =	vst.idx.msk $0xffff, v0;
	v0 =	vnsel vm0, $0x0, v44;
	v4 =	vor.u32 $0x2B, v63  }
0x1f6: {  	[tilespmem:v5+s14+$0x0] =	vst.idx.msk $0xffff, v0;
	v0 =	vnsel vm0, $0x0, v45;
	v5 =	vor.u32 $0x2C, v63  }
0x1f7: {  	[tilespmem:v1+s14+$0x0] =	vst.idx.msk $0xffff, v0;
	v0 =	vnsel vm0, $0x0, v46;
	v1 =	vor.u32 $0x2D, v63  }
0x1f8: {  	[tilespmem:v2+s14+$0x0] =	vst.idx.msk $0xffff, v0;
	v0 =	vnsel vm0, $0x0, v47;
	v2 =	vor.u32 $0x2E, v63  }
0x1f9: {  	[tilespmem:v3+s14+$0x0] =	vst.idx.msk $0xffff, v0;
	v0 =	vnsel vm0, $0x0, v48;
	v3 =	vor.u32 $0x2F, v63  }
0x1fa: {  	[tilespmem:v4+s14+$0x0] =	vst.idx.msk $0xffff, v0;
	v0 =	vnsel vm0, $0x0, v49  }
0x1fb: {  	[tilespmem:v5+s14+$0x0] =	vst.idx.msk $0xffff, v0;
	v0 =	vnsel vm0, $0x0, v50  }
0x1fc: {  	[tilespmem:v1+s14+$0x0] =	vst.idx.msk $0xffff, v0;
	v0 =	vnsel vm0, $0x0, v51  }
0x1fd: {  	[tilespmem:v2+s14+$0x0] =	vst.idx.msk $0xffff, v0;
	v0 =	vnsel vm0, $0x0, v52  }
0x1fe: {  	v4 =	vor.u32 $0x30, v63;
	[tilespmem:v3+s14+$0x0] =	vst.idx.msk $0xffff, v0;
	v3 =	vld [tilespmem:$0x1FE40];
	_ =	sdelay $0x4  }
0x1ff: {  	v5 =	vor.u32 $0x31, v63;
	[tilespmem:v4+s14+$0x0] =	vst.idx.msk $0xffff, v3;
	v4 =	vld [tilespmem:$0x1FE50];
	_ =	sdelay $0x4  }
0x200: {  	v1 =	vor.u32 $0x32, v63;
	[tilespmem:v5+s14+$0x0] =	vst.idx.msk $0xffff, v4;
	v5 =	vld [tilespmem:$0x1FE60];
	_ =	sdelay $0x4  }
0x201: {  	v2 =	vor.u32 $0x33, v63;
	[tilespmem:v1+s14+$0x0] =	vst.idx.msk $0xffff, v5;
	v1 =	vld [tilespmem:$0x1FE70];
	_ =	sdelay $0x4  }
0x202: {  	v0 =	vor.u32 $0x34, v63;
	[tilespmem:v2+s14+$0x0] =	vst.idx.msk $0xffff, v1;
	v1 =	vld [tilespmem:$0x1FE80];
	_ =	sdelay $0x4  }
0x203: {  	v3 =	vor.u32 $0x35, v63;
	[tilespmem:v0+s14+$0x0] =	vst.idx.msk $0xffff, v1;
	v0 =	vld [tilespmem:$0x1FE90];
	_ =	sdelay $0x4  }
0x204: {  	v4 =	vor.u32 $0x36, v63;
	[tilespmem:v3+s14+$0x0] =	vst.idx.msk $0xffff, v0;
	v0 =	vld [tilespmem:$0x1FEA0];
	_ =	sdelay $0x4  }
0x205: {  	v5 =	vor.u32 $0x37, v63;
	[tilespmem:v4+s14+$0x0] =	vst.idx.msk $0xffff, v0;
	v0 =	vld [tilespmem:$0x1FEB0];
	_ =	sdelay $0x3  }
0x206: {  	v6 =	vor.u32 $0x38, v63;
	v4 =	vld [tilespmem:$0x1FEC0]  }
0x207: {  	p0 =	sne.s32 s19, $0xF0;
	v7 =	vor.u32 $0x39, v63;
	[tilespmem:v5+s14+$0x0] =	vst.idx.msk $0xffff, v0;
	v5 =	vld [tilespmem:$0x1FED0]  }
.Ltmp0:
0x208: {  	_ = 	snop;
	(pc) =	sbr.rel @p0 .LBB2_2-.Ltmp0, $4  }
0x209: {  	s20 =	smov.u32 s19;
	v31 =	vsel vm1, $0x0, v50;
	v33 =	vsel vm1, $0x0, v52;
	v14 =	vld [tilespmem:$0x1FE10]  }
0x20a: {  	v54 =	vor.u32 $0x3F, v63;
	v13 =	vld [tilespmem:$0x1FE00];
	v12 =	vlaneseq.u32;
	v20 =	vor.u32 s20, v21  }
0x20b: {  	v16 =	vld [tilespmem:$0x1FE20];
	v2 =	vor.u32 $0x3A, v63;
	v1 =	vor.u32 $0x3B, v63;
	v3 =	vor.u32 $0x3C, v63;
	[tilespmem:v6+s14+$0x0] =	vst.idx.msk $0xffff, v4  }
0x20c: {  	s19 =	sadd.s32 $0x10, s19;
	v11 =	vld [tilespmem:$0x1FE30];
	v0 =	vmul.u32 $0x44, v20;
	v4 =	vor.u32 $0x3D, v63;
	[tilespmem:v7+s14+$0x0] =	vst.idx.msk $0xffff, v5;
	v5 =	vor.u32 $0x3E, v63  }
0x20d: {  	_ =	sdelay $0x3  }
0x20e: {  	[tilespmem:v2+s14+$0x0] =	vst.idx.msk $0xffff, v11  }
0x20f: {  	v8 =	vadd.s32 $0x40, v0;
	[tilespmem:v1+s14+$0x0] =	vst.idx.msk $0xffff, v13  }
0x210: {  	v9 =	vadd.s32 $0x41, v0;
	[tilespmem:v3+s14+$0x0] =	vst.idx.msk $0xffff, v14  }
0x211: {  	[tilespmem:v4+s14+$0x0] =	vst.idx.msk $0xffff, v31  }
0x212: {  	v10 =	vadd.s32 $0x42, v0;
	[tilespmem:v5+s14+$0x0] =	vst.idx.msk $0xffff, v16  }
0x213: {  	[tilespmem:v54+s14+$0x0] =	vst.idx.msk $0xffff, v33  }
0x214: {  	v11 =	vadd.s32 $0x43, v0;
	v2 =	vld.idx.msk [tilespmem:v8+s2+$0x0], $0xffff  }
0x215: {  	v1 =	vld.idx.msk [tilespmem:v9+s2+$0x0], $0xffff;
	_ =	sdelay $0x1  }
0x216: {  	v3 =	vld.idx.msk [tilespmem:v10+s2+$0x0], $0xffff;
	_ =	sdelay $0x1  }
0x217: {  	v4 =	vld.idx.msk [tilespmem:v11+s2+$0x0], $0xffff  }
0x218: {  	vm0 =	vgt.f32 v1, v2  }
0x219: {  	v1 =	vsel vm0, v1, v2  }
0x21a: {  	v13 =	vimm.s32 $0x0;
	vm1 =	vgt.f32 v3, v1  }
0x21b: {  	v2 =	vsel vm1, $0xFFFFFFFF, v13;
	v1 =	vsel vm1, v3, v1;
	v13 =	vimm.s32 $0x0  }
0x21c: {  	v14 =	vsel vm0, $0x1, v13;
	vm12 =	vgt.f32 v4, v1  }
0x21d: {  	v15 =	vsel vm1, $0x2, v14;
	vm0 =	vmneg vm12  }
0x21e: {  	v42 =	vnsel vm0, $0x3, v15  }
0x21f: {  	v46 =	vshll.u32 v42, $0x4  }
0x220: {  	v16 =	vadd.s32 v0, v46  }
0x221: {  	v17 =	vor.u32 $0x1, v16;
	_ =	sdelay $0x1  }
0x222: {  	v18 =	vor.u32 $0x2, v16;
	_ =	sdelay $0x1  }
0x223: {  	v19 =	vor.u32 $0x3, v16;
	v36 =	vld.idx.msk [tilespmem:v16+s2+$0x0], $0xffff  }
0x224: {  	v7 =	vld.idx.msk [tilespmem:v17+s2+$0x0], $0xffff  }
0x225: {  	v21 =	vadd.s32 $0x4, v16  }
0x226: {  	v6 =	vld.idx.msk [tilespmem:v18+s2+$0x0], $0xffff  }
0x227: {  	v22 =	vadd.s32 $0x5, v16  }
0x228: {  	v33 =	vld.idx.msk [tilespmem:v19+s2+$0x0], $0xffff  }
0x229: {  	v23 =	vadd.s32 $0x6, v16;
	vm8 =	vgt.f32 v7, v36  }
0x22a: {  	v31 =	vld.idx.msk [tilespmem:v21+s2+$0x0], $0xffff;
	v24 =	vsel vm8, v7, v36  }
0x22b: {  	v8 =	vadd.s32 $0x7, v16;
	vm9 =	vgt.f32 v6, v24  }
0x22c: {  	v5 =	vld.idx.msk [tilespmem:v22+s2+$0x0], $0xffff;
	v1 =	vsel vm9, v6, v24  }
0x22d: {  	v25 =	vadd.s32 $0x8, v16;
	vm12 =	vgt.f32 v33, v1  }
0x22e: {  	v4 =	vld.idx.msk [tilespmem:v23+s2+$0x0], $0xffff;
	v1 =	vsel vm12, v33, v1  }
0x22f: {  	v9 =	vadd.s32 $0x9, v16;
	vm15 =	vgt.f32 v31, v1  }
0x230: {  	v29 =	vld.idx.msk [tilespmem:v8+s2+$0x0], $0xffff;
	v1 =	vsel vm15, v31, v1  }
0x231: {  	v32 =	vadd.s32 $0xA, v16;
	vm13 =	vgt.f32 v5, v1  }
0x232: {  	v3 =	vld.idx.msk [tilespmem:v25+s2+$0x0], $0xffff;
	v1 =	vsel vm13, v5, v1  }
0x233: {  	v34 =	vadd.s32 $0xB, v16;
	vm1 =	vgt.f32 v4, v1  }
0x234: {  	v22 =	vld.idx.msk [tilespmem:v9+s2+$0x0], $0xffff;
	v1 =	vsel vm1, v4, v1  }
0x235: {  	v35 =	vadd.s32 $0xC, v16;
	vm10 =	vgt.f32 v29, v1  }
0x236: {  	v23 =	vld.idx.msk [tilespmem:v32+s2+$0x0], $0xffff;
	v1 =	vsel vm10, v29, v1  }
0x237: {  	v37 =	vadd.s32 $0xD, v16;
	vm14 =	vgt.f32 v3, v1  }
0x238: {  	v21 =	vld.idx.msk [tilespmem:v34+s2+$0x0], $0xffff;
	v38 =	vsel vm14, v3, v1  }
0x239: {  	v10 =	vadd.s32 $0xE, v16;
	vm7 =	vgt.f32 v22, v38  }
0x23a: {  	[tilespmem:$0x1FDF0] =	vst v2;
	v1 =	vld.idx.msk [tilespmem:v35+s2+$0x0], $0xffff;
	v2 =	vsel vm7, v22, v38  }
0x23b: {  	v0 =	vadd.s32 $0xF, v16;
	vm11 =	vgt.f32 v23, v2  }
0x23c: {  	v25 =	vld.idx.msk [tilespmem:v37+s2+$0x0], $0xffff;
	v39 =	vsel vm11, v23, v2  }
0x23d: {  	vm6 =	vgt.f32 v21, v39  }
0x23e: {  	v2 =	vld.idx.msk [tilespmem:v10+s2+$0x0], $0xffff;
	v8 =	vsel vm6, v21, v39  }
0x23f: {  	vm5 =	vgt.f32 v1, v8  }
0x240: {  	v27 =	vld.idx.msk [tilespmem:v0+s2+$0x0], $0xffff;
	v40 =	vsel vm5, v1, v8  }
0x241: {  	vm4 =	vgt.f32 v25, v40  }
0x242: {  	v0 =	vsel vm4, v25, v40  }
0x243: {  	vm3 =	vgt.f32 v2, v0  }
0x244: {  	v0 =	vsel vm3, v2, v0  }
0x245: {  	vm2 =	vgt.f32 v27, v0  }
0x246: {  	v0 =	vsel vm2, v27, v0  }
0x247: {  	v41 =	vsub.f32 v36, v0  }
0x248: {  	v43 =	vsub.f32 v7, v0  }
0x249: {  	v8 =	vmul.f32 $1.442695020e+00, v41  }
0x24a: {  	v44 =	vsub.f32 v6, v0;
	v9 =	vmul.f32 $1.442695020e+00, v43  }
0x24b: {  	(erf) = vpow2.f32 v8  }
0x24c: {  	v47 =	vsub.f32 v33, v0;
	v45 =	vmul.f32 $1.442695020e+00, v44;
	(erf) = vpow2.f32 v9;
	_ =	sdelay $0x1  }
0x24d: {  	v48 =	vsub.f32 v31, v0;
	v10 =	vmul.f32 $1.442695020e+00, v47;
	(erf) = vpow2.f32 v45;
	_ =	sdelay $0x1  }
0x24e: {  	v49 =	vsub.f32 v5, v0;
	v9 =	vmul.f32 $1.442695020e+00, v48;
	(erf) = vpow2.f32 v10;
	_ =	sdelay $0x1  }
0x24f: {  	v50 =	vsub.f32 v4, v0;
	v8 =	vmul.f32 $1.442695020e+00, v49;
	(erf) = vpow2.f32 v9;
	_ =	sdelay $0x1  }
0x250: {  	v51 =	vsub.f32 v29, v0;
	v10 =	vmul.f32 $1.442695020e+00, v50;
	(erf) = vpow2.f32 v8;
	v59 =	vpop (erf)  }
0x251: {  	v52 =	vsub.f32 v3, v0;
	v60 =	vpop (erf)  }
0x252: {  	v9 =	vmul.f32 $1.442695020e+00, v51;
	(erf) = vpow2.f32 v10;
	v53 =	vadd.f32 v60, v59  }
0x253: {  	v54 =	vsub.f32 v22, v0;
	v61 =	vpop (erf)  }
0x254: {  	v8 =	vmul.f32 $1.442695020e+00, v52;
	(erf) = vpow2.f32 v9;
	v10 =	vadd.f32 v53, v61  }
0x255: {  	v55 =	vsub.f32 v23, v0;
	v62 =	vpop (erf)  }
0x256: {  	v11 =	vmul.f32 $1.442695020e+00, v54;
	(erf) = vpow2.f32 v8;
	v10 =	vadd.f32 v10, v62  }
0x257: {  	v63 =	vsub.f32 v21, v0;
	v58 =	vpop (erf)  }
0x258: {  	v9 =	vmul.f32 $1.442695020e+00, v55;
	(erf) = vpow2.f32 v11;
	v10 =	vadd.f32 v10, v58  }
0x259: {  	v14 =	vsub.f32 v1, v0;
	v57 =	vpop (erf)  }
0x25a: {  	v8 =	vmul.f32 $1.442695020e+00, v63;
	(erf) = vpow2.f32 v9;
	v10 =	vadd.f32 v10, v57  }
0x25b: {  	v15 =	vsub.f32 v25, v0;
	v56 =	vpop (erf)  }
0x25c: {  	v11 =	vmul.f32 $1.442695020e+00, v14;
	(erf) = vpow2.f32 v8;
	v10 =	vadd.f32 v10, v56  }
0x25d: {  	v16 =	vsub.f32 v2, v0;
	v54 =	vpop (erf)  }
0x25e: {  	v9 =	vmul.f32 $1.442695020e+00, v15;
	(erf) = vpow2.f32 v11;
	v10 =	vadd.f32 v10, v54  }
0x25f: {  	v17 =	vmin.f32 v0, $0.0e+00;
	v41 =	vmax.f32 v0, $0.0e+00;
	v0 =	vsub.f32 v27, v0;
	v53 =	vpop (erf)  }
0x260: {  	v8 =	vmul.f32 $1.442695020e+00, v16;
	(erf) = vpow2.f32 v9;
	v10 =	vadd.f32 v10, v53  }
0x261: {  	v18 =	vmul.f32 $1.442695020e+00, v17;
	v40 =	vsub.f32 $0.0e+00, v41;
	v51 =	vpop (erf)  }
0x262: {  	v0 =	vmul.f32 $1.442695020e+00, v0;
	(erf) = vpow2.f32 v8;
	v10 =	vadd.f32 v10, v51  }
0x263: {  	v52 =	vpop (erf);
	(erf) = vpow2.f32 v18  }
0x264: {  	v19 =	vmul.f32 $1.442695020e+00, v40;
	(erf) = vpow2.f32 v0;
	v24 =	vadd.f32 v10, v52  }
0x265: {  	v50 =	vpop (erf)  }
0x266: {  	(erf) = vpow2.f32 v19;
	v28 =	vadd.f32 v24, v50  }
0x267: {  	v49 =	vpop (erf)  }
0x268: {  	v0 =	vadd.f32 v28, v49  }
0x269: {  	v48 =	vpop (erf)  }
0x26a: {  	v0 =	vadd.f32 v0, v48  }
0x26b: {  	v47 =	vpop (erf)  }
0x26c: {  	v39 =	vpop (erf);
	v0 =	vadd.f32 v0, v47  }
0x26d: {  	v44 =	vpop (erf)  }
0x26e: {  	v0 =	vadd.f32 v0, v44  }
0x26f: {  	v8 =	vpop (erf)  }
0x270: {  	v45 =	vmul.f32 $4.800000000e+01, v8;
	v30 =	vmul.f32 v0, v39;
	_ =	sdelay $0x1  }
0x271: {  	v43 =	vadd.f32 v30, v45;
	_ =	sdelay $0x1  }
0x272: {  	(erf) = vrcp.f32 v43;
	_ =	sdelay $0x7  }
0x273: {  	v35 =	vld [tilespmem:$0x1FF00]  }
0x274: {  	v17 =	vld [tilespmem:$0x1FF20];
	v38 =	vpop (erf)  }
0x275: {  	v32 =	vsel vm8, $0x1, v13;
	v55 =	vld [tilespmem:$0x1FF10];
	v10 =	vshll.u32 v42, $0x8;
	v11 =	vmul.f32 v38, v39  }
0x276: {  	v9 =	vsel vm9, $0x2, v32;
	v32 =	vld [tilespmem:$0x1FF40];
	v12 =	vor.u32 v12, v10  }
0x277: {  	v24 =	vld [tilespmem:$0x1FF30];
	v37 =	vmul.f32 v38, v8;
	v34 =	vmul.f32 v11, v59  }
0x278: {  	v19 =	vld [tilespmem:$0x1FFD0];
	v13 =	vor.u32 v35, v10;
	v63 =	vmul.f32 v11, v61  }
0x279: {  	v15 =	vmul.f32 v11, v60;
	v8 =	vsub.f32 v34, v37;
	v34 =	vld [tilespmem:$0x1FF50]  }
0x27a: {  	v14 =	vor.u32 v55, v10;
	v16 =	vsub.f32 v63, v37;
	v63 =	vld [tilespmem:$0x1FF60]  }
0x27b: {  	v9 =	vsel vm12, $0x3, v9;
	v17 =	vor.u32 v17, v10;
	v15 =	vsub.f32 v15, v37;
	[tilespmem:v12+s11+$0x0] =	vst.idx.add.f32.msk $0xffff, v8  }
0x27c: {  	v9 =	vsel vm15, $0x4, v9;
	v28 =	vmul.f32 v11, v62;
	v8 =	vor.u32 v24, v10;
	v24 =	vld [tilespmem:$0x1FF70]  }
0x27d: {  	v9 =	vsel vm13, $0x5, v9;
	[tilespmem:v13+s11+$0x0] =	vst.idx.add.f32.msk $0xffff, v15  }
0x27e: {  	v9 =	vsel vm1, $0x6, v9;
	v12 =	vsub.f32 v28, v37;
	v15 =	vor.u32 v32, v10;
	v32 =	vld [tilespmem:$0x1FF80]  }
0x27f: {  	v9 =	vsel vm10, $0x7, v9;
	v30 =	vmul.f32 v11, v58;
	[tilespmem:v14+s11+$0x0] =	vst.idx.add.f32.msk $0xffff, v16  }
0x280: {  	v9 =	vsel vm14, $0x8, v9;
	v35 =	vmul.f32 v11, v57;
	v55 =	vmul.f32 v11, v56;
	[tilespmem:v17+s11+$0x0] =	vst.idx.add.f32.msk $0xffff, v12  }
0x281: {  	v13 =	vsub.f32 v30, v37;
	v30 =	vand.u32 $0x7FFFFF, v43;
	v14 =	vor.u32 v34, v10;
	v34 =	vld [tilespmem:$0x1FF90]  }
0x282: {  	v28 =	vmul.f32 v11, v54;
	v12 =	vsub.f32 v55, v37;
	v55 =	vor.u32 $0x3F800000, v30;
	v30 =	vld [tilespmem:$0x1FFB0]  }
0x283: {  	v9 =	vsel vm7, $0x9, v9;
	v16 =	vsub.f32 v35, v37;
	v17 =	vor.u32 v63, v10;
	[tilespmem:v8+s11+$0x0] =	vst.idx.add.f32.msk $0xffff, v13  }
0x284: {  	v8 =	vor.u32 v24, v10;
	v13 =	vsub.f32 v28, v37;
	v24 =	vadd.f32 $1.000000000e+00, v55;
	v28 =	vld [tilespmem:$0x1FFA0]  }
0x285: {  	v9 =	vsel vm11, $0xA, v9;
	v18 =	vmul.f32 v11, v53;
	[tilespmem:v15+s11+$0x0] =	vst.idx.add.f32.msk $0xffff, v16  }
0x286: {  	v9 =	vsel vm6, $0xB, v9;
	(erf) = vrcp.f32 v24;
	v24 =	vld [tilespmem:$0x1FFE0]  }
0x287: {  	v9 =	vsel vm5, $0xC, v9;
	v18 =	vsub.f32 v18, v37;
	v16 =	vor.u32 v32, v10;
	[tilespmem:v14+s11+$0x0] =	vst.idx.add.f32.msk $0xffff, v12  }
0x288: {  	v9 =	vsel vm4, $0xD, v9;
	v35 =	vmul.f32 v11, v51;
	v12 =	vor.u32 v34, v10;
	[tilespmem:v17+s11+$0x0] =	vst.idx.add.f32.msk $0xffff, v13  }
0x289: {  	v9 =	vsel vm3, $0xE, v9;
	v63 =	vmul.f32 v11, v52;
	[tilespmem:v8+s11+$0x0] =	vst.idx.add.f32.msk $0xffff, v18  }
0x28a: {  	v9 =	vsel vm2, $0xF, v9;
	v14 =	vsub.f32 v35, v37;
	v8 =	vor.u32 v30, v10;
	v30 =	vld [tilespmem:$0x1FFF0]  }
0x28b: {  	v15 =	vsub.f32 v63, v37;
	v32 =	vmul.f32 v11, v50;
	v17 =	vor.u32 v28, v10  }
0x28c: {  	v9 =	vadd.s32 v46, v9;
	v34 =	vmul.f32 v11, v49;
	(erf) = vrcp.f32 v0;
	[tilespmem:v16+s11+$0x0] =	vst.idx.add.f32.msk $0xffff, v14  }
0x28d: {  	vm13 =	veq.s32 v42, $0x0;
	v0 =	vsub.f32 v36, v41;
	[tilespmem:v12+s11+$0x0] =	vst.idx.add.f32.msk $0xffff, v15;
	v15 =	vor.u32 v19, v10  }
0x28e: {  	v35 =	vsub.f32 v32, v37;
	v28 =	vmul.f32 v11, v48;
	v14 =	vor.u32 v24, v10  }
0x28f: {  	v32 =	vmul.f32 v11, v47;
	v13 =	vsub.f32 v34, v37;
	v10 =	vor.u32 v30, v10  }
0x290: {  	vm14 =	veq.s32 v42, $0x1;
	v11 =	vmul.f32 v11, v44;
	v16 =	vsub.f32 v28, v37;
	[tilespmem:v17+s11+$0x0] =	vst.idx.add.f32.msk $0xffff, v35  }
0x291: {  	v46 =	vshll.u32 v20, $0x6;
	v34 =	vsub.f32 v7, v41;
	[tilespmem:v8+s11+$0x0] =	vst.idx.add.f32.msk $0xffff, v13;
	v8 =	vsub.f32 v32, v37  }
0x292: {  	v42 =	vor.u32 $0x18, v46;
	v11 =	vsub.f32 v11, v37;
	v35 =	vsub.f32 v33, v41;
	[tilespmem:v15+s11+$0x0] =	vst.idx.add.f32.msk $0xffff, v16  }
0x293: {  	v63 =	vsub.f32 v6, v41;
	v13 =	vmul.f32 v60, v34;
	v60 =	vor.u32 $0x1, v46;
	[tilespmem:v14+s11+$0x0] =	vst.idx.add.f32.msk $0xffff, v8  }
0x294: {  	v59 =	vmul.f32 v59, v0;
	v0 =	vpop (erf);
	v16 =	vmul.f32 v62, v35;
	v62 =	vor.u32 $0x2, v46;
	[tilespmem:v10+s11+$0x0] =	vst.idx.add.f32.msk $0xffff, v11  }
0x295: {  	v24 =	vor.u32 $0x3, v46;
	v28 =	vsub.f32 v5, v41;
	v12 =	vmul.f32 v61, v63;
	v19 =	vpop (erf);
	[tilespmem:v20+s12+$0x0] =	vst.idx.msk $0xffff, v9  }
0x296: {  	v61 =	vsub.f32 v31, v41;
	v30 =	vnsel vm13, $0x0, v36;
	v32 =	vor.u32 $0x4, v46;
	[tilespmem:v20+s13+$0x0] =	vst.idx.msk $0xffff, v19  }
0x297: {  	v34 =	vnsel vm13, $0x0, v7;
	v63 =	vadd.f32 v13, v59;
	v35 =	vor.u32 $0x5, v46;
	[tilespmem:v46+s14+$0x0] =	vst.idx.msk $0xffff, v30  }
0x298: {  	v59 =	vor.u32 $0x6, v46;
	v14 =	vmul.f32 v58, v61;
	v58 =	vnsel vm13, $0x0, v6;
	[tilespmem:v60+s14+$0x0] =	vst.idx.msk $0xffff, v34  }
0x299: {  	v13 =	vmul.f32 v57, v28;
	v61 =	vor.u32 $0x7, v46;
	v60 =	vnsel vm13, $0x0, v33;
	[tilespmem:v62+s14+$0x0] =	vst.idx.msk $0xffff, v58  }
0x29a: {  	v11 =	vadd.f32 v63, v12;
	v63 =	vor.u32 $0x8, v46;
	v20 =	vnsel vm13, $0x0, v31;
	[tilespmem:v24+s14+$0x0] =	vst.idx.msk $0xffff, v60  }
0x29b: {  	v28 =	vnsel vm13, $0x0, v5;
	v62 =	vsub.f32 v4, v41;
	v24 =	vor.u32 $0x9, v46;
	[tilespmem:v32+s14+$0x0] =	vst.idx.msk $0xffff, v20  }
0x29c: {  	v11 =	vadd.f32 v11, v16;
	v30 =	vor.u32 $0xA, v46;
	v32 =	vnsel vm13, $0x0, v4;
	[tilespmem:v35+s14+$0x0] =	vst.idx.msk $0xffff, v28  }
0x29d: {  	v15 =	vmul.f32 v56, v62;
	v56 =	vnsel vm13, $0x0, v29;
	v35 =	vor.u32 $0xB, v46;
	[tilespmem:v59+s14+$0x0] =	vst.idx.msk $0xffff, v32  }
0x29e: {  	v57 =	vor.u32 $0xC, v46;
	v11 =	vadd.f32 v11, v14;
	v58 =	vnsel vm13, $0x0, v3;
	[tilespmem:v61+s14+$0x0] =	vst.idx.msk $0xffff, v56  }
0x29f: {  	v34 =	vsub.f32 v29, v41;
	v60 =	vnsel vm13, $0x0, v22;
	v61 =	vor.u32 $0xD, v46;
	[tilespmem:v63+s14+$0x0] =	vst.idx.msk $0xffff, v58  }
0x2a0: {  	v11 =	vadd.f32 v11, v13;
	v62 =	vnsel vm13, $0x0, v23;
	v63 =	vor.u32 $0xE, v46;
	[tilespmem:v24+s14+$0x0] =	vst.idx.msk $0xffff, v60  }
0x2a1: {  	v20 =	vsub.f32 v3, v41;
	v28 =	vnsel vm13, $0x0, v21;
	v24 =	vor.u32 $0xF, v46;
	[tilespmem:v30+s14+$0x0] =	vst.idx.msk $0xffff, v62  }
0x2a2: {  	v59 =	vmul.f32 v54, v34;
	v32 =	vor.u32 $0x10, v46;
	v30 =	vnsel vm13, $0x0, v1;
	[tilespmem:v35+s14+$0x0] =	vst.idx.msk $0xffff, v28  }
0x2a3: {  	v11 =	vadd.f32 v11, v15;
	v34 =	vnsel vm13, $0x0, v25;
	v35 =	vor.u32 $0x11, v46;
	[tilespmem:v57+s14+$0x0] =	vst.idx.msk $0xffff, v30  }
0x2a4: {  	v13 =	vmul.f32 v53, v20;
	v54 =	vnsel vm13, $0x0, v2;
	v56 =	vor.u32 $0x12, v46;
	[tilespmem:v61+s14+$0x0] =	vst.idx.msk $0xffff, v34  }
0x2a5: {  	v53 =	vsub.f32 v22, v41;
	v58 =	vnsel vm13, $0x0, v27;
	v57 =	vor.u32 $0x13, v46;
	[tilespmem:v63+s14+$0x0] =	vst.idx.msk $0xffff, v54  }
0x2a6: {  	v11 =	vadd.f32 v11, v59;
	v59 =	vnsel vm14, $0x0, v36;
	v60 =	vor.u32 $0x14, v46;
	[tilespmem:v24+s14+$0x0] =	vst.idx.msk $0xffff, v58  }
0x2a7: {  	v18 =	vsel vm0, $0x0, v36;
	v62 =	vnsel vm14, $0x0, v7;
	v63 =	vor.u32 $0x15, v46;
	[tilespmem:v32+s14+$0x0] =	vst.idx.msk $0xffff, v59  }
0x2a8: {  	v17 =	vmul.f32 v51, v53;
	v28 =	vor.u32 $0x16, v46;
	v24 =	vnsel vm14, $0x0, v6;
	[tilespmem:v35+s14+$0x0] =	vst.idx.msk $0xffff, v62  }
0x2a9: {  	v30 =	vnsel vm14, $0x0, v33;
	v61 =	vsub.f32 v23, v41;
	v32 =	vor.u32 $0x17, v46;
	[tilespmem:v56+s14+$0x0] =	vst.idx.msk $0xffff, v24  }
0x2aa: {  	v51 =	vnsel vm14, $0x0, v5;
	v11 =	vadd.f32 v11, v13;
	v35 =	vnsel vm14, $0x0, v31;
	[tilespmem:v57+s14+$0x0] =	vst.idx.msk $0xffff, v30  }
0x2ab: {  	v34 =	vsub.f32 v21, v41;
	v16 =	vmul.f32 v52, v61;
	v52 =	vor.u32 $0x19, v46;
	[tilespmem:v60+s14+$0x0] =	vst.idx.msk $0xffff, v35  }
0x2ac: {  	v11 =	vadd.f32 v11, v17;
	v54 =	vnsel vm14, $0x0, v4;
	v56 =	vor.u32 $0x1A, v46;
	[tilespmem:v63+s14+$0x0] =	vst.idx.msk $0xffff, v51  }
0x2ad: {  	v53 =	vmul.f32 v50, v34;
	v58 =	vnsel vm14, $0x0, v29;
	v59 =	vor.u32 $0x1B, v46;
	[tilespmem:v28+s14+$0x0] =	vst.idx.msk $0xffff, v54  }
0x2ae: {  	v61 =	vor.u32 $0x1C, v46;
	v34 =	vor.u32 $0x1F, v46;
	v60 =	vnsel vm14, $0x0, v3;
	[tilespmem:v32+s14+$0x0] =	vst.idx.msk $0xffff, v58  }
0x2af: {  	v62 =	vnsel vm14, $0x0, v22;
	v11 =	vadd.f32 v11, v16;
	v63 =	vor.u32 $0x1D, v46;
	v54 =	vld [tilespmem:$0x1FDF0];
	[tilespmem:v42+s14+$0x0] =	vst.idx.msk $0xffff, v60  }
0x2b0: {  	v24 =	vsub.f32 v25, v41;
	v30 =	vor.u32 $0x1E, v46;
	v28 =	vnsel vm14, $0x0, v23;
	[tilespmem:v52+s14+$0x0] =	vst.idx.msk $0xffff, v62  }
0x2b1: {  	v57 =	vsub.f32 v1, v41;
	v11 =	vadd.f32 v11, v53;
	v32 =	vnsel vm14, $0x0, v21;
	[tilespmem:v56+s14+$0x0] =	vst.idx.msk $0xffff, v28  }
0x2b2: {  	v16 =	vmul.f32 v48, v24;
	v35 =	vnsel vm14, $0x0, v1;
	v42 =	vor.u32 $0x20, v46;
	[tilespmem:v59+s14+$0x0] =	vst.idx.msk $0xffff, v32  }
0x2b3: {  	v48 =	vnsel vm14, $0x0, v25;
	v17 =	vmul.f32 v49, v57;
	v49 =	vor.u32 $0x21, v46;
	[tilespmem:v61+s14+$0x0] =	vst.idx.msk $0xffff, v35  }
0x2b4: {  	v51 =	vnsel vm14, $0x0, v2;
	v52 =	vor.u32 $0x22, v46;
	vm15 =	vnez.u8 v54;
	[tilespmem:v63+s14+$0x0] =	vst.idx.msk $0xffff, v48  }
0x2b5: {  	v53 =	vnsel vm14, $0x0, v27;
	v56 =	vor.u32 $0x23, v46;
	vm1 =	vmand vm15, vm0;
	[tilespmem:v30+s14+$0x0] =	vst.idx.msk $0xffff, v51  }
0x2b6: {  	v50 =	vsub.f32 v2, v41;
	v59 =	vor.u32 $0x24, v46;
	v58 =	vnsel vm1, $0x0, v36;
	[tilespmem:v34+s14+$0x0] =	vst.idx.msk $0xffff, v53  }
0x2b7: {  	v19 =	vsel vm0, $0x0, v33;
	v61 =	vor.u32 $0x25, v46;
	v60 =	vnsel vm1, $0x0, v7;
	[tilespmem:v42+s14+$0x0] =	vst.idx.msk $0xffff, v58  }
0x2b8: {  	v14 =	vmul.f32 v47, v50;
	v62 =	vnsel vm1, $0x0, v6;
	v63 =	vor.u32 $0x26, v46;
	[tilespmem:v49+s14+$0x0] =	vst.idx.msk $0xffff, v60  }
0x2b9: {  	v47 =	vsel vm0, $0x0, v31;
	v28 =	vor.u32 $0x27, v46;
	v24 =	vnsel vm1, $0x0, v33;
	[tilespmem:v52+s14+$0x0] =	vst.idx.msk $0xffff, v62  }
0x2ba: {  	v57 =	vadd.f32 $-1.000000000e+00, v55;
	v32 =	vor.u32 $0x28, v46;
	v30 =	vnsel vm1, $0x0, v31;
	[tilespmem:v56+s14+$0x0] =	vst.idx.msk $0xffff, v24  }
0x2bb: {  	v11 =	vadd.f32 v11, v17;
	v35 =	vor.u32 $0x29, v46;
	v34 =	vnsel vm1, $0x0, v5;
	[tilespmem:v59+s14+$0x0] =	vst.idx.msk $0xffff, v30  }
0x2bc: {  	v0 =	vmul.f32 v0, v57;
	v36 =	vnsel vm1, $0x0, v4;
	v42 =	vor.u32 $0x2A, v46;
	[tilespmem:v61+s14+$0x0] =	vst.idx.msk $0xffff, v34  }
0x2bd: {  	v11 =	vadd.f32 v11, v16;
	v48 =	vnsel vm1, $0x0, v29;
	v49 =	vor.u32 $0x2B, v46;
	[tilespmem:v63+s14+$0x0] =	vst.idx.msk $0xffff, v36  }
0x2be: {  	v54 =	vmul.f32 v0, v0;
	v50 =	vnsel vm1, $0x0, v3;
	v51 =	vor.u32 $0x2C, v46;
	v59 =	vld [tilespmem:$0x1FFC0];
	[tilespmem:v28+s14+$0x0] =	vst.idx.msk $0xffff, v48  }
0x2bf: {  	v11 =	vadd.f32 v11, v14;
	v53 =	vor.u32 $0x2D, v46;
	v52 =	vnsel vm1, $0x0, v22;
	[tilespmem:v32+s14+$0x0] =	vst.idx.msk $0xffff, v50  }
0x2c0: {  	v0 =	vadd.f32 v0, v0;
	v55 =	vnsel vm1, $0x0, v23;
	v56 =	vor.u32 $0x2E, v46;
	[tilespmem:v35+s14+$0x0] =	vst.idx.msk $0xffff, v52  }
0x2c1: {  	v7 =	vsel vm0, $0x0, v7;
	v57 =	vnsel vm1, $0x0, v21;
	v58 =	vor.u32 $0x2F, v46;
	[tilespmem:v42+s14+$0x0] =	vst.idx.msk $0xffff, v55  }
0x2c2: {  	v6 =	vsel vm0, $0x0, v6;
	v60 =	vnsel vm1, $0x0, v1;
	v61 =	vor.u32 $0x30, v46;
	[tilespmem:v49+s14+$0x0] =	vst.idx.msk $0xffff, v57  }
0x2c3: {  	v62 =	vnsel vm1, $0x0, v25;
	v63 =	vor.u32 $0x31, v46;
	v16 =	vmul.f32 v54, v59;
	[tilespmem:v51+s14+$0x0] =	vst.idx.msk $0xffff, v60  }
0x2c4: {  	v4 =	vsel vm0, $0x0, v4;
	v24 =	vnsel vm1, $0x0, v2;
	v28 =	vor.u32 $0x32, v46;
	[tilespmem:v53+s14+$0x0] =	vst.idx.msk $0xffff, v62  }
0x2c5: {  	v31 =	vnsel vm1, $0x0, v27;
	v16 =	vadd.f32 $2.000000030e-01, v16;
	[tilespmem:v56+s14+$0x0] =	vst.idx.msk $0xffff, v24;
	v24 =	vor.u32 $0x33, v46  }
0x2c6: {  	v33 =	vor.u32 $0x34, v46;
	v3 =	vsel vm0, $0x0, v3;
	v30 =	vsub.f32 v27, v41;
	[tilespmem:v58+s14+$0x0] =	vst.idx.msk $0xffff, v31  }
0x2c7: {  	v5 =	vsel vm0, $0x0, v5;
	v35 =	vor.u32 $0x35, v46;
	v32 =	vmul.f32 v16, v54;
	[tilespmem:v61+s14+$0x0] =	vst.idx.msk $0xffff, v18  }
0x2c8: {  	v41 =	vor.u32 $0x36, v46;
	v8 =	vmul.f32 v44, v30;
	v36 =	vmul.f32 v45, v40;
	[tilespmem:v63+s14+$0x0] =	vst.idx.msk $0xffff, v7  }
0x2c9: {  	v42 =	vshrl.u32 v43, $0x17;
	v43 =	vor.u32 $0x37, v46;
	v40 =	vadd.f32 $3.333333430e-01, v32;
	[tilespmem:v28+s14+$0x0] =	vst.idx.msk $0xffff, v6  }
0x2ca: {  	v34 =	vsel vm0, $0x0, v29;
	v44 =	vor.u32 $0x38, v46;
	v45 =	vor.u32 $0x39, v46;
	[tilespmem:v24+s14+$0x0] =	vst.idx.msk $0xffff, v19  }
0x2cb: {  	v8 =	vadd.f32 v11, v8;
	v9 =	vmul.f32 v40, v54;
	v6 =	vand.u32 $0xFF, v42;
	[tilespmem:v33+s14+$0x0] =	vst.idx.msk $0xffff, v47  }
0x2cc: {  	v48 =	vor.u32 $0x3A, v46;
	v50 =	vor.u32 $0x3B, v46;
	v6 =	vadd.s32 $0xFFFFFF81, v6;
	[tilespmem:v35+s14+$0x0] =	vst.idx.msk $0xffff, v5  }
0x2cd: {  	v49 =	vmul.f32 v8, v39;
	v47 =	vadd.f32 $1.000000000e+00, v9;
	v6 =	vcvt.s32.f32 v6;
	[tilespmem:v41+s14+$0x0] =	vst.idx.msk $0xffff, v4  }
0x2ce: {  	v52 =	vor.u32 $0x3C, v46;
	v53 =	vsel vm0, $0x0, v22;
	v54 =	vor.u32 $0x3D, v46;
	[tilespmem:v43+s14+$0x0] =	vst.idx.msk $0xffff, v34  }
0x2cf: {  	v0 =	vmul.f32 v47, v0;
	v51 =	vmul.f32 $6.931471820e-01, v6;
	v4 =	vadd.f32 v49, v36;
	[tilespmem:v44+s14+$0x0] =	vst.idx.msk $0xffff, v3  }
0x2d0: {  	v59 =	vor.u32 $0x3F, v46;
	v55 =	vsel vm0, $0x0, v23;
	v56 =	vor.u32 $0x3E, v46;
	[tilespmem:v45+s14+$0x0] =	vst.idx.msk $0xffff, v53  }
0x2d1: {  	v58 =	vsel vm0, $0x0, v21;
	v63 =	vld [tilespmem:$0x1FEF0];
	v0 =	vadd.f32 v0, v51;
	v57 =	vmul.f32 v38, v4;
	[tilespmem:v48+s14+$0x0] =	vst.idx.msk $0xffff, v55  }
0x2d2: {  	v1 =	vsel vm0, $0x0, v1;
	[tilespmem:v50+s14+$0x0] =	vst.idx.msk $0xffff, v58  }
0x2d3: {  	v60 =	vsel vm0, $0x0, v25;
	v0 =	vsub.f32 v0, v57;
	[tilespmem:v52+s14+$0x0] =	vst.idx.msk $0xffff, v1  }
0x2d4: {  	v61 =	vsel vm0, $0x0, v2;
	[tilespmem:v54+s14+$0x0] =	vst.idx.msk $0xffff, v60  }
0x2d5: {  	v62 =	vsel vm0, $0x0, v27;
	v0 =	vadd.f32 v0, v26;
	[tilespmem:v56+s14+$0x0] =	vst.idx.msk $0xffff, v61  }
0x2d6: {  	v1 =	vadd.f32 v37, v63;
	[tilespmem:v59+s14+$0x0] =	vst.idx.msk $0xffff, v62  }
0x2d7: {  	[tilespmem:$0x8A00] =	vst v0  }
0x2d8: {  	[tilespmem:$0x8A10] =	vst v1  }
0x2d9: {  	[hbm4b:s4+s2] =	stream.linear.scatter [tilespmem:s14], [sflag:$0x1], $0x4000, $0x38;
	[tilespmem:$0x8A80] =	vst v63  }
0x2da: {  	_ =	swait.ge [sflag:s10], $0x4000  }
0x2db: {  	[sflag:s10] =	ssyncset.done $0x0  }
0x2dc: {  	[sflag:s10] =	ssyncadd.s32 $0xFFFFC000  }
0x2dd: {  	[hbm4b:s5+s2] =	stream.linear.scatter [tilespmem:s12], [sflag:$0x1], $0x100, $0x38;
	[tilespmem:$0x8A80] =	vst v63  }
0x2de: {  	_ =	swait.ge [sflag:s10], $0x100  }
0x2df: {  	[sflag:s10] =	ssyncset.done $0x0  }
0x2e0: {  	[sflag:s10] =	ssyncadd.s32 $0xFFFFFF00  }
0x2e1: {  	[hbm4b:s6+s2] =	stream.linear.scatter [tilespmem:s13], [sflag:$0x1], $0x100, $0x38;
	[tilespmem:$0x8A80] =	vst v63  }
0x2e2: {  	_ =	swait.ge [sflag:s10], $0x100  }
0x2e3: {  	[sflag:s10] =	ssyncset.done $0x0  }
0x2e4: {  	[sflag:s10] =	ssyncadd.s32 $0xFFFFFF00  }
0x2e5: {  	[hbm4b:s7+s15] =	stream.strided.scatter [tilespmem:s11], [sflag:$0x1], $0x400, s16, s15, $0x38;
	[tilespmem:$0x8A80] =	vst v63  }
0x2e6: {  	s18 =	sadd.s32 $0x1, s18;
	_ =	swait.ge [sflag:s10], $0x400  }
0x2e7: {  	p0 =	sne.s32 s18, s9;
	[sflag:s10] =	ssyncset.done $0x0  }
.Ltmp1:
0x2e8: {  	[sflag:s10] =	ssyncadd.s32 $0xFFFFFC00;
	(pc) =	sbr.rel @p0 .LBB2_1-.Ltmp1, $4  }
0x2e9: {  	[hbm4b:s8+s2] =	stream.linear.scatter [tilespmem:s17], [sflag:$0x1], $0x80, $0x38;
	[tilespmem:$0x8A80] =	vst v63  }
0x2ea: {  	_ =	swait.ge [sflag:s10], $0x80  }
0x2eb: {  	[sflag:s10] =	ssyncset.done $0x0  }
0x2ec: {  	[sflag:s10] =	ssyncadd.s32 $0xFFFFFF80  }
0x2ed: {  	_ =	sfence.sel $0x180000  }
0x2ee: {  	[bflag:$0x0] =	sbarrier.arrive $0xFFFF  }
0x2ef: {  	p0 =	sne.s32 s0, $0x0;
	_ =	strace $0x90000047  }
0x2f0: {  	s0 =	sadd.s32 @!p0 $0x100000, s1;
	[bflag:$0x2] =	sbarrier.arrive $0xFFFF  }
0x2f1: {  	[sflag:s0] =	ssyncadd.tile.s32 @!p0 $0x1;
	_ =	shalt  }
.Lfunc_end2:
_tile_overlayer_lowered:
.L_overlay_start_2:
0x2f2: {  	(tag) =	ssettag $0x2  }
0x2f3: {  	s0 =	rddreg [dreg:$0x0];
	s2 =	stileid.u32  }
0x2f4: {  	s1 =	rddreg [dreg:$0x1];
	p0 =	sne.s32 s2, $0x0  }
0x2f5: {  	s3 =	rddreg [dreg:$0x2];
	[bflag:$0x3] =	sbarrier.arrive $0xFFFF;
	s2 =	simm.s32 @!p0 $0x1C01  }
0x2f6: {  	[timem:s3], [sflag:s2] =	dma.local @!p0 [hbm:s0], s1  }
0x2f7: {  	s0 =	simm.s32 @!p0 $0x1  }
0x2f8: {  	_ =	swait.ge @!p0 [sflag:s0], s1  }
0x2f9: {  	s1 =	ssub.s32 @!p0 $0x0, s1;
	[sflag:s0] =	ssyncset.done @!p0 $0x0  }
0x2fa: {  	[sflag:s0] =	ssyncadd.s32 @!p0 s1  }
0x2fb: {  	[bflag:$0x3] =	sbarrier.arrive $0xFFFF  }
0x2fc: {  	_ =	shalt  }

</sc_bundles>
